<compile_context>
chip_gen: v7x
topology: tpu7x:2x2x1
jax: 0.10.2.dev20260603
libtpu: 0.0.44.dev20260713+nightly
codegen_flags: <defaults>
</compile_context>

<pallas_src>
import functools

import jax
import jax.numpy as jnp
from jax import lax
from jax.experimental import pallas as pl
from jax.experimental.pallas import tpu as pltpu
from jax.experimental.pallas import tpu_sc as plsc

ENT_TOT = 1000000
REL_TOT = 1000
B = 16384
DIM = 64
NC = 2
NS = 16
NW = NC * NS
ROWS_PER_W = B // NW
CHUNK = 128
NCHUNK = ROWS_PER_W // CHUNK
GROUPS = CHUNK // 16
JBLOCK = 8

_F32 = jnp.float32
_MAGIC = 0x5F3759DF


def _rsqrt(x):
    i = plsc.bitcast(x, jnp.int32)
    y = plsc.bitcast(jnp.int32(_MAGIC) - (i >> 1), _F32)
    for _ in range(3):
        y = y * (_F32(1.5) - _F32(0.5) * x * y * y)
    return y


def _sqrt(x):
    return x * _rsqrt(jnp.maximum(x, _F32(1e-30)))


def _sc_body(head_hbm, rel_hbm, tail_hbm, negv_hbm, ent_t, rel_t,
             pos_out, neg_out, dist_out,
             idx_h, idx_r, idx_t, idx_n,
             h_buf, r_buf, t_buf, n_buf,
             pos_b, neg1_b, neg2_b, dist_b, sem):
    cid = lax.axis_index("c")
    sid = lax.axis_index("s")
    wid = sid * NC + cid
    base = wid * ROWS_PER_W
    zero = jnp.zeros((16,), _F32)

    def chunk_body(c, dist_acc):
        cbase = base + c * CHUNK
        pltpu.sync_copy(head_hbm.at[pl.ds(cbase, CHUNK)], idx_h.at[c])
        pltpu.sync_copy(rel_hbm.at[pl.ds(cbase, CHUNK)], idx_r.at[c])
        pltpu.sync_copy(tail_hbm.at[pl.ds(cbase, CHUNK)], idx_t.at[c])
        pltpu.sync_copy(negv_hbm.at[pl.ds(cbase, CHUNK)], idx_n.at[c])

        def gather_block(jb, carry):
            cps = []
            for u in range(JBLOCK):
                j = jb * JBLOCK + u
                cps.append(pltpu.async_copy(
                    ent_t.at[j].at[idx_h.at[c]], h_buf.at[j], sem))
                cps.append(pltpu.async_copy(
                    rel_t.at[j].at[idx_r.at[c]], r_buf.at[j], sem))
                cps.append(pltpu.async_copy(
                    ent_t.at[j].at[idx_t.at[c]], t_buf.at[j], sem))
                cps.append(pltpu.async_copy(
                    ent_t.at[j].at[idx_n.at[c]], n_buf.at[j], sem))
            for cp in cps:
                cp.wait()
            return carry

        lax.fori_loop(0, DIM // JBLOCK, gather_block, 0)

        def group_body(g, d_acc):
            gs = pl.ds(g * 16, 16)

            def norms(j, accs):
                sh_v, st_v, sn_v = accs
                hv = h_buf[j, gs]
                tv = t_buf[j, gs]
                nv = n_buf[j, gs]
                return sh_v + hv * hv, st_v + tv * tv, sn_v + nv * nv

            sh_v, st_v, sn_v = lax.fori_loop(0, DIM, norms,
                                             (zero, zero, zero))
            ihv = _rsqrt(jnp.maximum(sh_v, _F32(1e-24)))
            itv = _rsqrt(jnp.maximum(st_v, _F32(1e-24)))
            iqv = _rsqrt(jnp.maximum(sn_v, _F32(1e-24)))

            def scores(j, accs):
                sp_v, s1_v, s2_v, sd_v = accs
                hk = h_buf[j, gs]
                rk = r_buf[j, gs]
                tk = t_buf[j, gs]
                nk = n_buf[j, gs]
                hn = hk * ihv
                tn = tk * itv
                nn = nk * iqv
                cc = hn + rk
                bb = rk - tn
                pv = cc - tn
                n1 = bb + nn
                n2 = cc - nn
                dv = hk - tk
                return (sp_v + pv * pv, s1_v + n1 * n1,
                        s2_v + n2 * n2, sd_v + dv * dv)

            sp_v, s1_v, s2_v, sd_v = lax.fori_loop(0, DIM, scores,
                                                   (zero, zero, zero, zero))
            pos_b[gs] = -_sqrt(sp_v)
            neg1_b[gs] = -_sqrt(s1_v)
            neg2_b[gs] = -_sqrt(s2_v)
            return d_acc + _sqrt(sd_v)

        dist_acc = lax.fori_loop(0, GROUPS, group_body, dist_acc)

        pltpu.sync_copy(pos_b, pos_out.at[pl.ds(cbase, CHUNK)])
        pltpu.sync_copy(pos_b, pos_out.at[pl.ds(B + cbase, CHUNK)])
        pltpu.sync_copy(neg1_b, neg_out.at[pl.ds(cbase, CHUNK)])
        pltpu.sync_copy(neg2_b, neg_out.at[pl.ds(B + cbase, CHUNK)])
        return dist_acc

    dist_acc = lax.fori_loop(0, NCHUNK, chunk_body, zero)
    dist_b[...] = dist_acc
    pltpu.sync_copy(dist_b, dist_out.at[wid])


@functools.partial(jax.jit, static_argnames=())
def _sc_call(batch_head, batch_rel, batch_tail, batch_negative, ent_t, rel_t):
    mesh = plsc.VectorSubcoreMesh(core_axis_name="c", subcore_axis_name="s",
                                  num_cores=NC, num_subcores=NS)
    f = pl.kernel(
        _sc_body,
        out_type=(
            jax.ShapeDtypeStruct((2 * B,), _F32),
            jax.ShapeDtypeStruct((2 * B,), _F32),
            jax.ShapeDtypeStruct((NW, 16), _F32),
        ),
        mesh=mesh,
        compiler_params=pltpu.CompilerParams(needs_layout_passes=False,
                                             use_tc_tiling_on_sc=False),
        scratch_types=[
            pltpu.VMEM((NCHUNK, CHUNK), jnp.int32),
            pltpu.VMEM((NCHUNK, CHUNK), jnp.int32),
            pltpu.VMEM((NCHUNK, CHUNK), jnp.int32),
            pltpu.VMEM((NCHUNK, CHUNK), jnp.int32),
            pltpu.VMEM((DIM, CHUNK), _F32),
            pltpu.VMEM((DIM, CHUNK), _F32),
            pltpu.VMEM((DIM, CHUNK), _F32),
            pltpu.VMEM((DIM, CHUNK), _F32),
            pltpu.VMEM((CHUNK,), _F32),
            pltpu.VMEM((CHUNK,), _F32),
            pltpu.VMEM((CHUNK,), _F32),
            pltpu.VMEM((16,), _F32),
            pltpu.SemaphoreType.DMA,
        ],
    )
    return f(batch_head, batch_rel, batch_tail, batch_negative, ent_t, rel_t)


def kernel(batch_head, batch_rel, batch_tail, batch_negative, ent_emb, rel_emb):
    pos, neg, dist_parts = _sc_call(batch_head, batch_rel, batch_tail,
                                    batch_negative, ent_emb.T, rel_emb.T)
    return pos, neg, jnp.sum(dist_parts)

# --- scband reference (transcript-rebuilt; emitter-appended) ---
"""Pipeline reference for scband-trans-e-79852031967560 (READ-ONLY COPY).

The authoritative reference and input builder live on the scoring server;
editing this copy changes nothing except your own understanding.
"""

import jax, jax.numpy as jnp
import numpy as np

ENT_TOT = 1000000
REL_TOT = 1000
DIM = 64
B = 16384


def _xavier_uniform(key, shape):
    fan_in, fan_out = shape[0], shape[1]
    limit = float(np.sqrt(6.0 / (fan_in + fan_out)))
    return jax.random.uniform(key, shape, dtype=jnp.float32, minval=-limit, maxval=limit)


def setup_inputs(seed: int = 0) -> dict:
    key = jax.random.key(seed)
    k1, k2, k3, k4, k5, k6 = jax.random.split(key, 6)
    ent_emb = _xavier_uniform(k1, (ENT_TOT, DIM))
    rel_emb = _xavier_uniform(k2, (REL_TOT, DIM))
    batch_head = jax.random.randint(k3, (B,), 0, ENT_TOT, dtype=jnp.int64 if jax.config.jax_enable_x64 else jnp.int32).astype(jnp.int32)
    batch_rel = jax.random.randint(k4, (B,), 0, REL_TOT).astype(jnp.int32)
    batch_tail = jax.random.randint(k5, (B,), 0, ENT_TOT).astype(jnp.int32)
    batch_negative = jax.random.randint(k6, (B,), 0, ENT_TOT).astype(jnp.int32)
    return {
        "batch_head": batch_head,
        "batch_rel": batch_rel,
        "batch_tail": batch_tail,
        "batch_negative": batch_negative,
        "ent_emb": ent_emb,
        "rel_emb": rel_emb,
    }


def _normalize(x, eps=1e-12):
    n = jnp.linalg.norm(x, ord=2, axis=-1, keepdims=True)
    return x / jnp.maximum(n, eps)


def _calc_score_head(h, r, t):
    h = _normalize(h)
    t = _normalize(t)
    score = h + r - t
    return -1.0 * jnp.linalg.norm(score, ord=2, axis=-1)


def _calc_score_tail(h, r, t):
    h = _normalize(h)
    t = _normalize(t)
    score = h + (r - t)
    return -1.0 * jnp.linalg.norm(score, ord=2, axis=-1)


def _calc_dist(h, t):
    dist = h - t
    return jnp.sum(jnp.linalg.norm(dist, ord=2, axis=-1))


def reference(batch_head, batch_rel, batch_tail, batch_negative, ent_emb, rel_emb):
    h = jnp.take(ent_emb, batch_head, axis=0)
    r = jnp.take(rel_emb, batch_rel, axis=0)
    t = jnp.take(ent_emb, batch_tail, axis=0)
    n = jnp.take(ent_emb, batch_negative, axis=0)
    pos_score_1 = _calc_score_head(h, r, t)
    pos_score_2 = _calc_score_tail(h, r, t)
    neg_score_1 = _calc_score_head(n, r, t)
    neg_score_2 = _calc_score_tail(h, r, n)
    pos_score = jnp.concatenate([pos_score_1, pos_score_2], axis=-1)
    neg_score = jnp.concatenate([neg_score_1, neg_score_2], axis=-1)
    dist = _calc_dist(h, t)
    return (pos_score, neg_score, dist)

if __name__ == "__main__":
    import jax
    _d = setup_inputs()
    print(jax.jit(kernel)(*tuple(_d.values())))

</pallas_src>

<mosaic_0001>
#map = affine_map<(d0, d1) -> (0)>
#map1 = affine_map<(d0, d1) -> (0, 0)>
module attributes {stable_mosaic.version = 14 : i64} {
  func.func @_sc_body(%arg0: i32, %arg1: i32, %arg2: memref<16384xi32, #tpu.memory_space<hbm>>, %arg3: memref<16384xi32, #tpu.memory_space<hbm>>, %arg4: memref<16384xi32, #tpu.memory_space<hbm>>, %arg5: memref<16384xi32, #tpu.memory_space<hbm>>, %arg6: memref<64x1000000xf32, #tpu.memory_space<hbm>>, %arg7: memref<64x1000xf32, #tpu.memory_space<hbm>>, %arg8: memref<32768xf32, #tpu.memory_space<hbm>>, %arg9: memref<32768xf32, #tpu.memory_space<hbm>>, %arg10: memref<32x16xf32, #tpu.memory_space<hbm>>, %arg11: memref<4x128xi32, #tpu.memory_space<vmem>>, %arg12: memref<4x128xi32, #tpu.memory_space<vmem>>, %arg13: memref<4x128xi32, #tpu.memory_space<vmem>>, %arg14: memref<4x128xi32, #tpu.memory_space<vmem>>, %arg15: memref<64x128xf32, #tpu.memory_space<vmem>>, %arg16: memref<64x128xf32, #tpu.memory_space<vmem>>, %arg17: memref<64x128xf32, #tpu.memory_space<vmem>>, %arg18: memref<64x128xf32, #tpu.memory_space<vmem>>, %arg19: memref<128xf32, #tpu.memory_space<vmem>>, %arg20: memref<128xf32, #tpu.memory_space<vmem>>, %arg21: memref<128xf32, #tpu.memory_space<vmem>>, %arg22: memref<16xf32, #tpu.memory_space<vmem>>, %arg23: memref<!tpu.dma_semaphore, #tpu.memory_space<semaphore_mem>>) attributes {dimension_semantics = [#tpu.dimension_semantics<core_parallel>, #tpu.dimension_semantics<subcore_parallel>], iteration_bounds = array<i64: 2, 16>, scalar_prefetch = 0 : i64, scratch_operands = 13 : i64, tpu.core_type = #tpu.core_type<sc_vector_subcore>, window_params = [{transform_indices = #map}, {transform_indices = #map}, {transform_indices = #map}, {transform_indices = #map}, {transform_indices = #map1}, {transform_indices = #map1}, {transform_indices = #map}, {transform_indices = #map}, {transform_indices = #map1}]} {
    %mul3A = arith.constant 2 : i32
    %mul3A_0 = arith.muli %arg1, %mul3A : i32
    %add3A = arith.addi %mul3A_0, %arg0 : i32
    %mul3A_1 = arith.constant 512 : i32
    %mul3A_2 = arith.muli %add3A, %mul3A_1 : i32
    %broadcast_in_dim3A = arith.constant 0.000000e+00 : f32
    %broadcast_in_dim3A_3 = vector.broadcast %broadcast_in_dim3A : f32 to vector<16xf32>
    %scan3A = arith.constant 0 : i32
    %scan3A_4 = arith.constant 4 : i32
    %scan3A_5 = arith.addi %scan3A, %scan3A_4 : i32
    %scan3A_6 = arith.constant 1 : i32
    %scan3A_7 = scf.for %scan3A_10 = %scan3A to %scan3A_5 step %scan3A_6 iter_args(%scan3A_11 = %broadcast_in_dim3A_3) -> (vector<16xf32>)  : i32 {
      %mul3A_12 = arith.constant 128 : i32
      %mul3A_13 = arith.muli %scan3A_10, %mul3A_12 : i32
      %add3A_14 = arith.addi %mul3A_2, %mul3A_13 : i32
      "tpu.region"() ({
        %run_scoped3A = tpu.sem_alloc : memref<!tpu.dma_semaphore, #tpu.memory_space<semaphore_mem>>
        %dma_start3A = arith.constant 0 : i32
        %dma_start3A_31 = tpu.memref_slice %arg11[%scan3A_10, %dma_start3A] : memref<4x128xi32, #tpu.memory_space<vmem>> -> memref<1x128xi32, #tpu.memory_space<vmem>>
        %dma_start3A_32 = tpu.memref_squeeze %dma_start3A_31 : memref<1x128xi32, #tpu.memory_space<vmem>> -> memref<128xi32, #tpu.memory_space<vmem>>
        %dma_start3A_33 = tpu.memref_slice %arg2[%add3A_14] : memref<16384xi32, #tpu.memory_space<hbm>> -> memref<128xi32, #tpu.memory_space<hbm>>
        %dma_start3A_34 = arith.constant 0 : i32
        %dma_start3A_35 = tpu.memref_slice %arg11[%scan3A_10, %dma_start3A_34] : memref<4x128xi32, #tpu.memory_space<vmem>> -> memref<1x128xi32, #tpu.memory_space<vmem>>
        %dma_start3A_36 = tpu.memref_squeeze %dma_start3A_35 : memref<1x128xi32, #tpu.memory_space<vmem>> -> memref<128xi32, #tpu.memory_space<vmem>>
        %dma_start3A_37 = tpu.memref_slice %arg2[%add3A_14] : memref<16384xi32, #tpu.memory_space<hbm>> -> memref<128xi32, #tpu.memory_space<hbm>>
        tpu.enqueue_dma source(%dma_start3A_37 : memref<128xi32, #tpu.memory_space<hbm>>) target(%dma_start3A_36 : memref<128xi32, #tpu.memory_space<vmem>>) target_semaphore(%run_scoped3A : memref<!tpu.dma_semaphore, #tpu.memory_space<semaphore_mem>>)
        %dma_wait3A = arith.constant 0 : i32
        %dma_wait3A_38 = tpu.memref_slice %arg11[%scan3A_10, %dma_wait3A] : memref<4x128xi32, #tpu.memory_space<vmem>> -> memref<1x128xi32, #tpu.memory_space<vmem>>
        %dma_wait3A_39 = tpu.memref_squeeze %dma_wait3A_38 : memref<1x128xi32, #tpu.memory_space<vmem>> -> memref<128xi32, #tpu.memory_space<vmem>>
        %dma_wait3A_40 = tpu.memref_slice %arg2[%add3A_14] : memref<16384xi32, #tpu.memory_space<hbm>> -> memref<128xi32, #tpu.memory_space<hbm>>
        %dma_wait3A_41 = arith.constant 0 : i32
        %dma_wait3A_42 = tpu.memref_slice %arg11[%scan3A_10, %dma_wait3A_41] : memref<4x128xi32, #tpu.memory_space<vmem>> -> memref<1x128xi32, #tpu.memory_space<vmem>>
        %dma_wait3A_43 = tpu.memref_squeeze %dma_wait3A_42 : memref<1x128xi32, #tpu.memory_space<vmem>> -> memref<128xi32, #tpu.memory_space<vmem>>
        %dma_wait3A_44 = tpu.memref_slice %arg2[%add3A_14] : memref<16384xi32, #tpu.memory_space<hbm>> -> memref<128xi32, #tpu.memory_space<hbm>>
        tpu.wait_dma2 semaphore(%run_scoped3A : memref<!tpu.dma_semaphore, #tpu.memory_space<semaphore_mem>>) src(%dma_wait3A_44 : memref<128xi32, #tpu.memory_space<hbm>>) dst(%dma_wait3A_43 : memref<128xi32, #tpu.memory_space<vmem>>)
        tpu.yield
      }) : () -> ()
      "tpu.region"() ({
        %run_scoped3A = tpu.sem_alloc : memref<!tpu.dma_semaphore, #tpu.memory_space<semaphore_mem>>
        %dma_start3A = arith.constant 0 : i32
        %dma_start3A_31 = tpu.memref_slice %arg12[%scan3A_10, %dma_start3A] : memref<4x128xi32, #tpu.memory_space<vmem>> -> memref<1x128xi32, #tpu.memory_space<vmem>>
        %dma_start3A_32 = tpu.memref_squeeze %dma_start3A_31 : memref<1x128xi32, #tpu.memory_space<vmem>> -> memref<128xi32, #tpu.memory_space<vmem>>
        %dma_start3A_33 = tpu.memref_slice %arg3[%add3A_14] : memref<16384xi32, #tpu.memory_space<hbm>> -> memref<128xi32, #tpu.memory_space<hbm>>
        %dma_start3A_34 = arith.constant 0 : i32
        %dma_start3A_35 = tpu.memref_slice %arg12[%scan3A_10, %dma_start3A_34] : memref<4x128xi32, #tpu.memory_space<vmem>> -> memref<1x128xi32, #tpu.memory_space<vmem>>
        %dma_start3A_36 = tpu.memref_squeeze %dma_start3A_35 : memref<1x128xi32, #tpu.memory_space<vmem>> -> memref<128xi32, #tpu.memory_space<vmem>>
        %dma_start3A_37 = tpu.memref_slice %arg3[%add3A_14] : memref<16384xi32, #tpu.memory_space<hbm>> -> memref<128xi32, #tpu.memory_space<hbm>>
        tpu.enqueue_dma source(%dma_start3A_37 : memref<128xi32, #tpu.memory_space<hbm>>) target(%dma_start3A_36 : memref<128xi32, #tpu.memory_space<vmem>>) target_semaphore(%run_scoped3A : memref<!tpu.dma_semaphore, #tpu.memory_space<semaphore_mem>>)
        %dma_wait3A = arith.constant 0 : i32
        %dma_wait3A_38 = tpu.memref_slice %arg12[%scan3A_10, %dma_wait3A] : memref<4x128xi32, #tpu.memory_space<vmem>> -> memref<1x128xi32, #tpu.memory_space<vmem>>
        %dma_wait3A_39 = tpu.memref_squeeze %dma_wait3A_38 : memref<1x128xi32, #tpu.memory_space<vmem>> -> memref<128xi32, #tpu.memory_space<vmem>>
        %dma_wait3A_40 = tpu.memref_slice %arg3[%add3A_14] : memref<16384xi32, #tpu.memory_space<hbm>> -> memref<128xi32, #tpu.memory_space<hbm>>
        %dma_wait3A_41 = arith.constant 0 : i32
        %dma_wait3A_42 = tpu.memref_slice %arg12[%scan3A_10, %dma_wait3A_41] : memref<4x128xi32, #tpu.memory_space<vmem>> -> memref<1x128xi32, #tpu.memory_space<vmem>>
        %dma_wait3A_43 = tpu.memref_squeeze %dma_wait3A_42 : memref<1x128xi32, #tpu.memory_space<vmem>> -> memref<128xi32, #tpu.memory_space<vmem>>
        %dma_wait3A_44 = tpu.memref_slice %arg3[%add3A_14] : memref<16384xi32, #tpu.memory_space<hbm>> -> memref<128xi32, #tpu.memory_space<hbm>>
        tpu.wait_dma2 semaphore(%run_scoped3A : memref<!tpu.dma_semaphore, #tpu.memory_space<semaphore_mem>>) src(%dma_wait3A_44 : memref<128xi32, #tpu.memory_space<hbm>>) dst(%dma_wait3A_43 : memref<128xi32, #tpu.memory_space<vmem>>)
        tpu.yield
      }) : () -> ()
      "tpu.region"() ({
        %run_scoped3A = tpu.sem_alloc : memref<!tpu.dma_semaphore, #tpu.memory_space<semaphore_mem>>
        %dma_start3A = arith.constant 0 : i32
        %dma_start3A_31 = tpu.memref_slice %arg13[%scan3A_10, %dma_start3A] : memref<4x128xi32, #tpu.memory_space<vmem>> -> memref<1x128xi32, #tpu.memory_space<vmem>>
        %dma_start3A_32 = tpu.memref_squeeze %dma_start3A_31 : memref<1x128xi32, #tpu.memory_space<vmem>> -> memref<128xi32, #tpu.memory_space<vmem>>
        %dma_start3A_33 = tpu.memref_slice %arg4[%add3A_14] : memref<16384xi32, #tpu.memory_space<hbm>> -> memref<128xi32, #tpu.memory_space<hbm>>
        %dma_start3A_34 = arith.constant 0 : i32
        %dma_start3A_35 = tpu.memref_slice %arg13[%scan3A_10, %dma_start3A_34] : memref<4x128xi32, #tpu.memory_space<vmem>> -> memref<1x128xi32, #tpu.memory_space<vmem>>
        %dma_start3A_36 = tpu.memref_squeeze %dma_start3A_35 : memref<1x128xi32, #tpu.memory_space<vmem>> -> memref<128xi32, #tpu.memory_space<vmem>>
        %dma_start3A_37 = tpu.memref_slice %arg4[%add3A_14] : memref<16384xi32, #tpu.memory_space<hbm>> -> memref<128xi32, #tpu.memory_space<hbm>>
        tpu.enqueue_dma source(%dma_start3A_37 : memref<128xi32, #tpu.memory_space<hbm>>) target(%dma_start3A_36 : memref<128xi32, #tpu.memory_space<vmem>>) target_semaphore(%run_scoped3A : memref<!tpu.dma_semaphore, #tpu.memory_space<semaphore_mem>>)
        %dma_wait3A = arith.constant 0 : i32
        %dma_wait3A_38 = tpu.memref_slice %arg13[%scan3A_10, %dma_wait3A] : memref<4x128xi32, #tpu.memory_space<vmem>> -> memref<1x128xi32, #tpu.memory_space<vmem>>
        %dma_wait3A_39 = tpu.memref_squeeze %dma_wait3A_38 : memref<1x128xi32, #tpu.memory_space<vmem>> -> memref<128xi32, #tpu.memory_space<vmem>>
        %dma_wait3A_40 = tpu.memref_slice %arg4[%add3A_14] : memref<16384xi32, #tpu.memory_space<hbm>> -> memref<128xi32, #tpu.memory_space<hbm>>
        %dma_wait3A_41 = arith.constant 0 : i32
        %dma_wait3A_42 = tpu.memref_slice %arg13[%scan3A_10, %dma_wait3A_41] : memref<4x128xi32, #tpu.memory_space<vmem>> -> memref<1x128xi32, #tpu.memory_space<vmem>>
        %dma_wait3A_43 = tpu.memref_squeeze %dma_wait3A_42 : memref<1x128xi32, #tpu.memory_space<vmem>> -> memref<128xi32, #tpu.memory_space<vmem>>
        %dma_wait3A_44 = tpu.memref_slice %arg4[%add3A_14] : memref<16384xi32, #tpu.memory_space<hbm>> -> memref<128xi32, #tpu.memory_space<hbm>>
        tpu.wait_dma2 semaphore(%run_scoped3A : memref<!tpu.dma_semaphore, #tpu.memory_space<semaphore_mem>>) src(%dma_wait3A_44 : memref<128xi32, #tpu.memory_space<hbm>>) dst(%dma_wait3A_43 : memref<128xi32, #tpu.memory_space<vmem>>)
        tpu.yield
      }) : () -> ()
      "tpu.region"() ({
        %run_scoped3A = tpu.sem_alloc : memref<!tpu.dma_semaphore, #tpu.memory_space<semaphore_mem>>
        %dma_start3A = arith.constant 0 : i32
        %dma_start3A_31 = tpu.memref_slice %arg14[%scan3A_10, %dma_start3A] : memref<4x128xi32, #tpu.memory_space<vmem>> -> memref<1x128xi32, #tpu.memory_space<vmem>>
        %dma_start3A_32 = tpu.memref_squeeze %dma_start3A_31 : memref<1x128xi32, #tpu.memory_space<vmem>> -> memref<128xi32, #tpu.memory_space<vmem>>
        %dma_start3A_33 = tpu.memref_slice %arg5[%add3A_14] : memref<16384xi32, #tpu.memory_space<hbm>> -> memref<128xi32, #tpu.memory_space<hbm>>
        %dma_start3A_34 = arith.constant 0 : i32
        %dma_start3A_35 = tpu.memref_slice %arg14[%scan3A_10, %dma_start3A_34] : memref<4x128xi32, #tpu.memory_space<vmem>> -> memref<1x128xi32, #tpu.memory_space<vmem>>
        %dma_start3A_36 = tpu.memref_squeeze %dma_start3A_35 : memref<1x128xi32, #tpu.memory_space<vmem>> -> memref<128xi32, #tpu.memory_space<vmem>>
        %dma_start3A_37 = tpu.memref_slice %arg5[%add3A_14] : memref<16384xi32, #tpu.memory_space<hbm>> -> memref<128xi32, #tpu.memory_space<hbm>>
        tpu.enqueue_dma source(%dma_start3A_37 : memref<128xi32, #tpu.memory_space<hbm>>) target(%dma_start3A_36 : memref<128xi32, #tpu.memory_space<vmem>>) target_semaphore(%run_scoped3A : memref<!tpu.dma_semaphore, #tpu.memory_space<semaphore_mem>>)
        %dma_wait3A = arith.constant 0 : i32
        %dma_wait3A_38 = tpu.memref_slice %arg14[%scan3A_10, %dma_wait3A] : memref<4x128xi32, #tpu.memory_space<vmem>> -> memref<1x128xi32, #tpu.memory_space<vmem>>
        %dma_wait3A_39 = tpu.memref_squeeze %dma_wait3A_38 : memref<1x128xi32, #tpu.memory_space<vmem>> -> memref<128xi32, #tpu.memory_space<vmem>>
        %dma_wait3A_40 = tpu.memref_slice %arg5[%add3A_14] : memref<16384xi32, #tpu.memory_space<hbm>> -> memref<128xi32, #tpu.memory_space<hbm>>
        %dma_wait3A_41 = arith.constant 0 : i32
        %dma_wait3A_42 = tpu.memref_slice %arg14[%scan3A_10, %dma_wait3A_41] : memref<4x128xi32, #tpu.memory_space<vmem>> -> memref<1x128xi32, #tpu.memory_space<vmem>>
        %dma_wait3A_43 = tpu.memref_squeeze %dma_wait3A_42 : memref<1x128xi32, #tpu.memory_space<vmem>> -> memref<128xi32, #tpu.memory_space<vmem>>
        %dma_wait3A_44 = tpu.memref_slice %arg5[%add3A_14] : memref<16384xi32, #tpu.memory_space<hbm>> -> memref<128xi32, #tpu.memory_space<hbm>>
        tpu.wait_dma2 semaphore(%run_scoped3A : memref<!tpu.dma_semaphore, #tpu.memory_space<semaphore_mem>>) src(%dma_wait3A_44 : memref<128xi32, #tpu.memory_space<hbm>>) dst(%dma_wait3A_43 : memref<128xi32, #tpu.memory_space<vmem>>)
        tpu.yield
      }) : () -> ()
      %scan3A_15 = arith.constant 0 : i32
      %scan3A_16 = arith.constant 0 : i32
      %scan3A_17 = arith.constant 8 : i32
      %scan3A_18 = arith.addi %scan3A_16, %scan3A_17 : i32
      %scan3A_19 = arith.constant 1 : i32
      scf.for %scan3A_31 = %scan3A_16 to %scan3A_18 step %scan3A_19  : i32 {
        %mul3A_32 = arith.constant 8 : i32
        %mul3A_33 = arith.muli %scan3A_31, %mul3A_32 : i32
        %add3A_34 = arith.constant 0 : i32
        %add3A_35 = arith.addi %mul3A_33, %add3A_34 : i32
        %dma_start3A = arith.constant 0 : i32
        %dma_start3A_36 = tpu.memref_slice %arg15[%add3A_35, %dma_start3A] : memref<64x128xf32, #tpu.memory_space<vmem>> -> memref<1x128xf32, #tpu.memory_space<vmem>>
        %dma_start3A_37 = tpu.memref_squeeze %dma_start3A_36 : memref<1x128xf32, #tpu.memory_space<vmem>> -> memref<128xf32, #tpu.memory_space<vmem>>
        %dma_start3A_38 = arith.constant 0 : i32
        %dma_start3A_39 = tpu.memref_slice %arg11[%scan3A_10, %dma_start3A_38] : memref<4x128xi32, #tpu.memory_space<vmem>> -> memref<1x128xi32, #tpu.memory_space<vmem>>
        %dma_start3A_40 = tpu.memref_squeeze %dma_start3A_39 : memref<1x128xi32, #tpu.memory_space<vmem>> -> memref<128xi32, #tpu.memory_space<vmem>>
        %dma_start3A_41 = arith.constant 0 : i32
        %dma_start3A_42 = tpu.memref_slice %arg6[%add3A_35, %dma_start3A_41] : memref<64x1000000xf32, #tpu.memory_space<hbm>> -> memref<1x1000000xf32, #tpu.memory_space<hbm>>
        %dma_start3A_43 = tpu.memref_squeeze %dma_start3A_42 : memref<1x1000000xf32, #tpu.memory_space<hbm>> -> memref<1000000xf32, #tpu.memory_space<hbm>>
        %dma_start3A_44 = arith.constant 0 : i32
        %dma_start3A_45 = tpu.memref_slice %dma_start3A_43[%dma_start3A_44] : memref<1000000xf32, #tpu.memory_space<hbm>> -> memref<1000000xf32, #tpu.memory_space<hbm>>
        tpu.enqueue_indirect_dma source(%dma_start3A_45 : memref<1000000xf32, #tpu.memory_space<hbm>>) target(%dma_start3A_37 : memref<128xf32, #tpu.memory_space<vmem>>) offsets(%dma_start3A_40 : memref<128xi32, #tpu.memory_space<vmem>>) semaphore(%arg23 : memref<!tpu.dma_semaphore, #tpu.memory_space<semaphore_mem>>)
        %dma_start3A_46 = arith.constant 0 : i32
        %dma_start3A_47 = tpu.memref_slice %arg16[%add3A_35, %dma_start3A_46] : memref<64x128xf32, #tpu.memory_space<vmem>> -> memref<1x128xf32, #tpu.memory_space<vmem>>
        %dma_start3A_48 = tpu.memref_squeeze %dma_start3A_47 : memref<1x128xf32, #tpu.memory_space<vmem>> -> memref<128xf32, #tpu.memory_space<vmem>>
        %dma_start3A_49 = arith.constant 0 : i32
        %dma_start3A_50 = tpu.memref_slice %arg12[%scan3A_10, %dma_start3A_49] : memref<4x128xi32, #tpu.memory_space<vmem>> -> memref<1x128xi32, #tpu.memory_space<vmem>>
        %dma_start3A_51 = tpu.memref_squeeze %dma_start3A_50 : memref<1x128xi32, #tpu.memory_space<vmem>> -> memref<128xi32, #tpu.memory_space<vmem>>
        %dma_start3A_52 = arith.constant 0 : i32
        %dma_start3A_53 = tpu.memref_slice %arg7[%add3A_35, %dma_start3A_52] : memref<64x1000xf32, #tpu.memory_space<hbm>> -> memref<1x1000xf32, #tpu.memory_space<hbm>>
        %dma_start3A_54 = tpu.memref_squeeze %dma_start3A_53 : memref<1x1000xf32, #tpu.memory_space<hbm>> -> memref<1000xf32, #tpu.memory_space<hbm>>
        %dma_start3A_55 = arith.constant 0 : i32
        %dma_start3A_56 = tpu.memref_slice %dma_start3A_54[%dma_start3A_55] : memref<1000xf32, #tpu.memory_space<hbm>> -> memref<1000xf32, #tpu.memory_space<hbm>>
        tpu.enqueue_indirect_dma source(%dma_start3A_56 : memref<1000xf32, #tpu.memory_space<hbm>>) target(%dma_start3A_48 : memref<128xf32, #tpu.memory_space<vmem>>) offsets(%dma_start3A_51 : memref<128xi32, #tpu.memory_space<vmem>>) semaphore(%arg23 : memref<!tpu.dma_semaphore, #tpu.memory_space<semaphore_mem>>)
        %dma_start3A_57 = arith.constant 0 : i32
        %dma_start3A_58 = tpu.memref_slice %arg17[%add3A_35, %dma_start3A_57] : memref<64x128xf32, #tpu.memory_space<vmem>> -> memref<1x128xf32, #tpu.memory_space<vmem>>
        %dma_start3A_59 = tpu.memref_squeeze %dma_start3A_58 : memref<1x128xf32, #tpu.memory_space<vmem>> -> memref<128xf32, #tpu.memory_space<vmem>>
        %dma_start3A_60 = arith.constant 0 : i32
        %dma_start3A_61 = tpu.memref_slice %arg13[%scan3A_10, %dma_start3A_60] : memref<4x128xi32, #tpu.memory_space<vmem>> -> memref<1x128xi32, #tpu.memory_space<vmem>>
        %dma_start3A_62 = tpu.memref_squeeze %dma_start3A_61 : memref<1x128xi32, #tpu.memory_space<vmem>> -> memref<128xi32, #tpu.memory_space<vmem>>
        %dma_start3A_63 = arith.constant 0 : i32
        %dma_start3A_64 = tpu.memref_slice %arg6[%add3A_35, %dma_start3A_63] : memref<64x1000000xf32, #tpu.memory_space<hbm>> -> memref<1x1000000xf32, #tpu.memory_space<hbm>>
        %dma_start3A_65 = tpu.memref_squeeze %dma_start3A_64 : memref<1x1000000xf32, #tpu.memory_space<hbm>> -> memref<1000000xf32, #tpu.memory_space<hbm>>
        %dma_start3A_66 = arith.constant 0 : i32
        %dma_start3A_67 = tpu.memref_slice %dma_start3A_65[%dma_start3A_66] : memref<1000000xf32, #tpu.memory_space<hbm>> -> memref<1000000xf32, #tpu.memory_space<hbm>>
        tpu.enqueue_indirect_dma source(%dma_start3A_67 : memref<1000000xf32, #tpu.memory_space<hbm>>) target(%dma_start3A_59 : memref<128xf32, #tpu.memory_space<vmem>>) offsets(%dma_start3A_62 : memref<128xi32, #tpu.memory_space<vmem>>) semaphore(%arg23 : memref<!tpu.dma_semaphore, #tpu.memory_space<semaphore_mem>>)
        %dma_start3A_68 = arith.constant 0 : i32
        %dma_start3A_69 = tpu.memref_slice %arg18[%add3A_35, %dma_start3A_68] : memref<64x128xf32, #tpu.memory_space<vmem>> -> memref<1x128xf32, #tpu.memory_space<vmem>>
        %dma_start3A_70 = tpu.memref_squeeze %dma_start3A_69 : memref<1x128xf32, #tpu.memory_space<vmem>> -> memref<128xf32, #tpu.memory_space<vmem>>
        %dma_start3A_71 = arith.constant 0 : i32
        %dma_start3A_72 = tpu.memref_slice %arg14[%scan3A_10, %dma_start3A_71] : memref<4x128xi32, #tpu.memory_space<vmem>> -> memref<1x128xi32, #tpu.memory_space<vmem>>
        %dma_start3A_73 = tpu.memref_squeeze %dma_start3A_72 : memref<1x128xi32, #tpu.memory_space<vmem>> -> memref<128xi32, #tpu.memory_space<vmem>>
        %dma_start3A_74 = arith.constant 0 : i32
        %dma_start3A_75 = tpu.memref_slice %arg6[%add3A_35, %dma_start3A_74] : memref<64x1000000xf32, #tpu.memory_space<hbm>> -> memref<1x1000000xf32, #tpu.memory_space<hbm>>
        %dma_start3A_76 = tpu.memref_squeeze %dma_start3A_75 : memref<1x1000000xf32, #tpu.memory_space<hbm>> -> memref<1000000xf32, #tpu.memory_space<hbm>>
        %dma_start3A_77 = arith.constant 0 : i32
        %dma_start3A_78 = tpu.memref_slice %dma_start3A_76[%dma_start3A_77] : memref<1000000xf32, #tpu.memory_space<hbm>> -> memref<1000000xf32, #tpu.memory_space<hbm>>
        tpu.enqueue_indirect_dma source(%dma_start3A_78 : memref<1000000xf32, #tpu.memory_space<hbm>>) target(%dma_start3A_70 : memref<128xf32, #tpu.memory_space<vmem>>) offsets(%dma_start3A_73 : memref<128xi32, #tpu.memory_space<vmem>>) semaphore(%arg23 : memref<!tpu.dma_semaphore, #tpu.memory_space<semaphore_mem>>)
        %mul3A_79 = arith.constant 8 : i32
        %mul3A_80 = arith.muli %scan3A_31, %mul3A_79 : i32
        %add3A_81 = arith.constant 1 : i32
        %add3A_82 = arith.addi %mul3A_80, %add3A_81 : i32
        %dma_start3A_83 = arith.constant 0 : i32
        %dma_start3A_84 = tpu.memref_slice %arg15[%add3A_82, %dma_start3A_83] : memref<64x128xf32, #tpu.memory_space<vmem>> -> memref<1x128xf32, #tpu.memory_space<vmem>>
        %dma_start3A_85 = tpu.memref_squeeze %dma_start3A_84 : memref<1x128xf32, #tpu.memory_space<vmem>> -> memref<128xf32, #tpu.memory_space<vmem>>
        %dma_start3A_86 = arith.constant 0 : i32
        %dma_start3A_87 = tpu.memref_slice %arg11[%scan3A_10, %dma_start3A_86] : memref<4x128xi32, #tpu.memory_space<vmem>> -> memref<1x128xi32, #tpu.memory_space<vmem>>
        %dma_start3A_88 = tpu.memref_squeeze %dma_start3A_87 : memref<1x128xi32, #tpu.memory_space<vmem>> -> memref<128xi32, #tpu.memory_space<vmem>>
        %dma_start3A_89 = arith.constant 0 : i32
        %dma_start3A_90 = tpu.memref_slice %arg6[%add3A_82, %dma_start3A_89] : memref<64x1000000xf32, #tpu.memory_space<hbm>> -> memref<1x1000000xf32, #tpu.memory_space<hbm>>
        %dma_start3A_91 = tpu.memref_squeeze %dma_start3A_90 : memref<1x1000000xf32, #tpu.memory_space<hbm>> -> memref<1000000xf32, #tpu.memory_space<hbm>>
        %dma_start3A_92 = arith.constant 0 : i32
        %dma_start3A_93 = tpu.memref_slice %dma_start3A_91[%dma_start3A_92] : memref<1000000xf32, #tpu.memory_space<hbm>> -> memref<1000000xf32, #tpu.memory_space<hbm>>
        tpu.enqueue_indirect_dma source(%dma_start3A_93 : memref<1000000xf32, #tpu.memory_space<hbm>>) target(%dma_start3A_85 : memref<128xf32, #tpu.memory_space<vmem>>) offsets(%dma_start3A_88 : memref<128xi32, #tpu.memory_space<vmem>>) semaphore(%arg23 : memref<!tpu.dma_semaphore, #tpu.memory_space<semaphore_mem>>)
        %dma_start3A_94 = arith.constant 0 : i32
        %dma_start3A_95 = tpu.memref_slice %arg16[%add3A_82, %dma_start3A_94] : memref<64x128xf32, #tpu.memory_space<vmem>> -> memref<1x128xf32, #tpu.memory_space<vmem>>
        %dma_start3A_96 = tpu.memref_squeeze %dma_start3A_95 : memref<1x128xf32, #tpu.memory_space<vmem>> -> memref<128xf32, #tpu.memory_space<vmem>>
        %dma_start3A_97 = arith.constant 0 : i32
        %dma_start3A_98 = tpu.memref_slice %arg12[%scan3A_10, %dma_start3A_97] : memref<4x128xi32, #tpu.memory_space<vmem>> -> memref<1x128xi32, #tpu.memory_space<vmem>>
        %dma_start3A_99 = tpu.memref_squeeze %dma_start3A_98 : memref<1x128xi32, #tpu.memory_space<vmem>> -> memref<128xi32, #tpu.memory_space<vmem>>
        %dma_start3A_100 = arith.constant 0 : i32
        %dma_start3A_101 = tpu.memref_slice %arg7[%add3A_82, %dma_start3A_100] : memref<64x1000xf32, #tpu.memory_space<hbm>> -> memref<1x1000xf32, #tpu.memory_space<hbm>>
        %dma_start3A_102 = tpu.memref_squeeze %dma_start3A_101 : memref<1x1000xf32, #tpu.memory_space<hbm>> -> memref<1000xf32, #tpu.memory_space<hbm>>
        %dma_start3A_103 = arith.constant 0 : i32
        %dma_start3A_104 = tpu.memref_slice %dma_start3A_102[%dma_start3A_103] : memref<1000xf32, #tpu.memory_space<hbm>> -> memref<1000xf32, #tpu.memory_space<hbm>>
        tpu.enqueue_indirect_dma source(%dma_start3A_104 : memref<1000xf32, #tpu.memory_space<hbm>>) target(%dma_start3A_96 : memref<128xf32, #tpu.memory_space<vmem>>) offsets(%dma_start3A_99 : memref<128xi32, #tpu.memory_space<vmem>>) semaphore(%arg23 : memref<!tpu.dma_semaphore, #tpu.memory_space<semaphore_mem>>)
        %dma_start3A_105 = arith.constant 0 : i32
        %dma_start3A_106 = tpu.memref_slice %arg17[%add3A_82, %dma_start3A_105] : memref<64x128xf32, #tpu.memory_space<vmem>> -> memref<1x128xf32, #tpu.memory_space<vmem>>
        %dma_start3A_107 = tpu.memref_squeeze %dma_start3A_106 : memref<1x128xf32, #tpu.memory_space<vmem>> -> memref<128xf32, #tpu.memory_space<vmem>>
        %dma_start3A_108 = arith.constant 0 : i32
        %dma_start3A_109 = tpu.memref_slice %arg13[%scan3A_10, %dma_start3A_108] : memref<4x128xi32, #tpu.memory_space<vmem>> -> memref<1x128xi32, #tpu.memory_space<vmem>>
        %dma_start3A_110 = tpu.memref_squeeze %dma_start3A_109 : memref<1x128xi32, #tpu.memory_space<vmem>> -> memref<128xi32, #tpu.memory_space<vmem>>
        %dma_start3A_111 = arith.constant 0 : i32
        %dma_start3A_112 = tpu.memref_slice %arg6[%add3A_82, %dma_start3A_111] : memref<64x1000000xf32, #tpu.memory_space<hbm>> -> memref<1x1000000xf32, #tpu.memory_space<hbm>>
        %dma_start3A_113 = tpu.memref_squeeze %dma_start3A_112 : memref<1x1000000xf32, #tpu.memory_space<hbm>> -> memref<1000000xf32, #tpu.memory_space<hbm>>
        %dma_start3A_114 = arith.constant 0 : i32
        %dma_start3A_115 = tpu.memref_slice %dma_start3A_113[%dma_start3A_114] : memref<1000000xf32, #tpu.memory_space<hbm>> -> memref<1000000xf32, #tpu.memory_space<hbm>>
        tpu.enqueue_indirect_dma source(%dma_start3A_115 : memref<1000000xf32, #tpu.memory_space<hbm>>) target(%dma_start3A_107 : memref<128xf32, #tpu.memory_space<vmem>>) offsets(%dma_start3A_110 : memref<128xi32, #tpu.memory_space<vmem>>) semaphore(%arg23 : memref<!tpu.dma_semaphore, #tpu.memory_space<semaphore_mem>>)
        %dma_start3A_116 = arith.constant 0 : i32
        %dma_start3A_117 = tpu.memref_slice %arg18[%add3A_82, %dma_start3A_116] : memref<64x128xf32, #tpu.memory_space<vmem>> -> memref<1x128xf32, #tpu.memory_space<vmem>>
        %dma_start3A_118 = tpu.memref_squeeze %dma_start3A_117 : memref<1x128xf32, #tpu.memory_space<vmem>> -> memref<128xf32, #tpu.memory_space<vmem>>
        %dma_start3A_119 = arith.constant 0 : i32
        %dma_start3A_120 = tpu.memref_slice %arg14[%scan3A_10, %dma_start3A_119] : memref<4x128xi32, #tpu.memory_space<vmem>> -> memref<1x128xi32, #tpu.memory_space<vmem>>
        %dma_start3A_121 = tpu.memref_squeeze %dma_start3A_120 : memref<1x128xi32, #tpu.memory_space<vmem>> -> memref<128xi32, #tpu.memory_space<vmem>>
        %dma_start3A_122 = arith.constant 0 : i32
        %dma_start3A_123 = tpu.memref_slice %arg6[%add3A_82, %dma_start3A_122] : memref<64x1000000xf32, #tpu.memory_space<hbm>> -> memref<1x1000000xf32, #tpu.memory_space<hbm>>
        %dma_start3A_124 = tpu.memref_squeeze %dma_start3A_123 : memref<1x1000000xf32, #tpu.memory_space<hbm>> -> memref<1000000xf32, #tpu.memory_space<hbm>>
        %dma_start3A_125 = arith.constant 0 : i32
        %dma_start3A_126 = tpu.memref_slice %dma_start3A_124[%dma_start3A_125] : memref<1000000xf32, #tpu.memory_space<hbm>> -> memref<1000000xf32, #tpu.memory_space<hbm>>
        tpu.enqueue_indirect_dma source(%dma_start3A_126 : memref<1000000xf32, #tpu.memory_space<hbm>>) target(%dma_start3A_118 : memref<128xf32, #tpu.memory_space<vmem>>) offsets(%dma_start3A_121 : memref<128xi32, #tpu.memory_space<vmem>>) semaphore(%arg23 : memref<!tpu.dma_semaphore, #tpu.memory_space<semaphore_mem>>)
        %mul3A_127 = arith.constant 8 : i32
        %mul3A_128 = arith.muli %scan3A_31, %mul3A_127 : i32
        %add3A_129 = arith.constant 2 : i32
        %add3A_130 = arith.addi %mul3A_128, %add3A_129 : i32
        %dma_start3A_131 = arith.constant 0 : i32
        %dma_start3A_132 = tpu.memref_slice %arg15[%add3A_130, %dma_start3A_131] : memref<64x128xf32, #tpu.memory_space<vmem>> -> memref<1x128xf32, #tpu.memory_space<vmem>>
        %dma_start3A_133 = tpu.memref_squeeze %dma_start3A_132 : memref<1x128xf32, #tpu.memory_space<vmem>> -> memref<128xf32, #tpu.memory_space<vmem>>
        %dma_start3A_134 = arith.constant 0 : i32
        %dma_start3A_135 = tpu.memref_slice %arg11[%scan3A_10, %dma_start3A_134] : memref<4x128xi32, #tpu.memory_space<vmem>> -> memref<1x128xi32, #tpu.memory_space<vmem>>
        %dma_start3A_136 = tpu.memref_squeeze %dma_start3A_135 : memref<1x128xi32, #tpu.memory_space<vmem>> -> memref<128xi32, #tpu.memory_space<vmem>>
        %dma_start3A_137 = arith.constant 0 : i32
        %dma_start3A_138 = tpu.memref_slice %arg6[%add3A_130, %dma_start3A_137] : memref<64x1000000xf32, #tpu.memory_space<hbm>> -> memref<1x1000000xf32, #tpu.memory_space<hbm>>
        %dma_start3A_139 = tpu.memref_squeeze %dma_start3A_138 : memref<1x1000000xf32, #tpu.memory_space<hbm>> -> memref<1000000xf32, #tpu.memory_space<hbm>>
        %dma_start3A_140 = arith.constant 0 : i32
        %dma_start3A_141 = tpu.memref_slice %dma_start3A_139[%dma_start3A_140] : memref<1000000xf32, #tpu.memory_space<hbm>> -> memref<1000000xf32, #tpu.memory_space<hbm>>
        tpu.enqueue_indirect_dma source(%dma_start3A_141 : memref<1000000xf32, #tpu.memory_space<hbm>>) target(%dma_start3A_133 : memref<128xf32, #tpu.memory_space<vmem>>) offsets(%dma_start3A_136 : memref<128xi32, #tpu.memory_space<vmem>>) semaphore(%arg23 : memref<!tpu.dma_semaphore, #tpu.memory_space<semaphore_mem>>)
        %dma_start3A_142 = arith.constant 0 : i32
        %dma_start3A_143 = tpu.memref_slice %arg16[%add3A_130, %dma_start3A_142] : memref<64x128xf32, #tpu.memory_space<vmem>> -> memref<1x128xf32, #tpu.memory_space<vmem>>
        %dma_start3A_144 = tpu.memref_squeeze %dma_start3A_143 : memref<1x128xf32, #tpu.memory_space<vmem>> -> memref<128xf32, #tpu.memory_space<vmem>>
        %dma_start3A_145 = arith.constant 0 : i32
        %dma_start3A_146 = tpu.memref_slice %arg12[%scan3A_10, %dma_start3A_145] : memref<4x128xi32, #tpu.memory_space<vmem>> -> memref<1x128xi32, #tpu.memory_space<vmem>>
        %dma_start3A_147 = tpu.memref_squeeze %dma_start3A_146 : memref<1x128xi32, #tpu.memory_space<vmem>> -> memref<128xi32, #tpu.memory_space<vmem>>
        %dma_start3A_148 = arith.constant 0 : i32
        %dma_start3A_149 = tpu.memref_slice %arg7[%add3A_130, %dma_start3A_148] : memref<64x1000xf32, #tpu.memory_space<hbm>> -> memref<1x1000xf32, #tpu.memory_space<hbm>>
        %dma_start3A_150 = tpu.memref_squeeze %dma_start3A_149 : memref<1x1000xf32, #tpu.memory_space<hbm>> -> memref<1000xf32, #tpu.memory_space<hbm>>
        %dma_start3A_151 = arith.constant 0 : i32
        %dma_start3A_152 = tpu.memref_slice %dma_start3A_150[%dma_start3A_151] : memref<1000xf32, #tpu.memory_space<hbm>> -> memref<1000xf32, #tpu.memory_space<hbm>>
        tpu.enqueue_indirect_dma source(%dma_start3A_152 : memref<1000xf32, #tpu.memory_space<hbm>>) target(%dma_start3A_144 : memref<128xf32, #tpu.memory_space<vmem>>) offsets(%dma_start3A_147 : memref<128xi32, #tpu.memory_space<vmem>>) semaphore(%arg23 : memref<!tpu.dma_semaphore, #tpu.memory_space<semaphore_mem>>)
        %dma_start3A_153 = arith.constant 0 : i32
        %dma_start3A_154 = tpu.memref_slice %arg17[%add3A_130, %dma_start3A_153] : memref<64x128xf32, #tpu.memory_space<vmem>> -> memref<1x128xf32, #tpu.memory_space<vmem>>
        %dma_start3A_155 = tpu.memref_squeeze %dma_start3A_154 : memref<1x128xf32, #tpu.memory_space<vmem>> -> memref<128xf32, #tpu.memory_space<vmem>>
        %dma_start3A_156 = arith.constant 0 : i32
        %dma_start3A_157 = tpu.memref_slice %arg13[%scan3A_10, %dma_start3A_156] : memref<4x128xi32, #tpu.memory_space<vmem>> -> memref<1x128xi32, #tpu.memory_space<vmem>>
        %dma_start3A_158 = tpu.memref_squeeze %dma_start3A_157 : memref<1x128xi32, #tpu.memory_space<vmem>> -> memref<128xi32, #tpu.memory_space<vmem>>
        %dma_start3A_159 = arith.constant 0 : i32
        %dma_start3A_160 = tpu.memref_slice %arg6[%add3A_130, %dma_start3A_159] : memref<64x1000000xf32, #tpu.memory_space<hbm>> -> memref<1x1000000xf32, #tpu.memory_space<hbm>>
        %dma_start3A_161 = tpu.memref_squeeze %dma_start3A_160 : memref<1x1000000xf32, #tpu.memory_space<hbm>> -> memref<1000000xf32, #tpu.memory_space<hbm>>
        %dma_start3A_162 = arith.constant 0 : i32
        %dma_start3A_163 = tpu.memref_slice %dma_start3A_161[%dma_start3A_162] : memref<1000000xf32, #tpu.memory_space<hbm>> -> memref<1000000xf32, #tpu.memory_space<hbm>>
        tpu.enqueue_indirect_dma source(%dma_start3A_163 : memref<1000000xf32, #tpu.memory_space<hbm>>) target(%dma_start3A_155 : memref<128xf32, #tpu.memory_space<vmem>>) offsets(%dma_start3A_158 : memref<128xi32, #tpu.memory_space<vmem>>) semaphore(%arg23 : memref<!tpu.dma_semaphore, #tpu.memory_space<semaphore_mem>>)
        %dma_start3A_164 = arith.constant 0 : i32
        %dma_start3A_165 = tpu.memref_slice %arg18[%add3A_130, %dma_start3A_164] : memref<64x128xf32, #tpu.memory_space<vmem>> -> memref<1x128xf32, #tpu.memory_space<vmem>>
        %dma_start3A_166 = tpu.memref_squeeze %dma_start3A_165 : memref<1x128xf32, #tpu.memory_space<vmem>> -> memref<128xf32, #tpu.memory_space<vmem>>
        %dma_start3A_167 = arith.constant 0 : i32
        %dma_start3A_168 = tpu.memref_slice %arg14[%scan3A_10, %dma_start3A_167] : memref<4x128xi32, #tpu.memory_space<vmem>> -> memref<1x128xi32, #tpu.memory_space<vmem>>
        %dma_start3A_169 = tpu.memref_squeeze %dma_start3A_168 : memref<1x128xi32, #tpu.memory_space<vmem>> -> memref<128xi32, #tpu.memory_space<vmem>>
        %dma_start3A_170 = arith.constant 0 : i32
        %dma_start3A_171 = tpu.memref_slice %arg6[%add3A_130, %dma_start3A_170] : memref<64x1000000xf32, #tpu.memory_space<hbm>> -> memref<1x1000000xf32, #tpu.memory_space<hbm>>
        %dma_start3A_172 = tpu.memref_squeeze %dma_start3A_171 : memref<1x1000000xf32, #tpu.memory_space<hbm>> -> memref<1000000xf32, #tpu.memory_space<hbm>>
        %dma_start3A_173 = arith.constant 0 : i32
        %dma_start3A_174 = tpu.memref_slice %dma_start3A_172[%dma_start3A_173] : memref<1000000xf32, #tpu.memory_space<hbm>> -> memref<1000000xf32, #tpu.memory_space<hbm>>
        tpu.enqueue_indirect_dma source(%dma_start3A_174 : memref<1000000xf32, #tpu.memory_space<hbm>>) target(%dma_start3A_166 : memref<128xf32, #tpu.memory_space<vmem>>) offsets(%dma_start3A_169 : memref<128xi32, #tpu.memory_space<vmem>>) semaphore(%arg23 : memref<!tpu.dma_semaphore, #tpu.memory_space<semaphore_mem>>)
        %mul3A_175 = arith.constant 8 : i32
        %mul3A_176 = arith.muli %scan3A_31, %mul3A_175 : i32
        %add3A_177 = arith.constant 3 : i32
        %add3A_178 = arith.addi %mul3A_176, %add3A_177 : i32
        %dma_start3A_179 = arith.constant 0 : i32
        %dma_start3A_180 = tpu.memref_slice %arg15[%add3A_178, %dma_start3A_179] : memref<64x128xf32, #tpu.memory_space<vmem>> -> memref<1x128xf32, #tpu.memory_space<vmem>>
        %dma_start3A_181 = tpu.memref_squeeze %dma_start3A_180 : memref<1x128xf32, #tpu.memory_space<vmem>> -> memref<128xf32, #tpu.memory_space<vmem>>
        %dma_start3A_182 = arith.constant 0 : i32
        %dma_start3A_183 = tpu.memref_slice %arg11[%scan3A_10, %dma_start3A_182] : memref<4x128xi32, #tpu.memory_space<vmem>> -> memref<1x128xi32, #tpu.memory_space<vmem>>
        %dma_start3A_184 = tpu.memref_squeeze %dma_start3A_183 : memref<1x128xi32, #tpu.memory_space<vmem>> -> memref<128xi32, #tpu.memory_space<vmem>>
        %dma_start3A_185 = arith.constant 0 : i32
        %dma_start3A_186 = tpu.memref_slice %arg6[%add3A_178, %dma_start3A_185] : memref<64x1000000xf32, #tpu.memory_space<hbm>> -> memref<1x1000000xf32, #tpu.memory_space<hbm>>
        %dma_start3A_187 = tpu.memref_squeeze %dma_start3A_186 : memref<1x1000000xf32, #tpu.memory_space<hbm>> -> memref<1000000xf32, #tpu.memory_space<hbm>>
        %dma_start3A_188 = arith.constant 0 : i32
        %dma_start3A_189 = tpu.memref_slice %dma_start3A_187[%dma_start3A_188] : memref<1000000xf32, #tpu.memory_space<hbm>> -> memref<1000000xf32, #tpu.memory_space<hbm>>
        tpu.enqueue_indirect_dma source(%dma_start3A_189 : memref<1000000xf32, #tpu.memory_space<hbm>>) target(%dma_start3A_181 : memref<128xf32, #tpu.memory_space<vmem>>) offsets(%dma_start3A_184 : memref<128xi32, #tpu.memory_space<vmem>>) semaphore(%arg23 : memref<!tpu.dma_semaphore, #tpu.memory_space<semaphore_mem>>)
        %dma_start3A_190 = arith.constant 0 : i32
        %dma_start3A_191 = tpu.memref_slice %arg16[%add3A_178, %dma_start3A_190] : memref<64x128xf32, #tpu.memory_space<vmem>> -> memref<1x128xf32, #tpu.memory_space<vmem>>
        %dma_start3A_192 = tpu.memref_squeeze %dma_start3A_191 : memref<1x128xf32, #tpu.memory_space<vmem>> -> memref<128xf32, #tpu.memory_space<vmem>>
        %dma_start3A_193 = arith.constant 0 : i32
        %dma_start3A_194 = tpu.memref_slice %arg12[%scan3A_10, %dma_start3A_193] : memref<4x128xi32, #tpu.memory_space<vmem>> -> memref<1x128xi32, #tpu.memory_space<vmem>>
        %dma_start3A_195 = tpu.memref_squeeze %dma_start3A_194 : memref<1x128xi32, #tpu.memory_space<vmem>> -> memref<128xi32, #tpu.memory_space<vmem>>
        %dma_start3A_196 = arith.constant 0 : i32
        %dma_start3A_197 = tpu.memref_slice %arg7[%add3A_178, %dma_start3A_196] : memref<64x1000xf32, #tpu.memory_space<hbm>> -> memref<1x1000xf32, #tpu.memory_space<hbm>>
        %dma_start3A_198 = tpu.memref_squeeze %dma_start3A_197 : memref<1x1000xf32, #tpu.memory_space<hbm>> -> memref<1000xf32, #tpu.memory_space<hbm>>
        %dma_start3A_199 = arith.constant 0 : i32
        %dma_start3A_200 = tpu.memref_slice %dma_start3A_198[%dma_start3A_199] : memref<1000xf32, #tpu.memory_space<hbm>> -> memref<1000xf32, #tpu.memory_space<hbm>>
        tpu.enqueue_indirect_dma source(%dma_start3A_200 : memref<1000xf32, #tpu.memory_space<hbm>>) target(%dma_start3A_192 : memref<128xf32, #tpu.memory_space<vmem>>) offsets(%dma_start3A_195 : memref<128xi32, #tpu.memory_space<vmem>>) semaphore(%arg23 : memref<!tpu.dma_semaphore, #tpu.memory_space<semaphore_mem>>)
        %dma_start3A_201 = arith.constant 0 : i32
        %dma_start3A_202 = tpu.memref_slice %arg17[%add3A_178, %dma_start3A_201] : memref<64x128xf32, #tpu.memory_space<vmem>> -> memref<1x128xf32, #tpu.memory_space<vmem>>
        %dma_start3A_203 = tpu.memref_squeeze %dma_start3A_202 : memref<1x128xf32, #tpu.memory_space<vmem>> -> memref<128xf32, #tpu.memory_space<vmem>>
        %dma_start3A_204 = arith.constant 0 : i32
        %dma_start3A_205 = tpu.memref_slice %arg13[%scan3A_10, %dma_start3A_204] : memref<4x128xi32, #tpu.memory_space<vmem>> -> memref<1x128xi32, #tpu.memory_space<vmem>>
        %dma_start3A_206 = tpu.memref_squeeze %dma_start3A_205 : memref<1x128xi32, #tpu.memory_space<vmem>> -> memref<128xi32, #tpu.memory_space<vmem>>
        %dma_start3A_207 = arith.constant 0 : i32
        %dma_start3A_208 = tpu.memref_slice %arg6[%add3A_178, %dma_start3A_207] : memref<64x1000000xf32, #tpu.memory_space<hbm>> -> memref<1x1000000xf32, #tpu.memory_space<hbm>>
        %dma_start3A_209 = tpu.memref_squeeze %dma_start3A_208 : memref<1x1000000xf32, #tpu.memory_space<hbm>> -> memref<1000000xf32, #tpu.memory_space<hbm>>
        %dma_start3A_210 = arith.constant 0 : i32
        %dma_start3A_211 = tpu.memref_slice %dma_start3A_209[%dma_start3A_210] : memref<1000000xf32, #tpu.memory_space<hbm>> -> memref<1000000xf32, #tpu.memory_space<hbm>>
        tpu.enqueue_indirect_dma source(%dma_start3A_211 : memref<1000000xf32, #tpu.memory_space<hbm>>) target(%dma_start3A_203 : memref<128xf32, #tpu.memory_space<vmem>>) offsets(%dma_start3A_206 : memref<128xi32, #tpu.memory_space<vmem>>) semaphore(%arg23 : memref<!tpu.dma_semaphore, #tpu.memory_space<semaphore_mem>>)
        %dma_start3A_212 = arith.constant 0 : i32
        %dma_start3A_213 = tpu.memref_slice %arg18[%add3A_178, %dma_start3A_212] : memref<64x128xf32, #tpu.memory_space<vmem>> -> memref<1x128xf32, #tpu.memory_space<vmem>>
        %dma_start3A_214 = tpu.memref_squeeze %dma_start3A_213 : memref<1x128xf32, #tpu.memory_space<vmem>> -> memref<128xf32, #tpu.memory_space<vmem>>
        %dma_start3A_215 = arith.constant 0 : i32
        %dma_start3A_216 = tpu.memref_slice %arg14[%scan3A_10, %dma_start3A_215] : memref<4x128xi32, #tpu.memory_space<vmem>> -> memref<1x128xi32, #tpu.memory_space<vmem>>
        %dma_start3A_217 = tpu.memref_squeeze %dma_start3A_216 : memref<1x128xi32, #tpu.memory_space<vmem>> -> memref<128xi32, #tpu.memory_space<vmem>>
        %dma_start3A_218 = arith.constant 0 : i32
        %dma_start3A_219 = tpu.memref_slice %arg6[%add3A_178, %dma_start3A_218] : memref<64x1000000xf32, #tpu.memory_space<hbm>> -> memref<1x1000000xf32, #tpu.memory_space<hbm>>
        %dma_start3A_220 = tpu.memref_squeeze %dma_start3A_219 : memref<1x1000000xf32, #tpu.memory_space<hbm>> -> memref<1000000xf32, #tpu.memory_space<hbm>>
        %dma_start3A_221 = arith.constant 0 : i32
        %dma_start3A_222 = tpu.memref_slice %dma_start3A_220[%dma_start3A_221] : memref<1000000xf32, #tpu.memory_space<hbm>> -> memref<1000000xf32, #tpu.memory_space<hbm>>
        tpu.enqueue_indirect_dma source(%dma_start3A_222 : memref<1000000xf32, #tpu.memory_space<hbm>>) target(%dma_start3A_214 : memref<128xf32, #tpu.memory_space<vmem>>) offsets(%dma_start3A_217 : memref<128xi32, #tpu.memory_space<vmem>>) semaphore(%arg23 : memref<!tpu.dma_semaphore, #tpu.memory_space<semaphore_mem>>)
        %mul3A_223 = arith.constant 8 : i32
        %mul3A_224 = arith.muli %scan3A_31, %mul3A_223 : i32
        %add3A_225 = arith.constant 4 : i32
        %add3A_226 = arith.addi %mul3A_224, %add3A_225 : i32
        %dma_start3A_227 = arith.constant 0 : i32
        %dma_start3A_228 = tpu.memref_slice %arg15[%add3A_226, %dma_start3A_227] : memref<64x128xf32, #tpu.memory_space<vmem>> -> memref<1x128xf32, #tpu.memory_space<vmem>>
        %dma_start3A_229 = tpu.memref_squeeze %dma_start3A_228 : memref<1x128xf32, #tpu.memory_space<vmem>> -> memref<128xf32, #tpu.memory_space<vmem>>
        %dma_start3A_230 = arith.constant 0 : i32
        %dma_start3A_231 = tpu.memref_slice %arg11[%scan3A_10, %dma_start3A_230] : memref<4x128xi32, #tpu.memory_space<vmem>> -> memref<1x128xi32, #tpu.memory_space<vmem>>
        %dma_start3A_232 = tpu.memref_squeeze %dma_start3A_231 : memref<1x128xi32, #tpu.memory_space<vmem>> -> memref<128xi32, #tpu.memory_space<vmem>>
        %dma_start3A_233 = arith.constant 0 : i32
        %dma_start3A_234 = tpu.memref_slice %arg6[%add3A_226, %dma_start3A_233] : memref<64x1000000xf32, #tpu.memory_space<hbm>> -> memref<1x1000000xf32, #tpu.memory_space<hbm>>
        %dma_start3A_235 = tpu.memref_squeeze %dma_start3A_234 : memref<1x1000000xf32, #tpu.memory_space<hbm>> -> memref<1000000xf32, #tpu.memory_space<hbm>>
        %dma_start3A_236 = arith.constant 0 : i32
        %dma_start3A_237 = tpu.memref_slice %dma_start3A_235[%dma_start3A_236] : memref<1000000xf32, #tpu.memory_space<hbm>> -> memref<1000000xf32, #tpu.memory_space<hbm>>
        tpu.enqueue_indirect_dma source(%dma_start3A_237 : memref<1000000xf32, #tpu.memory_space<hbm>>) target(%dma_start3A_229 : memref<128xf32, #tpu.memory_space<vmem>>) offsets(%dma_start3A_232 : memref<128xi32, #tpu.memory_space<vmem>>) semaphore(%arg23 : memref<!tpu.dma_semaphore, #tpu.memory_space<semaphore_mem>>)
        %dma_start3A_238 = arith.constant 0 : i32
        %dma_start3A_239 = tpu.memref_slice %arg16[%add3A_226, %dma_start3A_238] : memref<64x128xf32, #tpu.memory_space<vmem>> -> memref<1x128xf32, #tpu.memory_space<vmem>>
        %dma_start3A_240 = tpu.memref_squeeze %dma_start3A_239 : memref<1x128xf32, #tpu.memory_space<vmem>> -> memref<128xf32, #tpu.memory_space<vmem>>
        %dma_start3A_241 = arith.constant 0 : i32
        %dma_start3A_242 = tpu.memref_slice %arg12[%scan3A_10, %dma_start3A_241] : memref<4x128xi32, #tpu.memory_space<vmem>> -> memref<1x128xi32, #tpu.memory_space<vmem>>
        %dma_start3A_243 = tpu.memref_squeeze %dma_start3A_242 : memref<1x128xi32, #tpu.memory_space<vmem>> -> memref<128xi32, #tpu.memory_space<vmem>>
        %dma_start3A_244 = arith.constant 0 : i32
        %dma_start3A_245 = tpu.memref_slice %arg7[%add3A_226, %dma_start3A_244] : memref<64x1000xf32, #tpu.memory_space<hbm>> -> memref<1x1000xf32, #tpu.memory_space<hbm>>
        %dma_start3A_246 = tpu.memref_squeeze %dma_start3A_245 : memref<1x1000xf32, #tpu.memory_space<hbm>> -> memref<1000xf32, #tpu.memory_space<hbm>>
        %dma_start3A_247 = arith.constant 0 : i32
        %dma_start3A_248 = tpu.memref_slice %dma_start3A_246[%dma_start3A_247] : memref<1000xf32, #tpu.memory_space<hbm>> -> memref<1000xf32, #tpu.memory_space<hbm>>
        tpu.enqueue_indirect_dma source(%dma_start3A_248 : memref<1000xf32, #tpu.memory_space<hbm>>) target(%dma_start3A_240 : memref<128xf32, #tpu.memory_space<vmem>>) offsets(%dma_start3A_243 : memref<128xi32, #tpu.memory_space<vmem>>) semaphore(%arg23 : memref<!tpu.dma_semaphore, #tpu.memory_space<semaphore_mem>>)
        %dma_start3A_249 = arith.constant 0 : i32
        %dma_start3A_250 = tpu.memref_slice %arg17[%add3A_226, %dma_start3A_249] : memref<64x128xf32, #tpu.memory_space<vmem>> -> memref<1x128xf32, #tpu.memory_space<vmem>>
        %dma_start3A_251 = tpu.memref_squeeze %dma_start3A_250 : memref<1x128xf32, #tpu.memory_space<vmem>> -> memref<128xf32, #tpu.memory_space<vmem>>
        %dma_start3A_252 = arith.constant 0 : i32
        %dma_start3A_253 = tpu.memref_slice %arg13[%scan3A_10, %dma_start3A_252] : memref<4x128xi32, #tpu.memory_space<vmem>> -> memref<1x128xi32, #tpu.memory_space<vmem>>
        %dma_start3A_254 = tpu.memref_squeeze %dma_start3A_253 : memref<1x128xi32, #tpu.memory_space<vmem>> -> memref<128xi32, #tpu.memory_space<vmem>>
        %dma_start3A_255 = arith.constant 0 : i32
        %dma_start3A_256 = tpu.memref_slice %arg6[%add3A_226, %dma_start3A_255] : memref<64x1000000xf32, #tpu.memory_space<hbm>> -> memref<1x1000000xf32, #tpu.memory_space<hbm>>
        %dma_start3A_257 = tpu.memref_squeeze %dma_start3A_256 : memref<1x1000000xf32, #tpu.memory_space<hbm>> -> memref<1000000xf32, #tpu.memory_space<hbm>>
        %dma_start3A_258 = arith.constant 0 : i32
        %dma_start3A_259 = tpu.memref_slice %dma_start3A_257[%dma_start3A_258] : memref<1000000xf32, #tpu.memory_space<hbm>> -> memref<1000000xf32, #tpu.memory_space<hbm>>
        tpu.enqueue_indirect_dma source(%dma_start3A_259 : memref<1000000xf32, #tpu.memory_space<hbm>>) target(%dma_start3A_251 : memref<128xf32, #tpu.memory_space<vmem>>) offsets(%dma_start3A_254 : memref<128xi32, #tpu.memory_space<vmem>>) semaphore(%arg23 : memref<!tpu.dma_semaphore, #tpu.memory_space<semaphore_mem>>)
        %dma_start3A_260 = arith.constant 0 : i32
        %dma_start3A_261 = tpu.memref_slice %arg18[%add3A_226, %dma_start3A_260] : memref<64x128xf32, #tpu.memory_space<vmem>> -> memref<1x128xf32, #tpu.memory_space<vmem>>
        %dma_start3A_262 = tpu.memref_squeeze %dma_start3A_261 : memref<1x128xf32, #tpu.memory_space<vmem>> -> memref<128xf32, #tpu.memory_space<vmem>>
        %dma_start3A_263 = arith.constant 0 : i32
        %dma_start3A_264 = tpu.memref_slice %arg14[%scan3A_10, %dma_start3A_263] : memref<4x128xi32, #tpu.memory_space<vmem>> -> memref<1x128xi32, #tpu.memory_space<vmem>>
        %dma_start3A_265 = tpu.memref_squeeze %dma_start3A_264 : memref<1x128xi32, #tpu.memory_space<vmem>> -> memref<128xi32, #tpu.memory_space<vmem>>
        %dma_start3A_266 = arith.constant 0 : i32
        %dma_start3A_267 = tpu.memref_slice %arg6[%add3A_226, %dma_start3A_266] : memref<64x1000000xf32, #tpu.memory_space<hbm>> -> memref<1x1000000xf32, #tpu.memory_space<hbm>>
        %dma_start3A_268 = tpu.memref_squeeze %dma_start3A_267 : memref<1x1000000xf32, #tpu.memory_space<hbm>> -> memref<1000000xf32, #tpu.memory_space<hbm>>
        %dma_start3A_269 = arith.constant 0 : i32
        %dma_start3A_270 = tpu.memref_slice %dma_start3A_268[%dma_start3A_269] : memref<1000000xf32, #tpu.memory_space<hbm>> -> memref<1000000xf32, #tpu.memory_space<hbm>>
        tpu.enqueue_indirect_dma source(%dma_start3A_270 : memref<1000000xf32, #tpu.memory_space<hbm>>) target(%dma_start3A_262 : memref<128xf32, #tpu.memory_space<vmem>>) offsets(%dma_start3A_265 : memref<128xi32, #tpu.memory_space<vmem>>) semaphore(%arg23 : memref<!tpu.dma_semaphore, #tpu.memory_space<semaphore_mem>>)
        %mul3A_271 = arith.constant 8 : i32
        %mul3A_272 = arith.muli %scan3A_31, %mul3A_271 : i32
        %add3A_273 = arith.constant 5 : i32
        %add3A_274 = arith.addi %mul3A_272, %add3A_273 : i32
        %dma_start3A_275 = arith.constant 0 : i32
        %dma_start3A_276 = tpu.memref_slice %arg15[%add3A_274, %dma_start3A_275] : memref<64x128xf32, #tpu.memory_space<vmem>> -> memref<1x128xf32, #tpu.memory_space<vmem>>
        %dma_start3A_277 = tpu.memref_squeeze %dma_start3A_276 : memref<1x128xf32, #tpu.memory_space<vmem>> -> memref<128xf32, #tpu.memory_space<vmem>>
        %dma_start3A_278 = arith.constant 0 : i32
        %dma_start3A_279 = tpu.memref_slice %arg11[%scan3A_10, %dma_start3A_278] : memref<4x128xi32, #tpu.memory_space<vmem>> -> memref<1x128xi32, #tpu.memory_space<vmem>>
        %dma_start3A_280 = tpu.memref_squeeze %dma_start3A_279 : memref<1x128xi32, #tpu.memory_space<vmem>> -> memref<128xi32, #tpu.memory_space<vmem>>
        %dma_start3A_281 = arith.constant 0 : i32
        %dma_start3A_282 = tpu.memref_slice %arg6[%add3A_274, %dma_start3A_281] : memref<64x1000000xf32, #tpu.memory_space<hbm>> -> memref<1x1000000xf32, #tpu.memory_space<hbm>>
        %dma_start3A_283 = tpu.memref_squeeze %dma_start3A_282 : memref<1x1000000xf32, #tpu.memory_space<hbm>> -> memref<1000000xf32, #tpu.memory_space<hbm>>
        %dma_start3A_284 = arith.constant 0 : i32
        %dma_start3A_285 = tpu.memref_slice %dma_start3A_283[%dma_start3A_284] : memref<1000000xf32, #tpu.memory_space<hbm>> -> memref<1000000xf32, #tpu.memory_space<hbm>>
        tpu.enqueue_indirect_dma source(%dma_start3A_285 : memref<1000000xf32, #tpu.memory_space<hbm>>) target(%dma_start3A_277 : memref<128xf32, #tpu.memory_space<vmem>>) offsets(%dma_start3A_280 : memref<128xi32, #tpu.memory_space<vmem>>) semaphore(%arg23 : memref<!tpu.dma_semaphore, #tpu.memory_space<semaphore_mem>>)
        %dma_start3A_286 = arith.constant 0 : i32
        %dma_start3A_287 = tpu.memref_slice %arg16[%add3A_274, %dma_start3A_286] : memref<64x128xf32, #tpu.memory_space<vmem>> -> memref<1x128xf32, #tpu.memory_space<vmem>>
        %dma_start3A_288 = tpu.memref_squeeze %dma_start3A_287 : memref<1x128xf32, #tpu.memory_space<vmem>> -> memref<128xf32, #tpu.memory_space<vmem>>
        %dma_start3A_289 = arith.constant 0 : i32
        %dma_start3A_290 = tpu.memref_slice %arg12[%scan3A_10, %dma_start3A_289] : memref<4x128xi32, #tpu.memory_space<vmem>> -> memref<1x128xi32, #tpu.memory_space<vmem>>
        %dma_start3A_291 = tpu.memref_squeeze %dma_start3A_290 : memref<1x128xi32, #tpu.memory_space<vmem>> -> memref<128xi32, #tpu.memory_space<vmem>>
        %dma_start3A_292 = arith.constant 0 : i32
        %dma_start3A_293 = tpu.memref_slice %arg7[%add3A_274, %dma_start3A_292] : memref<64x1000xf32, #tpu.memory_space<hbm>> -> memref<1x1000xf32, #tpu.memory_space<hbm>>
        %dma_start3A_294 = tpu.memref_squeeze %dma_start3A_293 : memref<1x1000xf32, #tpu.memory_space<hbm>> -> memref<1000xf32, #tpu.memory_space<hbm>>
        %dma_start3A_295 = arith.constant 0 : i32
        %dma_start3A_296 = tpu.memref_slice %dma_start3A_294[%dma_start3A_295] : memref<1000xf32, #tpu.memory_space<hbm>> -> memref<1000xf32, #tpu.memory_space<hbm>>
        tpu.enqueue_indirect_dma source(%dma_start3A_296 : memref<1000xf32, #tpu.memory_space<hbm>>) target(%dma_start3A_288 : memref<128xf32, #tpu.memory_space<vmem>>) offsets(%dma_start3A_291 : memref<128xi32, #tpu.memory_space<vmem>>) semaphore(%arg23 : memref<!tpu.dma_semaphore, #tpu.memory_space<semaphore_mem>>)
        %dma_start3A_297 = arith.constant 0 : i32
        %dma_start3A_298 = tpu.memref_slice %arg17[%add3A_274, %dma_start3A_297] : memref<64x128xf32, #tpu.memory_space<vmem>> -> memref<1x128xf32, #tpu.memory_space<vmem>>
        %dma_start3A_299 = tpu.memref_squeeze %dma_start3A_298 : memref<1x128xf32, #tpu.memory_space<vmem>> -> memref<128xf32, #tpu.memory_space<vmem>>
        %dma_start3A_300 = arith.constant 0 : i32
        %dma_start3A_301 = tpu.memref_slice %arg13[%scan3A_10, %dma_start3A_300] : memref<4x128xi32, #tpu.memory_space<vmem>> -> memref<1x128xi32, #tpu.memory_space<vmem>>
        %dma_start3A_302 = tpu.memref_squeeze %dma_start3A_301 : memref<1x128xi32, #tpu.memory_space<vmem>> -> memref<128xi32, #tpu.memory_space<vmem>>
        %dma_start3A_303 = arith.constant 0 : i32
        %dma_start3A_304 = tpu.memref_slice %arg6[%add3A_274, %dma_start3A_303] : memref<64x1000000xf32, #tpu.memory_space<hbm>> -> memref<1x1000000xf32, #tpu.memory_space<hbm>>
        %dma_start3A_305 = tpu.memref_squeeze %dma_start3A_304 : memref<1x1000000xf32, #tpu.memory_space<hbm>> -> memref<1000000xf32, #tpu.memory_space<hbm>>
        %dma_start3A_306 = arith.constant 0 : i32
        %dma_start3A_307 = tpu.memref_slice %dma_start3A_305[%dma_start3A_306] : memref<1000000xf32, #tpu.memory_space<hbm>> -> memref<1000000xf32, #tpu.memory_space<hbm>>
        tpu.enqueue_indirect_dma source(%dma_start3A_307 : memref<1000000xf32, #tpu.memory_space<hbm>>) target(%dma_start3A_299 : memref<128xf32, #tpu.memory_space<vmem>>) offsets(%dma_start3A_302 : memref<128xi32, #tpu.memory_space<vmem>>) semaphore(%arg23 : memref<!tpu.dma_semaphore, #tpu.memory_space<semaphore_mem>>)
        %dma_start3A_308 = arith.constant 0 : i32
        %dma_start3A_309 = tpu.memref_slice %arg18[%add3A_274, %dma_start3A_308] : memref<64x128xf32, #tpu.memory_space<vmem>> -> memref<1x128xf32, #tpu.memory_space<vmem>>
        %dma_start3A_310 = tpu.memref_squeeze %dma_start3A_309 : memref<1x128xf32, #tpu.memory_space<vmem>> -> memref<128xf32, #tpu.memory_space<vmem>>
        %dma_start3A_311 = arith.constant 0 : i32
        %dma_start3A_312 = tpu.memref_slice %arg14[%scan3A_10, %dma_start3A_311] : memref<4x128xi32, #tpu.memory_space<vmem>> -> memref<1x128xi32, #tpu.memory_space<vmem>>
        %dma_start3A_313 = tpu.memref_squeeze %dma_start3A_312 : memref<1x128xi32, #tpu.memory_space<vmem>> -> memref<128xi32, #tpu.memory_space<vmem>>
        %dma_start3A_314 = arith.constant 0 : i32
        %dma_start3A_315 = tpu.memref_slice %arg6[%add3A_274, %dma_start3A_314] : memref<64x1000000xf32, #tpu.memory_space<hbm>> -> memref<1x1000000xf32, #tpu.memory_space<hbm>>
        %dma_start3A_316 = tpu.memref_squeeze %dma_start3A_315 : memref<1x1000000xf32, #tpu.memory_space<hbm>> -> memref<1000000xf32, #tpu.memory_space<hbm>>
        %dma_start3A_317 = arith.constant 0 : i32
        %dma_start3A_318 = tpu.memref_slice %dma_start3A_316[%dma_start3A_317] : memref<1000000xf32, #tpu.memory_space<hbm>> -> memref<1000000xf32, #tpu.memory_space<hbm>>
        tpu.enqueue_indirect_dma source(%dma_start3A_318 : memref<1000000xf32, #tpu.memory_space<hbm>>) target(%dma_start3A_310 : memref<128xf32, #tpu.memory_space<vmem>>) offsets(%dma_start3A_313 : memref<128xi32, #tpu.memory_space<vmem>>) semaphore(%arg23 : memref<!tpu.dma_semaphore, #tpu.memory_space<semaphore_mem>>)
        %mul3A_319 = arith.constant 8 : i32
        %mul3A_320 = arith.muli %scan3A_31, %mul3A_319 : i32
        %add3A_321 = arith.constant 6 : i32
        %add3A_322 = arith.addi %mul3A_320, %add3A_321 : i32
        %dma_start3A_323 = arith.constant 0 : i32
        %dma_start3A_324 = tpu.memref_slice %arg15[%add3A_322, %dma_start3A_323] : memref<64x128xf32, #tpu.memory_space<vmem>> -> memref<1x128xf32, #tpu.memory_space<vmem>>
        %dma_start3A_325 = tpu.memref_squeeze %dma_start3A_324 : memref<1x128xf32, #tpu.memory_space<vmem>> -> memref<128xf32, #tpu.memory_space<vmem>>
        %dma_start3A_326 = arith.constant 0 : i32
        %dma_start3A_327 = tpu.memref_slice %arg11[%scan3A_10, %dma_start3A_326] : memref<4x128xi32, #tpu.memory_space<vmem>> -> memref<1x128xi32, #tpu.memory_space<vmem>>
        %dma_start3A_328 = tpu.memref_squeeze %dma_start3A_327 : memref<1x128xi32, #tpu.memory_space<vmem>> -> memref<128xi32, #tpu.memory_space<vmem>>
        %dma_start3A_329 = arith.constant 0 : i32
        %dma_start3A_330 = tpu.memref_slice %arg6[%add3A_322, %dma_start3A_329] : memref<64x1000000xf32, #tpu.memory_space<hbm>> -> memref<1x1000000xf32, #tpu.memory_space<hbm>>
        %dma_start3A_331 = tpu.memref_squeeze %dma_start3A_330 : memref<1x1000000xf32, #tpu.memory_space<hbm>> -> memref<1000000xf32, #tpu.memory_space<hbm>>
        %dma_start3A_332 = arith.constant 0 : i32
        %dma_start3A_333 = tpu.memref_slice %dma_start3A_331[%dma_start3A_332] : memref<1000000xf32, #tpu.memory_space<hbm>> -> memref<1000000xf32, #tpu.memory_space<hbm>>
        tpu.enqueue_indirect_dma source(%dma_start3A_333 : memref<1000000xf32, #tpu.memory_space<hbm>>) target(%dma_start3A_325 : memref<128xf32, #tpu.memory_space<vmem>>) offsets(%dma_start3A_328 : memref<128xi32, #tpu.memory_space<vmem>>) semaphore(%arg23 : memref<!tpu.dma_semaphore, #tpu.memory_space<semaphore_mem>>)
        %dma_start3A_334 = arith.constant 0 : i32
        %dma_start3A_335 = tpu.memref_slice %arg16[%add3A_322, %dma_start3A_334] : memref<64x128xf32, #tpu.memory_space<vmem>> -> memref<1x128xf32, #tpu.memory_space<vmem>>
        %dma_start3A_336 = tpu.memref_squeeze %dma_start3A_335 : memref<1x128xf32, #tpu.memory_space<vmem>> -> memref<128xf32, #tpu.memory_space<vmem>>
        %dma_start3A_337 = arith.constant 0 : i32
        %dma_start3A_338 = tpu.memref_slice %arg12[%scan3A_10, %dma_start3A_337] : memref<4x128xi32, #tpu.memory_space<vmem>> -> memref<1x128xi32, #tpu.memory_space<vmem>>
        %dma_start3A_339 = tpu.memref_squeeze %dma_start3A_338 : memref<1x128xi32, #tpu.memory_space<vmem>> -> memref<128xi32, #tpu.memory_space<vmem>>
        %dma_start3A_340 = arith.constant 0 : i32
        %dma_start3A_341 = tpu.memref_slice %arg7[%add3A_322, %dma_start3A_340] : memref<64x1000xf32, #tpu.memory_space<hbm>> -> memref<1x1000xf32, #tpu.memory_space<hbm>>
        %dma_start3A_342 = tpu.memref_squeeze %dma_start3A_341 : memref<1x1000xf32, #tpu.memory_space<hbm>> -> memref<1000xf32, #tpu.memory_space<hbm>>
        %dma_start3A_343 = arith.constant 0 : i32
        %dma_start3A_344 = tpu.memref_slice %dma_start3A_342[%dma_start3A_343] : memref<1000xf32, #tpu.memory_space<hbm>> -> memref<1000xf32, #tpu.memory_space<hbm>>
        tpu.enqueue_indirect_dma source(%dma_start3A_344 : memref<1000xf32, #tpu.memory_space<hbm>>) target(%dma_start3A_336 : memref<128xf32, #tpu.memory_space<vmem>>) offsets(%dma_start3A_339 : memref<128xi32, #tpu.memory_space<vmem>>) semaphore(%arg23 : memref<!tpu.dma_semaphore, #tpu.memory_space<semaphore_mem>>)
        %dma_start3A_345 = arith.constant 0 : i32
        %dma_start3A_346 = tpu.memref_slice %arg17[%add3A_322, %dma_start3A_345] : memref<64x128xf32, #tpu.memory_space<vmem>> -> memref<1x128xf32, #tpu.memory_space<vmem>>
        %dma_start3A_347 = tpu.memref_squeeze %dma_start3A_346 : memref<1x128xf32, #tpu.memory_space<vmem>> -> memref<128xf32, #tpu.memory_space<vmem>>
        %dma_start3A_348 = arith.constant 0 : i32
        %dma_start3A_349 = tpu.memref_slice %arg13[%scan3A_10, %dma_start3A_348] : memref<4x128xi32, #tpu.memory_space<vmem>> -> memref<1x128xi32, #tpu.memory_space<vmem>>
        %dma_start3A_350 = tpu.memref_squeeze %dma_start3A_349 : memref<1x128xi32, #tpu.memory_space<vmem>> -> memref<128xi32, #tpu.memory_space<vmem>>
        %dma_start3A_351 = arith.constant 0 : i32
        %dma_start3A_352 = tpu.memref_slice %arg6[%add3A_322, %dma_start3A_351] : memref<64x1000000xf32, #tpu.memory_space<hbm>> -> memref<1x1000000xf32, #tpu.memory_space<hbm>>
        %dma_start3A_353 = tpu.memref_squeeze %dma_start3A_352 : memref<1x1000000xf32, #tpu.memory_space<hbm>> -> memref<1000000xf32, #tpu.memory_space<hbm>>
        %dma_start3A_354 = arith.constant 0 : i32
        %dma_start3A_355 = tpu.memref_slice %dma_start3A_353[%dma_start3A_354] : memref<1000000xf32, #tpu.memory_space<hbm>> -> memref<1000000xf32, #tpu.memory_space<hbm>>
        tpu.enqueue_indirect_dma source(%dma_start3A_355 : memref<1000000xf32, #tpu.memory_space<hbm>>) target(%dma_start3A_347 : memref<128xf32, #tpu.memory_space<vmem>>) offsets(%dma_start3A_350 : memref<128xi32, #tpu.memory_space<vmem>>) semaphore(%arg23 : memref<!tpu.dma_semaphore, #tpu.memory_space<semaphore_mem>>)
        %dma_start3A_356 = arith.constant 0 : i32
        %dma_start3A_357 = tpu.memref_slice %arg18[%add3A_322, %dma_start3A_356] : memref<64x128xf32, #tpu.memory_space<vmem>> -> memref<1x128xf32, #tpu.memory_space<vmem>>
        %dma_start3A_358 = tpu.memref_squeeze %dma_start3A_357 : memref<1x128xf32, #tpu.memory_space<vmem>> -> memref<128xf32, #tpu.memory_space<vmem>>
        %dma_start3A_359 = arith.constant 0 : i32
        %dma_start3A_360 = tpu.memref_slice %arg14[%scan3A_10, %dma_start3A_359] : memref<4x128xi32, #tpu.memory_space<vmem>> -> memref<1x128xi32, #tpu.memory_space<vmem>>
        %dma_start3A_361 = tpu.memref_squeeze %dma_start3A_360 : memref<1x128xi32, #tpu.memory_space<vmem>> -> memref<128xi32, #tpu.memory_space<vmem>>
        %dma_start3A_362 = arith.constant 0 : i32
        %dma_start3A_363 = tpu.memref_slice %arg6[%add3A_322, %dma_start3A_362] : memref<64x1000000xf32, #tpu.memory_space<hbm>> -> memref<1x1000000xf32, #tpu.memory_space<hbm>>
        %dma_start3A_364 = tpu.memref_squeeze %dma_start3A_363 : memref<1x1000000xf32, #tpu.memory_space<hbm>> -> memref<1000000xf32, #tpu.memory_space<hbm>>
        %dma_start3A_365 = arith.constant 0 : i32
        %dma_start3A_366 = tpu.memref_slice %dma_start3A_364[%dma_start3A_365] : memref<1000000xf32, #tpu.memory_space<hbm>> -> memref<1000000xf32, #tpu.memory_space<hbm>>
        tpu.enqueue_indirect_dma source(%dma_start3A_366 : memref<1000000xf32, #tpu.memory_space<hbm>>) target(%dma_start3A_358 : memref<128xf32, #tpu.memory_space<vmem>>) offsets(%dma_start3A_361 : memref<128xi32, #tpu.memory_space<vmem>>) semaphore(%arg23 : memref<!tpu.dma_semaphore, #tpu.memory_space<semaphore_mem>>)
        %mul3A_367 = arith.constant 8 : i32
        %mul3A_368 = arith.muli %scan3A_31, %mul3A_367 : i32
        %add3A_369 = arith.constant 7 : i32
        %add3A_370 = arith.addi %mul3A_368, %add3A_369 : i32
        %dma_start3A_371 = arith.constant 0 : i32
        %dma_start3A_372 = tpu.memref_slice %arg15[%add3A_370, %dma_start3A_371] : memref<64x128xf32, #tpu.memory_space<vmem>> -> memref<1x128xf32, #tpu.memory_space<vmem>>
        %dma_start3A_373 = tpu.memref_squeeze %dma_start3A_372 : memref<1x128xf32, #tpu.memory_space<vmem>> -> memref<128xf32, #tpu.memory_space<vmem>>
        %dma_start3A_374 = arith.constant 0 : i32
        %dma_start3A_375 = tpu.memref_slice %arg11[%scan3A_10, %dma_start3A_374] : memref<4x128xi32, #tpu.memory_space<vmem>> -> memref<1x128xi32, #tpu.memory_space<vmem>>
        %dma_start3A_376 = tpu.memref_squeeze %dma_start3A_375 : memref<1x128xi32, #tpu.memory_space<vmem>> -> memref<128xi32, #tpu.memory_space<vmem>>
        %dma_start3A_377 = arith.constant 0 : i32
        %dma_start3A_378 = tpu.memref_slice %arg6[%add3A_370, %dma_start3A_377] : memref<64x1000000xf32, #tpu.memory_space<hbm>> -> memref<1x1000000xf32, #tpu.memory_space<hbm>>
        %dma_start3A_379 = tpu.memref_squeeze %dma_start3A_378 : memref<1x1000000xf32, #tpu.memory_space<hbm>> -> memref<1000000xf32, #tpu.memory_space<hbm>>
        %dma_start3A_380 = arith.constant 0 : i32
        %dma_start3A_381 = tpu.memref_slice %dma_start3A_379[%dma_start3A_380] : memref<1000000xf32, #tpu.memory_space<hbm>> -> memref<1000000xf32, #tpu.memory_space<hbm>>
        tpu.enqueue_indirect_dma source(%dma_start3A_381 : memref<1000000xf32, #tpu.memory_space<hbm>>) target(%dma_start3A_373 : memref<128xf32, #tpu.memory_space<vmem>>) offsets(%dma_start3A_376 : memref<128xi32, #tpu.memory_space<vmem>>) semaphore(%arg23 : memref<!tpu.dma_semaphore, #tpu.memory_space<semaphore_mem>>)
        %dma_start3A_382 = arith.constant 0 : i32
        %dma_start3A_383 = tpu.memref_slice %arg16[%add3A_370, %dma_start3A_382] : memref<64x128xf32, #tpu.memory_space<vmem>> -> memref<1x128xf32, #tpu.memory_space<vmem>>
        %dma_start3A_384 = tpu.memref_squeeze %dma_start3A_383 : memref<1x128xf32, #tpu.memory_space<vmem>> -> memref<128xf32, #tpu.memory_space<vmem>>
        %dma_start3A_385 = arith.constant 0 : i32
        %dma_start3A_386 = tpu.memref_slice %arg12[%scan3A_10, %dma_start3A_385] : memref<4x128xi32, #tpu.memory_space<vmem>> -> memref<1x128xi32, #tpu.memory_space<vmem>>
        %dma_start3A_387 = tpu.memref_squeeze %dma_start3A_386 : memref<1x128xi32, #tpu.memory_space<vmem>> -> memref<128xi32, #tpu.memory_space<vmem>>
        %dma_start3A_388 = arith.constant 0 : i32
        %dma_start3A_389 = tpu.memref_slice %arg7[%add3A_370, %dma_start3A_388] : memref<64x1000xf32, #tpu.memory_space<hbm>> -> memref<1x1000xf32, #tpu.memory_space<hbm>>
        %dma_start3A_390 = tpu.memref_squeeze %dma_start3A_389 : memref<1x1000xf32, #tpu.memory_space<hbm>> -> memref<1000xf32, #tpu.memory_space<hbm>>
        %dma_start3A_391 = arith.constant 0 : i32
        %dma_start3A_392 = tpu.memref_slice %dma_start3A_390[%dma_start3A_391] : memref<1000xf32, #tpu.memory_space<hbm>> -> memref<1000xf32, #tpu.memory_space<hbm>>
        tpu.enqueue_indirect_dma source(%dma_start3A_392 : memref<1000xf32, #tpu.memory_space<hbm>>) target(%dma_start3A_384 : memref<128xf32, #tpu.memory_space<vmem>>) offsets(%dma_start3A_387 : memref<128xi32, #tpu.memory_space<vmem>>) semaphore(%arg23 : memref<!tpu.dma_semaphore, #tpu.memory_space<semaphore_mem>>)
        %dma_start3A_393 = arith.constant 0 : i32
        %dma_start3A_394 = tpu.memref_slice %arg17[%add3A_370, %dma_start3A_393] : memref<64x128xf32, #tpu.memory_space<vmem>> -> memref<1x128xf32, #tpu.memory_space<vmem>>
        %dma_start3A_395 = tpu.memref_squeeze %dma_start3A_394 : memref<1x128xf32, #tpu.memory_space<vmem>> -> memref<128xf32, #tpu.memory_space<vmem>>
        %dma_start3A_396 = arith.constant 0 : i32
        %dma_start3A_397 = tpu.memref_slice %arg13[%scan3A_10, %dma_start3A_396] : memref<4x128xi32, #tpu.memory_space<vmem>> -> memref<1x128xi32, #tpu.memory_space<vmem>>
        %dma_start3A_398 = tpu.memref_squeeze %dma_start3A_397 : memref<1x128xi32, #tpu.memory_space<vmem>> -> memref<128xi32, #tpu.memory_space<vmem>>
        %dma_start3A_399 = arith.constant 0 : i32
        %dma_start3A_400 = tpu.memref_slice %arg6[%add3A_370, %dma_start3A_399] : memref<64x1000000xf32, #tpu.memory_space<hbm>> -> memref<1x1000000xf32, #tpu.memory_space<hbm>>
        %dma_start3A_401 = tpu.memref_squeeze %dma_start3A_400 : memref<1x1000000xf32, #tpu.memory_space<hbm>> -> memref<1000000xf32, #tpu.memory_space<hbm>>
        %dma_start3A_402 = arith.constant 0 : i32
        %dma_start3A_403 = tpu.memref_slice %dma_start3A_401[%dma_start3A_402] : memref<1000000xf32, #tpu.memory_space<hbm>> -> memref<1000000xf32, #tpu.memory_space<hbm>>
        tpu.enqueue_indirect_dma source(%dma_start3A_403 : memref<1000000xf32, #tpu.memory_space<hbm>>) target(%dma_start3A_395 : memref<128xf32, #tpu.memory_space<vmem>>) offsets(%dma_start3A_398 : memref<128xi32, #tpu.memory_space<vmem>>) semaphore(%arg23 : memref<!tpu.dma_semaphore, #tpu.memory_space<semaphore_mem>>)
        %dma_start3A_404 = arith.constant 0 : i32
        %dma_start3A_405 = tpu.memref_slice %arg18[%add3A_370, %dma_start3A_404] : memref<64x128xf32, #tpu.memory_space<vmem>> -> memref<1x128xf32, #tpu.memory_space<vmem>>
        %dma_start3A_406 = tpu.memref_squeeze %dma_start3A_405 : memref<1x128xf32, #tpu.memory_space<vmem>> -> memref<128xf32, #tpu.memory_space<vmem>>
        %dma_start3A_407 = arith.constant 0 : i32
        %dma_start3A_408 = tpu.memref_slice %arg14[%scan3A_10, %dma_start3A_407] : memref<4x128xi32, #tpu.memory_space<vmem>> -> memref<1x128xi32, #tpu.memory_space<vmem>>
        %dma_start3A_409 = tpu.memref_squeeze %dma_start3A_408 : memref<1x128xi32, #tpu.memory_space<vmem>> -> memref<128xi32, #tpu.memory_space<vmem>>
        %dma_start3A_410 = arith.constant 0 : i32
        %dma_start3A_411 = tpu.memref_slice %arg6[%add3A_370, %dma_start3A_410] : memref<64x1000000xf32, #tpu.memory_space<hbm>> -> memref<1x1000000xf32, #tpu.memory_space<hbm>>
        %dma_start3A_412 = tpu.memref_squeeze %dma_start3A_411 : memref<1x1000000xf32, #tpu.memory_space<hbm>> -> memref<1000000xf32, #tpu.memory_space<hbm>>
        %dma_start3A_413 = arith.constant 0 : i32
        %dma_start3A_414 = tpu.memref_slice %dma_start3A_412[%dma_start3A_413] : memref<1000000xf32, #tpu.memory_space<hbm>> -> memref<1000000xf32, #tpu.memory_space<hbm>>
        tpu.enqueue_indirect_dma source(%dma_start3A_414 : memref<1000000xf32, #tpu.memory_space<hbm>>) target(%dma_start3A_406 : memref<128xf32, #tpu.memory_space<vmem>>) offsets(%dma_start3A_409 : memref<128xi32, #tpu.memory_space<vmem>>) semaphore(%arg23 : memref<!tpu.dma_semaphore, #tpu.memory_space<semaphore_mem>>)
        %dma_wait3A = arith.constant 0 : i32
        %dma_wait3A_415 = tpu.memref_slice %arg15[%add3A_35, %dma_wait3A] : memref<64x128xf32, #tpu.memory_space<vmem>> -> memref<1x128xf32, #tpu.memory_space<vmem>>
        %dma_wait3A_416 = tpu.memref_squeeze %dma_wait3A_415 : memref<1x128xf32, #tpu.memory_space<vmem>> -> memref<128xf32, #tpu.memory_space<vmem>>
        %dma_wait3A_417 = arith.constant 0 : i32
        %dma_wait3A_418 = tpu.memref_slice %arg11[%scan3A_10, %dma_wait3A_417] : memref<4x128xi32, #tpu.memory_space<vmem>> -> memref<1x128xi32, #tpu.memory_space<vmem>>
        %dma_wait3A_419 = tpu.memref_squeeze %dma_wait3A_418 : memref<1x128xi32, #tpu.memory_space<vmem>> -> memref<128xi32, #tpu.memory_space<vmem>>
        %dma_wait3A_420 = arith.constant 0 : i32
        %dma_wait3A_421 = tpu.memref_slice %arg6[%add3A_35, %dma_wait3A_420] : memref<64x1000000xf32, #tpu.memory_space<hbm>> -> memref<1x1000000xf32, #tpu.memory_space<hbm>>
        %dma_wait3A_422 = tpu.memref_squeeze %dma_wait3A_421 : memref<1x1000000xf32, #tpu.memory_space<hbm>> -> memref<1000000xf32, #tpu.memory_space<hbm>>
        %dma_wait3A_423 = arith.constant 0 : i32
        %dma_wait3A_424 = tpu.memref_slice %dma_wait3A_422[%dma_wait3A_423] : memref<1000000xf32, #tpu.memory_space<hbm>> -> memref<1000000xf32, #tpu.memory_space<hbm>>
        tpu.wait_indirect_dma semaphore(%arg23 : memref<!tpu.dma_semaphore, #tpu.memory_space<semaphore_mem>>) src(%dma_wait3A_424 : memref<1000000xf32, #tpu.memory_space<hbm>>) dst(%dma_wait3A_416 : memref<128xf32, #tpu.memory_space<vmem>>)
        %dma_wait3A_425 = arith.constant 0 : i32
        %dma_wait3A_426 = tpu.memref_slice %arg16[%add3A_35, %dma_wait3A_425] : memref<64x128xf32, #tpu.memory_space<vmem>> -> memref<1x128xf32, #tpu.memory_space<vmem>>
        %dma_wait3A_427 = tpu.memref_squeeze %dma_wait3A_426 : memref<1x128xf32, #tpu.memory_space<vmem>> -> memref<128xf32, #tpu.memory_space<vmem>>
        %dma_wait3A_428 = arith.constant 0 : i32
        %dma_wait3A_429 = tpu.memref_slice %arg12[%scan3A_10, %dma_wait3A_428] : memref<4x128xi32, #tpu.memory_space<vmem>> -> memref<1x128xi32, #tpu.memory_space<vmem>>
        %dma_wait3A_430 = tpu.memref_squeeze %dma_wait3A_429 : memref<1x128xi32, #tpu.memory_space<vmem>> -> memref<128xi32, #tpu.memory_space<vmem>>
        %dma_wait3A_431 = arith.constant 0 : i32
        %dma_wait3A_432 = tpu.memref_slice %arg7[%add3A_35, %dma_wait3A_431] : memref<64x1000xf32, #tpu.memory_space<hbm>> -> memref<1x1000xf32, #tpu.memory_space<hbm>>
        %dma_wait3A_433 = tpu.memref_squeeze %dma_wait3A_432 : memref<1x1000xf32, #tpu.memory_space<hbm>> -> memref<1000xf32, #tpu.memory_space<hbm>>
        %dma_wait3A_434 = arith.constant 0 : i32
        %dma_wait3A_435 = tpu.memref_slice %dma_wait3A_433[%dma_wait3A_434] : memref<1000xf32, #tpu.memory_space<hbm>> -> memref<1000xf32, #tpu.memory_space<hbm>>
        tpu.wait_indirect_dma semaphore(%arg23 : memref<!tpu.dma_semaphore, #tpu.memory_space<semaphore_mem>>) src(%dma_wait3A_435 : memref<1000xf32, #tpu.memory_space<hbm>>) dst(%dma_wait3A_427 : memref<128xf32, #tpu.memory_space<vmem>>)
        %dma_wait3A_436 = arith.constant 0 : i32
        %dma_wait3A_437 = tpu.memref_slice %arg17[%add3A_35, %dma_wait3A_436] : memref<64x128xf32, #tpu.memory_space<vmem>> -> memref<1x128xf32, #tpu.memory_space<vmem>>
        %dma_wait3A_438 = tpu.memref_squeeze %dma_wait3A_437 : memref<1x128xf32, #tpu.memory_space<vmem>> -> memref<128xf32, #tpu.memory_space<vmem>>
        %dma_wait3A_439 = arith.constant 0 : i32
        %dma_wait3A_440 = tpu.memref_slice %arg13[%scan3A_10, %dma_wait3A_439] : memref<4x128xi32, #tpu.memory_space<vmem>> -> memref<1x128xi32, #tpu.memory_space<vmem>>
        %dma_wait3A_441 = tpu.memref_squeeze %dma_wait3A_440 : memref<1x128xi32, #tpu.memory_space<vmem>> -> memref<128xi32, #tpu.memory_space<vmem>>
        %dma_wait3A_442 = arith.constant 0 : i32
        %dma_wait3A_443 = tpu.memref_slice %arg6[%add3A_35, %dma_wait3A_442] : memref<64x1000000xf32, #tpu.memory_space<hbm>> -> memref<1x1000000xf32, #tpu.memory_space<hbm>>
        %dma_wait3A_444 = tpu.memref_squeeze %dma_wait3A_443 : memref<1x1000000xf32, #tpu.memory_space<hbm>> -> memref<1000000xf32, #tpu.memory_space<hbm>>
        %dma_wait3A_445 = arith.constant 0 : i32
        %dma_wait3A_446 = tpu.memref_slice %dma_wait3A_444[%dma_wait3A_445] : memref<1000000xf32, #tpu.memory_space<hbm>> -> memref<1000000xf32, #tpu.memory_space<hbm>>
        tpu.wait_indirect_dma semaphore(%arg23 : memref<!tpu.dma_semaphore, #tpu.memory_space<semaphore_mem>>) src(%dma_wait3A_446 : memref<1000000xf32, #tpu.memory_space<hbm>>) dst(%dma_wait3A_438 : memref<128xf32, #tpu.memory_space<vmem>>)
        %dma_wait3A_447 = arith.constant 0 : i32
        %dma_wait3A_448 = tpu.memref_slice %arg18[%add3A_35, %dma_wait3A_447] : memref<64x128xf32, #tpu.memory_space<vmem>> -> memref<1x128xf32, #tpu.memory_space<vmem>>
        %dma_wait3A_449 = tpu.memref_squeeze %dma_wait3A_448 : memref<1x128xf32, #tpu.memory_space<vmem>> -> memref<128xf32, #tpu.memory_space<vmem>>
        %dma_wait3A_450 = arith.constant 0 : i32
        %dma_wait3A_451 = tpu.memref_slice %arg14[%scan3A_10, %dma_wait3A_450] : memref<4x128xi32, #tpu.memory_space<vmem>> -> memref<1x128xi32, #tpu.memory_space<vmem>>
        %dma_wait3A_452 = tpu.memref_squeeze %dma_wait3A_451 : memref<1x128xi32, #tpu.memory_space<vmem>> -> memref<128xi32, #tpu.memory_space<vmem>>
        %dma_wait3A_453 = arith.constant 0 : i32
        %dma_wait3A_454 = tpu.memref_slice %arg6[%add3A_35, %dma_wait3A_453] : memref<64x1000000xf32, #tpu.memory_space<hbm>> -> memref<1x1000000xf32, #tpu.memory_space<hbm>>
        %dma_wait3A_455 = tpu.memref_squeeze %dma_wait3A_454 : memref<1x1000000xf32, #tpu.memory_space<hbm>> -> memref<1000000xf32, #tpu.memory_space<hbm>>
        %dma_wait3A_456 = arith.constant 0 : i32
        %dma_wait3A_457 = tpu.memref_slice %dma_wait3A_455[%dma_wait3A_456] : memref<1000000xf32, #tpu.memory_space<hbm>> -> memref<1000000xf32, #tpu.memory_space<hbm>>
        tpu.wait_indirect_dma semaphore(%arg23 : memref<!tpu.dma_semaphore, #tpu.memory_space<semaphore_mem>>) src(%dma_wait3A_457 : memref<1000000xf32, #tpu.memory_space<hbm>>) dst(%dma_wait3A_449 : memref<128xf32, #tpu.memory_space<vmem>>)
        %dma_wait3A_458 = arith.constant 0 : i32
        %dma_wait3A_459 = tpu.memref_slice %arg15[%add3A_82, %dma_wait3A_458] : memref<64x128xf32, #tpu.memory_space<vmem>> -> memref<1x128xf32, #tpu.memory_space<vmem>>
        %dma_wait3A_460 = tpu.memref_squeeze %dma_wait3A_459 : memref<1x128xf32, #tpu.memory_space<vmem>> -> memref<128xf32, #tpu.memory_space<vmem>>
        %dma_wait3A_461 = arith.constant 0 : i32
        %dma_wait3A_462 = tpu.memref_slice %arg11[%scan3A_10, %dma_wait3A_461] : memref<4x128xi32, #tpu.memory_space<vmem>> -> memref<1x128xi32, #tpu.memory_space<vmem>>
        %dma_wait3A_463 = tpu.memref_squeeze %dma_wait3A_462 : memref<1x128xi32, #tpu.memory_space<vmem>> -> memref<128xi32, #tpu.memory_space<vmem>>
        %dma_wait3A_464 = arith.constant 0 : i32
        %dma_wait3A_465 = tpu.memref_slice %arg6[%add3A_82, %dma_wait3A_464] : memref<64x1000000xf32, #tpu.memory_space<hbm>> -> memref<1x1000000xf32, #tpu.memory_space<hbm>>
        %dma_wait3A_466 = tpu.memref_squeeze %dma_wait3A_465 : memref<1x1000000xf32, #tpu.memory_space<hbm>> -> memref<1000000xf32, #tpu.memory_space<hbm>>
        %dma_wait3A_467 = arith.constant 0 : i32
        %dma_wait3A_468 = tpu.memref_slice %dma_wait3A_466[%dma_wait3A_467] : memref<1000000xf32, #tpu.memory_space<hbm>> -> memref<1000000xf32, #tpu.memory_space<hbm>>
        tpu.wait_indirect_dma semaphore(%arg23 : memref<!tpu.dma_semaphore, #tpu.memory_space<semaphore_mem>>) src(%dma_wait3A_468 : memref<1000000xf32, #tpu.memory_space<hbm>>) dst(%dma_wait3A_460 : memref<128xf32, #tpu.memory_space<vmem>>)
        %dma_wait3A_469 = arith.constant 0 : i32
        %dma_wait3A_470 = tpu.memref_slice %arg16[%add3A_82, %dma_wait3A_469] : memref<64x128xf32, #tpu.memory_space<vmem>> -> memref<1x128xf32, #tpu.memory_space<vmem>>
        %dma_wait3A_471 = tpu.memref_squeeze %dma_wait3A_470 : memref<1x128xf32, #tpu.memory_space<vmem>> -> memref<128xf32, #tpu.memory_space<vmem>>
        %dma_wait3A_472 = arith.constant 0 : i32
        %dma_wait3A_473 = tpu.memref_slice %arg12[%scan3A_10, %dma_wait3A_472] : memref<4x128xi32, #tpu.memory_space<vmem>> -> memref<1x128xi32, #tpu.memory_space<vmem>>
        %dma_wait3A_474 = tpu.memref_squeeze %dma_wait3A_473 : memref<1x128xi32, #tpu.memory_space<vmem>> -> memref<128xi32, #tpu.memory_space<vmem>>
        %dma_wait3A_475 = arith.constant 0 : i32
        %dma_wait3A_476 = tpu.memref_slice %arg7[%add3A_82, %dma_wait3A_475] : memref<64x1000xf32, #tpu.memory_space<hbm>> -> memref<1x1000xf32, #tpu.memory_space<hbm>>
        %dma_wait3A_477 = tpu.memref_squeeze %dma_wait3A_476 : memref<1x1000xf32, #tpu.memory_space<hbm>> -> memref<1000xf32, #tpu.memory_space<hbm>>
        %dma_wait3A_478 = arith.constant 0 : i32
        %dma_wait3A_479 = tpu.memref_slice %dma_wait3A_477[%dma_wait3A_478] : memref<1000xf32, #tpu.memory_space<hbm>> -> memref<1000xf32, #tpu.memory_space<hbm>>
        tpu.wait_indirect_dma semaphore(%arg23 : memref<!tpu.dma_semaphore, #tpu.memory_space<semaphore_mem>>) src(%dma_wait3A_479 : memref<1000xf32, #tpu.memory_space<hbm>>) dst(%dma_wait3A_471 : memref<128xf32, #tpu.memory_space<vmem>>)
        %dma_wait3A_480 = arith.constant 0 : i32
        %dma_wait3A_481 = tpu.memref_slice %arg17[%add3A_82, %dma_wait3A_480] : memref<64x128xf32, #tpu.memory_space<vmem>> -> memref<1x128xf32, #tpu.memory_space<vmem>>
        %dma_wait3A_482 = tpu.memref_squeeze %dma_wait3A_481 : memref<1x128xf32, #tpu.memory_space<vmem>> -> memref<128xf32, #tpu.memory_space<vmem>>
        %dma_wait3A_483 = arith.constant 0 : i32
        %dma_wait3A_484 = tpu.memref_slice %arg13[%scan3A_10, %dma_wait3A_483] : memref<4x128xi32, #tpu.memory_space<vmem>> -> memref<1x128xi32, #tpu.memory_space<vmem>>
        %dma_wait3A_485 = tpu.memref_squeeze %dma_wait3A_484 : memref<1x128xi32, #tpu.memory_space<vmem>> -> memref<128xi32, #tpu.memory_space<vmem>>
        %dma_wait3A_486 = arith.constant 0 : i32
        %dma_wait3A_487 = tpu.memref_slice %arg6[%add3A_82, %dma_wait3A_486] : memref<64x1000000xf32, #tpu.memory_space<hbm>> -> memref<1x1000000xf32, #tpu.memory_space<hbm>>
        %dma_wait3A_488 = tpu.memref_squeeze %dma_wait3A_487 : memref<1x1000000xf32, #tpu.memory_space<hbm>> -> memref<1000000xf32, #tpu.memory_space<hbm>>
        %dma_wait3A_489 = arith.constant 0 : i32
        %dma_wait3A_490 = tpu.memref_slice %dma_wait3A_488[%dma_wait3A_489] : memref<1000000xf32, #tpu.memory_space<hbm>> -> memref<1000000xf32, #tpu.memory_space<hbm>>
        tpu.wait_indirect_dma semaphore(%arg23 : memref<!tpu.dma_semaphore, #tpu.memory_space<semaphore_mem>>) src(%dma_wait3A_490 : memref<1000000xf32, #tpu.memory_space<hbm>>) dst(%dma_wait3A_482 : memref<128xf32, #tpu.memory_space<vmem>>)
        %dma_wait3A_491 = arith.constant 0 : i32
        %dma_wait3A_492 = tpu.memref_slice %arg18[%add3A_82, %dma_wait3A_491] : memref<64x128xf32, #tpu.memory_space<vmem>> -> memref<1x128xf32, #tpu.memory_space<vmem>>
        %dma_wait3A_493 = tpu.memref_squeeze %dma_wait3A_492 : memref<1x128xf32, #tpu.memory_space<vmem>> -> memref<128xf32, #tpu.memory_space<vmem>>
        %dma_wait3A_494 = arith.constant 0 : i32
        %dma_wait3A_495 = tpu.memref_slice %arg14[%scan3A_10, %dma_wait3A_494] : memref<4x128xi32, #tpu.memory_space<vmem>> -> memref<1x128xi32, #tpu.memory_space<vmem>>
        %dma_wait3A_496 = tpu.memref_squeeze %dma_wait3A_495 : memref<1x128xi32, #tpu.memory_space<vmem>> -> memref<128xi32, #tpu.memory_space<vmem>>
        %dma_wait3A_497 = arith.constant 0 : i32
        %dma_wait3A_498 = tpu.memref_slice %arg6[%add3A_82, %dma_wait3A_497] : memref<64x1000000xf32, #tpu.memory_space<hbm>> -> memref<1x1000000xf32, #tpu.memory_space<hbm>>
        %dma_wait3A_499 = tpu.memref_squeeze %dma_wait3A_498 : memref<1x1000000xf32, #tpu.memory_space<hbm>> -> memref<1000000xf32, #tpu.memory_space<hbm>>
        %dma_wait3A_500 = arith.constant 0 : i32
        %dma_wait3A_501 = tpu.memref_slice %dma_wait3A_499[%dma_wait3A_500] : memref<1000000xf32, #tpu.memory_space<hbm>> -> memref<1000000xf32, #tpu.memory_space<hbm>>
        tpu.wait_indirect_dma semaphore(%arg23 : memref<!tpu.dma_semaphore, #tpu.memory_space<semaphore_mem>>) src(%dma_wait3A_501 : memref<1000000xf32, #tpu.memory_space<hbm>>) dst(%dma_wait3A_493 : memref<128xf32, #tpu.memory_space<vmem>>)
        %dma_wait3A_502 = arith.constant 0 : i32
        %dma_wait3A_503 = tpu.memref_slice %arg15[%add3A_130, %dma_wait3A_502] : memref<64x128xf32, #tpu.memory_space<vmem>> -> memref<1x128xf32, #tpu.memory_space<vmem>>
        %dma_wait3A_504 = tpu.memref_squeeze %dma_wait3A_503 : memref<1x128xf32, #tpu.memory_space<vmem>> -> memref<128xf32, #tpu.memory_space<vmem>>
        %dma_wait3A_505 = arith.constant 0 : i32
        %dma_wait3A_506 = tpu.memref_slice %arg11[%scan3A_10, %dma_wait3A_505] : memref<4x128xi32, #tpu.memory_space<vmem>> -> memref<1x128xi32, #tpu.memory_space<vmem>>
        %dma_wait3A_507 = tpu.memref_squeeze %dma_wait3A_506 : memref<1x128xi32, #tpu.memory_space<vmem>> -> memref<128xi32, #tpu.memory_space<vmem>>
        %dma_wait3A_508 = arith.constant 0 : i32
        %dma_wait3A_509 = tpu.memref_slice %arg6[%add3A_130, %dma_wait3A_508] : memref<64x1000000xf32, #tpu.memory_space<hbm>> -> memref<1x1000000xf32, #tpu.memory_space<hbm>>
        %dma_wait3A_510 = tpu.memref_squeeze %dma_wait3A_509 : memref<1x1000000xf32, #tpu.memory_space<hbm>> -> memref<1000000xf32, #tpu.memory_space<hbm>>
        %dma_wait3A_511 = arith.constant 0 : i32
        %dma_wait3A_512 = tpu.memref_slice %dma_wait3A_510[%dma_wait3A_511] : memref<1000000xf32, #tpu.memory_space<hbm>> -> memref<1000000xf32, #tpu.memory_space<hbm>>
        tpu.wait_indirect_dma semaphore(%arg23 : memref<!tpu.dma_semaphore, #tpu.memory_space<semaphore_mem>>) src(%dma_wait3A_512 : memref<1000000xf32, #tpu.memory_space<hbm>>) dst(%dma_wait3A_504 : memref<128xf32, #tpu.memory_space<vmem>>)
        %dma_wait3A_513 = arith.constant 0 : i32
        %dma_wait3A_514 = tpu.memref_slice %arg16[%add3A_130, %dma_wait3A_513] : memref<64x128xf32, #tpu.memory_space<vmem>> -> memref<1x128xf32, #tpu.memory_space<vmem>>
        %dma_wait3A_515 = tpu.memref_squeeze %dma_wait3A_514 : memref<1x128xf32, #tpu.memory_space<vmem>> -> memref<128xf32, #tpu.memory_space<vmem>>
        %dma_wait3A_516 = arith.constant 0 : i32
        %dma_wait3A_517 = tpu.memref_slice %arg12[%scan3A_10, %dma_wait3A_516] : memref<4x128xi32, #tpu.memory_space<vmem>> -> memref<1x128xi32, #tpu.memory_space<vmem>>
        %dma_wait3A_518 = tpu.memref_squeeze %dma_wait3A_517 : memref<1x128xi32, #tpu.memory_space<vmem>> -> memref<128xi32, #tpu.memory_space<vmem>>
        %dma_wait3A_519 = arith.constant 0 : i32
        %dma_wait3A_520 = tpu.memref_slice %arg7[%add3A_130, %dma_wait3A_519] : memref<64x1000xf32, #tpu.memory_space<hbm>> -> memref<1x1000xf32, #tpu.memory_space<hbm>>
        %dma_wait3A_521 = tpu.memref_squeeze %dma_wait3A_520 : memref<1x1000xf32, #tpu.memory_space<hbm>> -> memref<1000xf32, #tpu.memory_space<hbm>>
        %dma_wait3A_522 = arith.constant 0 : i32
        %dma_wait3A_523 = tpu.memref_slice %dma_wait3A_521[%dma_wait3A_522] : memref<1000xf32, #tpu.memory_space<hbm>> -> memref<1000xf32, #tpu.memory_space<hbm>>
        tpu.wait_indirect_dma semaphore(%arg23 : memref<!tpu.dma_semaphore, #tpu.memory_space<semaphore_mem>>) src(%dma_wait3A_523 : memref<1000xf32, #tpu.memory_space<hbm>>) dst(%dma_wait3A_515 : memref<128xf32, #tpu.memory_space<vmem>>)
        %dma_wait3A_524 = arith.constant 0 : i32
        %dma_wait3A_525 = tpu.memref_slice %arg17[%add3A_130, %dma_wait3A_524] : memref<64x128xf32, #tpu.memory_space<vmem>> -> memref<1x128xf32, #tpu.memory_space<vmem>>
        %dma_wait3A_526 = tpu.memref_squeeze %dma_wait3A_525 : memref<1x128xf32, #tpu.memory_space<vmem>> -> memref<128xf32, #tpu.memory_space<vmem>>
        %dma_wait3A_527 = arith.constant 0 : i32
        %dma_wait3A_528 = tpu.memref_slice %arg13[%scan3A_10, %dma_wait3A_527] : memref<4x128xi32, #tpu.memory_space<vmem>> -> memref<1x128xi32, #tpu.memory_space<vmem>>
        %dma_wait3A_529 = tpu.memref_squeeze %dma_wait3A_528 : memref<1x128xi32, #tpu.memory_space<vmem>> -> memref<128xi32, #tpu.memory_space<vmem>>
        %dma_wait3A_530 = arith.constant 0 : i32
        %dma_wait3A_531 = tpu.memref_slice %arg6[%add3A_130, %dma_wait3A_530] : memref<64x1000000xf32, #tpu.memory_space<hbm>> -> memref<1x1000000xf32, #tpu.memory_space<hbm>>
        %dma_wait3A_532 = tpu.memref_squeeze %dma_wait3A_531 : memref<1x1000000xf32, #tpu.memory_space<hbm>> -> memref<1000000xf32, #tpu.memory_space<hbm>>
        %dma_wait3A_533 = arith.constant 0 : i32
        %dma_wait3A_534 = tpu.memref_slice %dma_wait3A_532[%dma_wait3A_533] : memref<1000000xf32, #tpu.memory_space<hbm>> -> memref<1000000xf32, #tpu.memory_space<hbm>>
        tpu.wait_indirect_dma semaphore(%arg23 : memref<!tpu.dma_semaphore, #tpu.memory_space<semaphore_mem>>) src(%dma_wait3A_534 : memref<1000000xf32, #tpu.memory_space<hbm>>) dst(%dma_wait3A_526 : memref<128xf32, #tpu.memory_space<vmem>>)
        %dma_wait3A_535 = arith.constant 0 : i32
        %dma_wait3A_536 = tpu.memref_slice %arg18[%add3A_130, %dma_wait3A_535] : memref<64x128xf32, #tpu.memory_space<vmem>> -> memref<1x128xf32, #tpu.memory_space<vmem>>
        %dma_wait3A_537 = tpu.memref_squeeze %dma_wait3A_536 : memref<1x128xf32, #tpu.memory_space<vmem>> -> memref<128xf32, #tpu.memory_space<vmem>>
        %dma_wait3A_538 = arith.constant 0 : i32
        %dma_wait3A_539 = tpu.memref_slice %arg14[%scan3A_10, %dma_wait3A_538] : memref<4x128xi32, #tpu.memory_space<vmem>> -> memref<1x128xi32, #tpu.memory_space<vmem>>
        %dma_wait3A_540 = tpu.memref_squeeze %dma_wait3A_539 : memref<1x128xi32, #tpu.memory_space<vmem>> -> memref<128xi32, #tpu.memory_space<vmem>>
        %dma_wait3A_541 = arith.constant 0 : i32
        %dma_wait3A_542 = tpu.memref_slice %arg6[%add3A_130, %dma_wait3A_541] : memref<64x1000000xf32, #tpu.memory_space<hbm>> -> memref<1x1000000xf32, #tpu.memory_space<hbm>>
        %dma_wait3A_543 = tpu.memref_squeeze %dma_wait3A_542 : memref<1x1000000xf32, #tpu.memory_space<hbm>> -> memref<1000000xf32, #tpu.memory_space<hbm>>
        %dma_wait3A_544 = arith.constant 0 : i32
        %dma_wait3A_545 = tpu.memref_slice %dma_wait3A_543[%dma_wait3A_544] : memref<1000000xf32, #tpu.memory_space<hbm>> -> memref<1000000xf32, #tpu.memory_space<hbm>>
        tpu.wait_indirect_dma semaphore(%arg23 : memref<!tpu.dma_semaphore, #tpu.memory_space<semaphore_mem>>) src(%dma_wait3A_545 : memref<1000000xf32, #tpu.memory_space<hbm>>) dst(%dma_wait3A_537 : memref<128xf32, #tpu.memory_space<vmem>>)
        %dma_wait3A_546 = arith.constant 0 : i32
        %dma_wait3A_547 = tpu.memref_slice %arg15[%add3A_178, %dma_wait3A_546] : memref<64x128xf32, #tpu.memory_space<vmem>> -> memref<1x128xf32, #tpu.memory_space<vmem>>
        %dma_wait3A_548 = tpu.memref_squeeze %dma_wait3A_547 : memref<1x128xf32, #tpu.memory_space<vmem>> -> memref<128xf32, #tpu.memory_space<vmem>>
        %dma_wait3A_549 = arith.constant 0 : i32
        %dma_wait3A_550 = tpu.memref_slice %arg11[%scan3A_10, %dma_wait3A_549] : memref<4x128xi32, #tpu.memory_space<vmem>> -> memref<1x128xi32, #tpu.memory_space<vmem>>
        %dma_wait3A_551 = tpu.memref_squeeze %dma_wait3A_550 : memref<1x128xi32, #tpu.memory_space<vmem>> -> memref<128xi32, #tpu.memory_space<vmem>>
        %dma_wait3A_552 = arith.constant 0 : i32
        %dma_wait3A_553 = tpu.memref_slice %arg6[%add3A_178, %dma_wait3A_552] : memref<64x1000000xf32, #tpu.memory_space<hbm>> -> memref<1x1000000xf32, #tpu.memory_space<hbm>>
        %dma_wait3A_554 = tpu.memref_squeeze %dma_wait3A_553 : memref<1x1000000xf32, #tpu.memory_space<hbm>> -> memref<1000000xf32, #tpu.memory_space<hbm>>
        %dma_wait3A_555 = arith.constant 0 : i32
        %dma_wait3A_556 = tpu.memref_slice %dma_wait3A_554[%dma_wait3A_555] : memref<1000000xf32, #tpu.memory_space<hbm>> -> memref<1000000xf32, #tpu.memory_space<hbm>>
        tpu.wait_indirect_dma semaphore(%arg23 : memref<!tpu.dma_semaphore, #tpu.memory_space<semaphore_mem>>) src(%dma_wait3A_556 : memref<1000000xf32, #tpu.memory_space<hbm>>) dst(%dma_wait3A_548 : memref<128xf32, #tpu.memory_space<vmem>>)
        %dma_wait3A_557 = arith.constant 0 : i32
        %dma_wait3A_558 = tpu.memref_slice %arg16[%add3A_178, %dma_wait3A_557] : memref<64x128xf32, #tpu.memory_space<vmem>> -> memref<1x128xf32, #tpu.memory_space<vmem>>
        %dma_wait3A_559 = tpu.memref_squeeze %dma_wait3A_558 : memref<1x128xf32, #tpu.memory_space<vmem>> -> memref<128xf32, #tpu.memory_space<vmem>>
        %dma_wait3A_560 = arith.constant 0 : i32
        %dma_wait3A_561 = tpu.memref_slice %arg12[%scan3A_10, %dma_wait3A_560] : memref<4x128xi32, #tpu.memory_space<vmem>> -> memref<1x128xi32, #tpu.memory_space<vmem>>
        %dma_wait3A_562 = tpu.memref_squeeze %dma_wait3A_561 : memref<1x128xi32, #tpu.memory_space<vmem>> -> memref<128xi32, #tpu.memory_space<vmem>>
        %dma_wait3A_563 = arith.constant 0 : i32
        %dma_wait3A_564 = tpu.memref_slice %arg7[%add3A_178, %dma_wait3A_563] : memref<64x1000xf32, #tpu.memory_space<hbm>> -> memref<1x1000xf32, #tpu.memory_space<hbm>>
        %dma_wait3A_565 = tpu.memref_squeeze %dma_wait3A_564 : memref<1x1000xf32, #tpu.memory_space<hbm>> -> memref<1000xf32, #tpu.memory_space<hbm>>
        %dma_wait3A_566 = arith.constant 0 : i32
        %dma_wait3A_567 = tpu.memref_slice %dma_wait3A_565[%dma_wait3A_566] : memref<1000xf32, #tpu.memory_space<hbm>> -> memref<1000xf32, #tpu.memory_space<hbm>>
        tpu.wait_indirect_dma semaphore(%arg23 : memref<!tpu.dma_semaphore, #tpu.memory_space<semaphore_mem>>) src(%dma_wait3A_567 : memref<1000xf32, #tpu.memory_space<hbm>>) dst(%dma_wait3A_559 : memref<128xf32, #tpu.memory_space<vmem>>)
        %dma_wait3A_568 = arith.constant 0 : i32
        %dma_wait3A_569 = tpu.memref_slice %arg17[%add3A_178, %dma_wait3A_568] : memref<64x128xf32, #tpu.memory_space<vmem>> -> memref<1x128xf32, #tpu.memory_space<vmem>>
        %dma_wait3A_570 = tpu.memref_squeeze %dma_wait3A_569 : memref<1x128xf32, #tpu.memory_space<vmem>> -> memref<128xf32, #tpu.memory_space<vmem>>
        %dma_wait3A_571 = arith.constant 0 : i32
        %dma_wait3A_572 = tpu.memref_slice %arg13[%scan3A_10, %dma_wait3A_571] : memref<4x128xi32, #tpu.memory_space<vmem>> -> memref<1x128xi32, #tpu.memory_space<vmem>>
        %dma_wait3A_573 = tpu.memref_squeeze %dma_wait3A_572 : memref<1x128xi32, #tpu.memory_space<vmem>> -> memref<128xi32, #tpu.memory_space<vmem>>
        %dma_wait3A_574 = arith.constant 0 : i32
        %dma_wait3A_575 = tpu.memref_slice %arg6[%add3A_178, %dma_wait3A_574] : memref<64x1000000xf32, #tpu.memory_space<hbm>> -> memref<1x1000000xf32, #tpu.memory_space<hbm>>
        %dma_wait3A_576 = tpu.memref_squeeze %dma_wait3A_575 : memref<1x1000000xf32, #tpu.memory_space<hbm>> -> memref<1000000xf32, #tpu.memory_space<hbm>>
        %dma_wait3A_577 = arith.constant 0 : i32
        %dma_wait3A_578 = tpu.memref_slice %dma_wait3A_576[%dma_wait3A_577] : memref<1000000xf32, #tpu.memory_space<hbm>> -> memref<1000000xf32, #tpu.memory_space<hbm>>
        tpu.wait_indirect_dma semaphore(%arg23 : memref<!tpu.dma_semaphore, #tpu.memory_space<semaphore_mem>>) src(%dma_wait3A_578 : memref<1000000xf32, #tpu.memory_space<hbm>>) dst(%dma_wait3A_570 : memref<128xf32, #tpu.memory_space<vmem>>)
        %dma_wait3A_579 = arith.constant 0 : i32
        %dma_wait3A_580 = tpu.memref_slice %arg18[%add3A_178, %dma_wait3A_579] : memref<64x128xf32, #tpu.memory_space<vmem>> -> memref<1x128xf32, #tpu.memory_space<vmem>>
        %dma_wait3A_581 = tpu.memref_squeeze %dma_wait3A_580 : memref<1x128xf32, #tpu.memory_space<vmem>> -> memref<128xf32, #tpu.memory_space<vmem>>
        %dma_wait3A_582 = arith.constant 0 : i32
        %dma_wait3A_583 = tpu.memref_slice %arg14[%scan3A_10, %dma_wait3A_582] : memref<4x128xi32, #tpu.memory_space<vmem>> -> memref<1x128xi32, #tpu.memory_space<vmem>>
        %dma_wait3A_584 = tpu.memref_squeeze %dma_wait3A_583 : memref<1x128xi32, #tpu.memory_space<vmem>> -> memref<128xi32, #tpu.memory_space<vmem>>
        %dma_wait3A_585 = arith.constant 0 : i32
        %dma_wait3A_586 = tpu.memref_slice %arg6[%add3A_178, %dma_wait3A_585] : memref<64x1000000xf32, #tpu.memory_space<hbm>> -> memref<1x1000000xf32, #tpu.memory_space<hbm>>
        %dma_wait3A_587 = tpu.memref_squeeze %dma_wait3A_586 : memref<1x1000000xf32, #tpu.memory_space<hbm>> -> memref<1000000xf32, #tpu.memory_space<hbm>>
        %dma_wait3A_588 = arith.constant 0 : i32
        %dma_wait3A_589 = tpu.memref_slice %dma_wait3A_587[%dma_wait3A_588] : memref<1000000xf32, #tpu.memory_space<hbm>> -> memref<1000000xf32, #tpu.memory_space<hbm>>
        tpu.wait_indirect_dma semaphore(%arg23 : memref<!tpu.dma_semaphore, #tpu.memory_space<semaphore_mem>>) src(%dma_wait3A_589 : memref<1000000xf32, #tpu.memory_space<hbm>>) dst(%dma_wait3A_581 : memref<128xf32, #tpu.memory_space<vmem>>)
        %dma_wait3A_590 = arith.constant 0 : i32
        %dma_wait3A_591 = tpu.memref_slice %arg15[%add3A_226, %dma_wait3A_590] : memref<64x128xf32, #tpu.memory_space<vmem>> -> memref<1x128xf32, #tpu.memory_space<vmem>>
        %dma_wait3A_592 = tpu.memref_squeeze %dma_wait3A_591 : memref<1x128xf32, #tpu.memory_space<vmem>> -> memref<128xf32, #tpu.memory_space<vmem>>
        %dma_wait3A_593 = arith.constant 0 : i32
        %dma_wait3A_594 = tpu.memref_slice %arg11[%scan3A_10, %dma_wait3A_593] : memref<4x128xi32, #tpu.memory_space<vmem>> -> memref<1x128xi32, #tpu.memory_space<vmem>>
        %dma_wait3A_595 = tpu.memref_squeeze %dma_wait3A_594 : memref<1x128xi32, #tpu.memory_space<vmem>> -> memref<128xi32, #tpu.memory_space<vmem>>
        %dma_wait3A_596 = arith.constant 0 : i32
        %dma_wait3A_597 = tpu.memref_slice %arg6[%add3A_226, %dma_wait3A_596] : memref<64x1000000xf32, #tpu.memory_space<hbm>> -> memref<1x1000000xf32, #tpu.memory_space<hbm>>
        %dma_wait3A_598 = tpu.memref_squeeze %dma_wait3A_597 : memref<1x1000000xf32, #tpu.memory_space<hbm>> -> memref<1000000xf32, #tpu.memory_space<hbm>>
        %dma_wait3A_599 = arith.constant 0 : i32
        %dma_wait3A_600 = tpu.memref_slice %dma_wait3A_598[%dma_wait3A_599] : memref<1000000xf32, #tpu.memory_space<hbm>> -> memref<1000000xf32, #tpu.memory_space<hbm>>
        tpu.wait_indirect_dma semaphore(%arg23 : memref<!tpu.dma_semaphore, #tpu.memory_space<semaphore_mem>>) src(%dma_wait3A_600 : memref<1000000xf32, #tpu.memory_space<hbm>>) dst(%dma_wait3A_592 : memref<128xf32, #tpu.memory_space<vmem>>)
        %dma_wait3A_601 = arith.constant 0 : i32
        %dma_wait3A_602 = tpu.memref_slice %arg16[%add3A_226, %dma_wait3A_601] : memref<64x128xf32, #tpu.memory_space<vmem>> -> memref<1x128xf32, #tpu.memory_space<vmem>>
        %dma_wait3A_603 = tpu.memref_squeeze %dma_wait3A_602 : memref<1x128xf32, #tpu.memory_space<vmem>> -> memref<128xf32, #tpu.memory_space<vmem>>
        %dma_wait3A_604 = arith.constant 0 : i32
        %dma_wait3A_605 = tpu.memref_slice %arg12[%scan3A_10, %dma_wait3A_604] : memref<4x128xi32, #tpu.memory_space<vmem>> -> memref<1x128xi32, #tpu.memory_space<vmem>>
        %dma_wait3A_606 = tpu.memref_squeeze %dma_wait3A_605 : memref<1x128xi32, #tpu.memory_space<vmem>> -> memref<128xi32, #tpu.memory_space<vmem>>
        %dma_wait3A_607 = arith.constant 0 : i32
        %dma_wait3A_608 = tpu.memref_slice %arg7[%add3A_226, %dma_wait3A_607] : memref<64x1000xf32, #tpu.memory_space<hbm>> -> memref<1x1000xf32, #tpu.memory_space<hbm>>
        %dma_wait3A_609 = tpu.memref_squeeze %dma_wait3A_608 : memref<1x1000xf32, #tpu.memory_space<hbm>> -> memref<1000xf32, #tpu.memory_space<hbm>>
        %dma_wait3A_610 = arith.constant 0 : i32
        %dma_wait3A_611 = tpu.memref_slice %dma_wait3A_609[%dma_wait3A_610] : memref<1000xf32, #tpu.memory_space<hbm>> -> memref<1000xf32, #tpu.memory_space<hbm>>
        tpu.wait_indirect_dma semaphore(%arg23 : memref<!tpu.dma_semaphore, #tpu.memory_space<semaphore_mem>>) src(%dma_wait3A_611 : memref<1000xf32, #tpu.memory_space<hbm>>) dst(%dma_wait3A_603 : memref<128xf32, #tpu.memory_space<vmem>>)
        %dma_wait3A_612 = arith.constant 0 : i32
        %dma_wait3A_613 = tpu.memref_slice %arg17[%add3A_226, %dma_wait3A_612] : memref<64x128xf32, #tpu.memory_space<vmem>> -> memref<1x128xf32, #tpu.memory_space<vmem>>
        %dma_wait3A_614 = tpu.memref_squeeze %dma_wait3A_613 : memref<1x128xf32, #tpu.memory_space<vmem>> -> memref<128xf32, #tpu.memory_space<vmem>>
        %dma_wait3A_615 = arith.constant 0 : i32
        %dma_wait3A_616 = tpu.memref_slice %arg13[%scan3A_10, %dma_wait3A_615] : memref<4x128xi32, #tpu.memory_space<vmem>> -> memref<1x128xi32, #tpu.memory_space<vmem>>
        %dma_wait3A_617 = tpu.memref_squeeze %dma_wait3A_616 : memref<1x128xi32, #tpu.memory_space<vmem>> -> memref<128xi32, #tpu.memory_space<vmem>>
        %dma_wait3A_618 = arith.constant 0 : i32
        %dma_wait3A_619 = tpu.memref_slice %arg6[%add3A_226, %dma_wait3A_618] : memref<64x1000000xf32, #tpu.memory_space<hbm>> -> memref<1x1000000xf32, #tpu.memory_space<hbm>>
        %dma_wait3A_620 = tpu.memref_squeeze %dma_wait3A_619 : memref<1x1000000xf32, #tpu.memory_space<hbm>> -> memref<1000000xf32, #tpu.memory_space<hbm>>
        %dma_wait3A_621 = arith.constant 0 : i32
        %dma_wait3A_622 = tpu.memref_slice %dma_wait3A_620[%dma_wait3A_621] : memref<1000000xf32, #tpu.memory_space<hbm>> -> memref<1000000xf32, #tpu.memory_space<hbm>>
        tpu.wait_indirect_dma semaphore(%arg23 : memref<!tpu.dma_semaphore, #tpu.memory_space<semaphore_mem>>) src(%dma_wait3A_622 : memref<1000000xf32, #tpu.memory_space<hbm>>) dst(%dma_wait3A_614 : memref<128xf32, #tpu.memory_space<vmem>>)
        %dma_wait3A_623 = arith.constant 0 : i32
        %dma_wait3A_624 = tpu.memref_slice %arg18[%add3A_226, %dma_wait3A_623] : memref<64x128xf32, #tpu.memory_space<vmem>> -> memref<1x128xf32, #tpu.memory_space<vmem>>
        %dma_wait3A_625 = tpu.memref_squeeze %dma_wait3A_624 : memref<1x128xf32, #tpu.memory_space<vmem>> -> memref<128xf32, #tpu.memory_space<vmem>>
        %dma_wait3A_626 = arith.constant 0 : i32
        %dma_wait3A_627 = tpu.memref_slice %arg14[%scan3A_10, %dma_wait3A_626] : memref<4x128xi32, #tpu.memory_space<vmem>> -> memref<1x128xi32, #tpu.memory_space<vmem>>
        %dma_wait3A_628 = tpu.memref_squeeze %dma_wait3A_627 : memref<1x128xi32, #tpu.memory_space<vmem>> -> memref<128xi32, #tpu.memory_space<vmem>>
        %dma_wait3A_629 = arith.constant 0 : i32
        %dma_wait3A_630 = tpu.memref_slice %arg6[%add3A_226, %dma_wait3A_629] : memref<64x1000000xf32, #tpu.memory_space<hbm>> -> memref<1x1000000xf32, #tpu.memory_space<hbm>>
        %dma_wait3A_631 = tpu.memref_squeeze %dma_wait3A_630 : memref<1x1000000xf32, #tpu.memory_space<hbm>> -> memref<1000000xf32, #tpu.memory_space<hbm>>
        %dma_wait3A_632 = arith.constant 0 : i32
        %dma_wait3A_633 = tpu.memref_slice %dma_wait3A_631[%dma_wait3A_632] : memref<1000000xf32, #tpu.memory_space<hbm>> -> memref<1000000xf32, #tpu.memory_space<hbm>>
        tpu.wait_indirect_dma semaphore(%arg23 : memref<!tpu.dma_semaphore, #tpu.memory_space<semaphore_mem>>) src(%dma_wait3A_633 : memref<1000000xf32, #tpu.memory_space<hbm>>) dst(%dma_wait3A_625 : memref<128xf32, #tpu.memory_space<vmem>>)
        %dma_wait3A_634 = arith.constant 0 : i32
        %dma_wait3A_635 = tpu.memref_slice %arg15[%add3A_274, %dma_wait3A_634] : memref<64x128xf32, #tpu.memory_space<vmem>> -> memref<1x128xf32, #tpu.memory_space<vmem>>
        %dma_wait3A_636 = tpu.memref_squeeze %dma_wait3A_635 : memref<1x128xf32, #tpu.memory_space<vmem>> -> memref<128xf32, #tpu.memory_space<vmem>>
        %dma_wait3A_637 = arith.constant 0 : i32
        %dma_wait3A_638 = tpu.memref_slice %arg11[%scan3A_10, %dma_wait3A_637] : memref<4x128xi32, #tpu.memory_space<vmem>> -> memref<1x128xi32, #tpu.memory_space<vmem>>
        %dma_wait3A_639 = tpu.memref_squeeze %dma_wait3A_638 : memref<1x128xi32, #tpu.memory_space<vmem>> -> memref<128xi32, #tpu.memory_space<vmem>>
        %dma_wait3A_640 = arith.constant 0 : i32
        %dma_wait3A_641 = tpu.memref_slice %arg6[%add3A_274, %dma_wait3A_640] : memref<64x1000000xf32, #tpu.memory_space<hbm>> -> memref<1x1000000xf32, #tpu.memory_space<hbm>>
        %dma_wait3A_642 = tpu.memref_squeeze %dma_wait3A_641 : memref<1x1000000xf32, #tpu.memory_space<hbm>> -> memref<1000000xf32, #tpu.memory_space<hbm>>
        %dma_wait3A_643 = arith.constant 0 : i32
        %dma_wait3A_644 = tpu.memref_slice %dma_wait3A_642[%dma_wait3A_643] : memref<1000000xf32, #tpu.memory_space<hbm>> -> memref<1000000xf32, #tpu.memory_space<hbm>>
        tpu.wait_indirect_dma semaphore(%arg23 : memref<!tpu.dma_semaphore, #tpu.memory_space<semaphore_mem>>) src(%dma_wait3A_644 : memref<1000000xf32, #tpu.memory_space<hbm>>) dst(%dma_wait3A_636 : memref<128xf32, #tpu.memory_space<vmem>>)
        %dma_wait3A_645 = arith.constant 0 : i32
        %dma_wait3A_646 = tpu.memref_slice %arg16[%add3A_274, %dma_wait3A_645] : memref<64x128xf32, #tpu.memory_space<vmem>> -> memref<1x128xf32, #tpu.memory_space<vmem>>
        %dma_wait3A_647 = tpu.memref_squeeze %dma_wait3A_646 : memref<1x128xf32, #tpu.memory_space<vmem>> -> memref<128xf32, #tpu.memory_space<vmem>>
        %dma_wait3A_648 = arith.constant 0 : i32
        %dma_wait3A_649 = tpu.memref_slice %arg12[%scan3A_10, %dma_wait3A_648] : memref<4x128xi32, #tpu.memory_space<vmem>> -> memref<1x128xi32, #tpu.memory_space<vmem>>
        %dma_wait3A_650 = tpu.memref_squeeze %dma_wait3A_649 : memref<1x128xi32, #tpu.memory_space<vmem>> -> memref<128xi32, #tpu.memory_space<vmem>>
        %dma_wait3A_651 = arith.constant 0 : i32
        %dma_wait3A_652 = tpu.memref_slice %arg7[%add3A_274, %dma_wait3A_651] : memref<64x1000xf32, #tpu.memory_space<hbm>> -> memref<1x1000xf32, #tpu.memory_space<hbm>>
        %dma_wait3A_653 = tpu.memref_squeeze %dma_wait3A_652 : memref<1x1000xf32, #tpu.memory_space<hbm>> -> memref<1000xf32, #tpu.memory_space<hbm>>
        %dma_wait3A_654 = arith.constant 0 : i32
        %dma_wait3A_655 = tpu.memref_slice %dma_wait3A_653[%dma_wait3A_654] : memref<1000xf32, #tpu.memory_space<hbm>> -> memref<1000xf32, #tpu.memory_space<hbm>>
        tpu.wait_indirect_dma semaphore(%arg23 : memref<!tpu.dma_semaphore, #tpu.memory_space<semaphore_mem>>) src(%dma_wait3A_655 : memref<1000xf32, #tpu.memory_space<hbm>>) dst(%dma_wait3A_647 : memref<128xf32, #tpu.memory_space<vmem>>)
        %dma_wait3A_656 = arith.constant 0 : i32
        %dma_wait3A_657 = tpu.memref_slice %arg17[%add3A_274, %dma_wait3A_656] : memref<64x128xf32, #tpu.memory_space<vmem>> -> memref<1x128xf32, #tpu.memory_space<vmem>>
        %dma_wait3A_658 = tpu.memref_squeeze %dma_wait3A_657 : memref<1x128xf32, #tpu.memory_space<vmem>> -> memref<128xf32, #tpu.memory_space<vmem>>
        %dma_wait3A_659 = arith.constant 0 : i32
        %dma_wait3A_660 = tpu.memref_slice %arg13[%scan3A_10, %dma_wait3A_659] : memref<4x128xi32, #tpu.memory_space<vmem>> -> memref<1x128xi32, #tpu.memory_space<vmem>>
        %dma_wait3A_661 = tpu.memref_squeeze %dma_wait3A_660 : memref<1x128xi32, #tpu.memory_space<vmem>> -> memref<128xi32, #tpu.memory_space<vmem>>
        %dma_wait3A_662 = arith.constant 0 : i32
        %dma_wait3A_663 = tpu.memref_slice %arg6[%add3A_274, %dma_wait3A_662] : memref<64x1000000xf32, #tpu.memory_space<hbm>> -> memref<1x1000000xf32, #tpu.memory_space<hbm>>
        %dma_wait3A_664 = tpu.memref_squeeze %dma_wait3A_663 : memref<1x1000000xf32, #tpu.memory_space<hbm>> -> memref<1000000xf32, #tpu.memory_space<hbm>>
        %dma_wait3A_665 = arith.constant 0 : i32
        %dma_wait3A_666 = tpu.memref_slice %dma_wait3A_664[%dma_wait3A_665] : memref<1000000xf32, #tpu.memory_space<hbm>> -> memref<1000000xf32, #tpu.memory_space<hbm>>
        tpu.wait_indirect_dma semaphore(%arg23 : memref<!tpu.dma_semaphore, #tpu.memory_space<semaphore_mem>>) src(%dma_wait3A_666 : memref<1000000xf32, #tpu.memory_space<hbm>>) dst(%dma_wait3A_658 : memref<128xf32, #tpu.memory_space<vmem>>)
        %dma_wait3A_667 = arith.constant 0 : i32
        %dma_wait3A_668 = tpu.memref_slice %arg18[%add3A_274, %dma_wait3A_667] : memref<64x128xf32, #tpu.memory_space<vmem>> -> memref<1x128xf32, #tpu.memory_space<vmem>>
        %dma_wait3A_669 = tpu.memref_squeeze %dma_wait3A_668 : memref<1x128xf32, #tpu.memory_space<vmem>> -> memref<128xf32, #tpu.memory_space<vmem>>
        %dma_wait3A_670 = arith.constant 0 : i32
        %dma_wait3A_671 = tpu.memref_slice %arg14[%scan3A_10, %dma_wait3A_670] : memref<4x128xi32, #tpu.memory_space<vmem>> -> memref<1x128xi32, #tpu.memory_space<vmem>>
        %dma_wait3A_672 = tpu.memref_squeeze %dma_wait3A_671 : memref<1x128xi32, #tpu.memory_space<vmem>> -> memref<128xi32, #tpu.memory_space<vmem>>
        %dma_wait3A_673 = arith.constant 0 : i32
        %dma_wait3A_674 = tpu.memref_slice %arg6[%add3A_274, %dma_wait3A_673] : memref<64x1000000xf32, #tpu.memory_space<hbm>> -> memref<1x1000000xf32, #tpu.memory_space<hbm>>
        %dma_wait3A_675 = tpu.memref_squeeze %dma_wait3A_674 : memref<1x1000000xf32, #tpu.memory_space<hbm>> -> memref<1000000xf32, #tpu.memory_space<hbm>>
        %dma_wait3A_676 = arith.constant 0 : i32
        %dma_wait3A_677 = tpu.memref_slice %dma_wait3A_675[%dma_wait3A_676] : memref<1000000xf32, #tpu.memory_space<hbm>> -> memref<1000000xf32, #tpu.memory_space<hbm>>
        tpu.wait_indirect_dma semaphore(%arg23 : memref<!tpu.dma_semaphore, #tpu.memory_space<semaphore_mem>>) src(%dma_wait3A_677 : memref<1000000xf32, #tpu.memory_space<hbm>>) dst(%dma_wait3A_669 : memref<128xf32, #tpu.memory_space<vmem>>)
        %dma_wait3A_678 = arith.constant 0 : i32
        %dma_wait3A_679 = tpu.memref_slice %arg15[%add3A_322, %dma_wait3A_678] : memref<64x128xf32, #tpu.memory_space<vmem>> -> memref<1x128xf32, #tpu.memory_space<vmem>>
        %dma_wait3A_680 = tpu.memref_squeeze %dma_wait3A_679 : memref<1x128xf32, #tpu.memory_space<vmem>> -> memref<128xf32, #tpu.memory_space<vmem>>
        %dma_wait3A_681 = arith.constant 0 : i32
        %dma_wait3A_682 = tpu.memref_slice %arg11[%scan3A_10, %dma_wait3A_681] : memref<4x128xi32, #tpu.memory_space<vmem>> -> memref<1x128xi32, #tpu.memory_space<vmem>>
        %dma_wait3A_683 = tpu.memref_squeeze %dma_wait3A_682 : memref<1x128xi32, #tpu.memory_space<vmem>> -> memref<128xi32, #tpu.memory_space<vmem>>
        %dma_wait3A_684 = arith.constant 0 : i32
        %dma_wait3A_685 = tpu.memref_slice %arg6[%add3A_322, %dma_wait3A_684] : memref<64x1000000xf32, #tpu.memory_space<hbm>> -> memref<1x1000000xf32, #tpu.memory_space<hbm>>
        %dma_wait3A_686 = tpu.memref_squeeze %dma_wait3A_685 : memref<1x1000000xf32, #tpu.memory_space<hbm>> -> memref<1000000xf32, #tpu.memory_space<hbm>>
        %dma_wait3A_687 = arith.constant 0 : i32
        %dma_wait3A_688 = tpu.memref_slice %dma_wait3A_686[%dma_wait3A_687] : memref<1000000xf32, #tpu.memory_space<hbm>> -> memref<1000000xf32, #tpu.memory_space<hbm>>
        tpu.wait_indirect_dma semaphore(%arg23 : memref<!tpu.dma_semaphore, #tpu.memory_space<semaphore_mem>>) src(%dma_wait3A_688 : memref<1000000xf32, #tpu.memory_space<hbm>>) dst(%dma_wait3A_680 : memref<128xf32, #tpu.memory_space<vmem>>)
        %dma_wait3A_689 = arith.constant 0 : i32
        %dma_wait3A_690 = tpu.memref_slice %arg16[%add3A_322, %dma_wait3A_689] : memref<64x128xf32, #tpu.memory_space<vmem>> -> memref<1x128xf32, #tpu.memory_space<vmem>>
        %dma_wait3A_691 = tpu.memref_squeeze %dma_wait3A_690 : memref<1x128xf32, #tpu.memory_space<vmem>> -> memref<128xf32, #tpu.memory_space<vmem>>
        %dma_wait3A_692 = arith.constant 0 : i32
        %dma_wait3A_693 = tpu.memref_slice %arg12[%scan3A_10, %dma_wait3A_692] : memref<4x128xi32, #tpu.memory_space<vmem>> -> memref<1x128xi32, #tpu.memory_space<vmem>>
        %dma_wait3A_694 = tpu.memref_squeeze %dma_wait3A_693 : memref<1x128xi32, #tpu.memory_space<vmem>> -> memref<128xi32, #tpu.memory_space<vmem>>
        %dma_wait3A_695 = arith.constant 0 : i32
        %dma_wait3A_696 = tpu.memref_slice %arg7[%add3A_322, %dma_wait3A_695] : memref<64x1000xf32, #tpu.memory_space<hbm>> -> memref<1x1000xf32, #tpu.memory_space<hbm>>
        %dma_wait3A_697 = tpu.memref_squeeze %dma_wait3A_696 : memref<1x1000xf32, #tpu.memory_space<hbm>> -> memref<1000xf32, #tpu.memory_space<hbm>>
        %dma_wait3A_698 = arith.constant 0 : i32
        %dma_wait3A_699 = tpu.memref_slice %dma_wait3A_697[%dma_wait3A_698] : memref<1000xf32, #tpu.memory_space<hbm>> -> memref<1000xf32, #tpu.memory_space<hbm>>
        tpu.wait_indirect_dma semaphore(%arg23 : memref<!tpu.dma_semaphore, #tpu.memory_space<semaphore_mem>>) src(%dma_wait3A_699 : memref<1000xf32, #tpu.memory_space<hbm>>) dst(%dma_wait3A_691 : memref<128xf32, #tpu.memory_space<vmem>>)
        %dma_wait3A_700 = arith.constant 0 : i32
        %dma_wait3A_701 = tpu.memref_slice %arg17[%add3A_322, %dma_wait3A_700] : memref<64x128xf32, #tpu.memory_space<vmem>> -> memref<1x128xf32, #tpu.memory_space<vmem>>
        %dma_wait3A_702 = tpu.memref_squeeze %dma_wait3A_701 : memref<1x128xf32, #tpu.memory_space<vmem>> -> memref<128xf32, #tpu.memory_space<vmem>>
        %dma_wait3A_703 = arith.constant 0 : i32
        %dma_wait3A_704 = tpu.memref_slice %arg13[%scan3A_10, %dma_wait3A_703] : memref<4x128xi32, #tpu.memory_space<vmem>> -> memref<1x128xi32, #tpu.memory_space<vmem>>
        %dma_wait3A_705 = tpu.memref_squeeze %dma_wait3A_704 : memref<1x128xi32, #tpu.memory_space<vmem>> -> memref<128xi32, #tpu.memory_space<vmem>>
        %dma_wait3A_706 = arith.constant 0 : i32
        %dma_wait3A_707 = tpu.memref_slice %arg6[%add3A_322, %dma_wait3A_706] : memref<64x1000000xf32, #tpu.memory_space<hbm>> -> memref<1x1000000xf32, #tpu.memory_space<hbm>>
        %dma_wait3A_708 = tpu.memref_squeeze %dma_wait3A_707 : memref<1x1000000xf32, #tpu.memory_space<hbm>> -> memref<1000000xf32, #tpu.memory_space<hbm>>
        %dma_wait3A_709 = arith.constant 0 : i32
        %dma_wait3A_710 = tpu.memref_slice %dma_wait3A_708[%dma_wait3A_709] : memref<1000000xf32, #tpu.memory_space<hbm>> -> memref<1000000xf32, #tpu.memory_space<hbm>>
        tpu.wait_indirect_dma semaphore(%arg23 : memref<!tpu.dma_semaphore, #tpu.memory_space<semaphore_mem>>) src(%dma_wait3A_710 : memref<1000000xf32, #tpu.memory_space<hbm>>) dst(%dma_wait3A_702 : memref<128xf32, #tpu.memory_space<vmem>>)
        %dma_wait3A_711 = arith.constant 0 : i32
        %dma_wait3A_712 = tpu.memref_slice %arg18[%add3A_322, %dma_wait3A_711] : memref<64x128xf32, #tpu.memory_space<vmem>> -> memref<1x128xf32, #tpu.memory_space<vmem>>
        %dma_wait3A_713 = tpu.memref_squeeze %dma_wait3A_712 : memref<1x128xf32, #tpu.memory_space<vmem>> -> memref<128xf32, #tpu.memory_space<vmem>>
        %dma_wait3A_714 = arith.constant 0 : i32
        %dma_wait3A_715 = tpu.memref_slice %arg14[%scan3A_10, %dma_wait3A_714] : memref<4x128xi32, #tpu.memory_space<vmem>> -> memref<1x128xi32, #tpu.memory_space<vmem>>
        %dma_wait3A_716 = tpu.memref_squeeze %dma_wait3A_715 : memref<1x128xi32, #tpu.memory_space<vmem>> -> memref<128xi32, #tpu.memory_space<vmem>>
        %dma_wait3A_717 = arith.constant 0 : i32
        %dma_wait3A_718 = tpu.memref_slice %arg6[%add3A_322, %dma_wait3A_717] : memref<64x1000000xf32, #tpu.memory_space<hbm>> -> memref<1x1000000xf32, #tpu.memory_space<hbm>>
        %dma_wait3A_719 = tpu.memref_squeeze %dma_wait3A_718 : memref<1x1000000xf32, #tpu.memory_space<hbm>> -> memref<1000000xf32, #tpu.memory_space<hbm>>
        %dma_wait3A_720 = arith.constant 0 : i32
        %dma_wait3A_721 = tpu.memref_slice %dma_wait3A_719[%dma_wait3A_720] : memref<1000000xf32, #tpu.memory_space<hbm>> -> memref<1000000xf32, #tpu.memory_space<hbm>>
        tpu.wait_indirect_dma semaphore(%arg23 : memref<!tpu.dma_semaphore, #tpu.memory_space<semaphore_mem>>) src(%dma_wait3A_721 : memref<1000000xf32, #tpu.memory_space<hbm>>) dst(%dma_wait3A_713 : memref<128xf32, #tpu.memory_space<vmem>>)
        %dma_wait3A_722 = arith.constant 0 : i32
        %dma_wait3A_723 = tpu.memref_slice %arg15[%add3A_370, %dma_wait3A_722] : memref<64x128xf32, #tpu.memory_space<vmem>> -> memref<1x128xf32, #tpu.memory_space<vmem>>
        %dma_wait3A_724 = tpu.memref_squeeze %dma_wait3A_723 : memref<1x128xf32, #tpu.memory_space<vmem>> -> memref<128xf32, #tpu.memory_space<vmem>>
        %dma_wait3A_725 = arith.constant 0 : i32
        %dma_wait3A_726 = tpu.memref_slice %arg11[%scan3A_10, %dma_wait3A_725] : memref<4x128xi32, #tpu.memory_space<vmem>> -> memref<1x128xi32, #tpu.memory_space<vmem>>
        %dma_wait3A_727 = tpu.memref_squeeze %dma_wait3A_726 : memref<1x128xi32, #tpu.memory_space<vmem>> -> memref<128xi32, #tpu.memory_space<vmem>>
        %dma_wait3A_728 = arith.constant 0 : i32
        %dma_wait3A_729 = tpu.memref_slice %arg6[%add3A_370, %dma_wait3A_728] : memref<64x1000000xf32, #tpu.memory_space<hbm>> -> memref<1x1000000xf32, #tpu.memory_space<hbm>>
        %dma_wait3A_730 = tpu.memref_squeeze %dma_wait3A_729 : memref<1x1000000xf32, #tpu.memory_space<hbm>> -> memref<1000000xf32, #tpu.memory_space<hbm>>
        %dma_wait3A_731 = arith.constant 0 : i32
        %dma_wait3A_732 = tpu.memref_slice %dma_wait3A_730[%dma_wait3A_731] : memref<1000000xf32, #tpu.memory_space<hbm>> -> memref<1000000xf32, #tpu.memory_space<hbm>>
        tpu.wait_indirect_dma semaphore(%arg23 : memref<!tpu.dma_semaphore, #tpu.memory_space<semaphore_mem>>) src(%dma_wait3A_732 : memref<1000000xf32, #tpu.memory_space<hbm>>) dst(%dma_wait3A_724 : memref<128xf32, #tpu.memory_space<vmem>>)
        %dma_wait3A_733 = arith.constant 0 : i32
        %dma_wait3A_734 = tpu.memref_slice %arg16[%add3A_370, %dma_wait3A_733] : memref<64x128xf32, #tpu.memory_space<vmem>> -> memref<1x128xf32, #tpu.memory_space<vmem>>
        %dma_wait3A_735 = tpu.memref_squeeze %dma_wait3A_734 : memref<1x128xf32, #tpu.memory_space<vmem>> -> memref<128xf32, #tpu.memory_space<vmem>>
        %dma_wait3A_736 = arith.constant 0 : i32
        %dma_wait3A_737 = tpu.memref_slice %arg12[%scan3A_10, %dma_wait3A_736] : memref<4x128xi32, #tpu.memory_space<vmem>> -> memref<1x128xi32, #tpu.memory_space<vmem>>
        %dma_wait3A_738 = tpu.memref_squeeze %dma_wait3A_737 : memref<1x128xi32, #tpu.memory_space<vmem>> -> memref<128xi32, #tpu.memory_space<vmem>>
        %dma_wait3A_739 = arith.constant 0 : i32
        %dma_wait3A_740 = tpu.memref_slice %arg7[%add3A_370, %dma_wait3A_739] : memref<64x1000xf32, #tpu.memory_space<hbm>> -> memref<1x1000xf32, #tpu.memory_space<hbm>>
        %dma_wait3A_741 = tpu.memref_squeeze %dma_wait3A_740 : memref<1x1000xf32, #tpu.memory_space<hbm>> -> memref<1000xf32, #tpu.memory_space<hbm>>
        %dma_wait3A_742 = arith.constant 0 : i32
        %dma_wait3A_743 = tpu.memref_slice %dma_wait3A_741[%dma_wait3A_742] : memref<1000xf32, #tpu.memory_space<hbm>> -> memref<1000xf32, #tpu.memory_space<hbm>>
        tpu.wait_indirect_dma semaphore(%arg23 : memref<!tpu.dma_semaphore, #tpu.memory_space<semaphore_mem>>) src(%dma_wait3A_743 : memref<1000xf32, #tpu.memory_space<hbm>>) dst(%dma_wait3A_735 : memref<128xf32, #tpu.memory_space<vmem>>)
        %dma_wait3A_744 = arith.constant 0 : i32
        %dma_wait3A_745 = tpu.memref_slice %arg17[%add3A_370, %dma_wait3A_744] : memref<64x128xf32, #tpu.memory_space<vmem>> -> memref<1x128xf32, #tpu.memory_space<vmem>>
        %dma_wait3A_746 = tpu.memref_squeeze %dma_wait3A_745 : memref<1x128xf32, #tpu.memory_space<vmem>> -> memref<128xf32, #tpu.memory_space<vmem>>
        %dma_wait3A_747 = arith.constant 0 : i32
        %dma_wait3A_748 = tpu.memref_slice %arg13[%scan3A_10, %dma_wait3A_747] : memref<4x128xi32, #tpu.memory_space<vmem>> -> memref<1x128xi32, #tpu.memory_space<vmem>>
        %dma_wait3A_749 = tpu.memref_squeeze %dma_wait3A_748 : memref<1x128xi32, #tpu.memory_space<vmem>> -> memref<128xi32, #tpu.memory_space<vmem>>
        %dma_wait3A_750 = arith.constant 0 : i32
        %dma_wait3A_751 = tpu.memref_slice %arg6[%add3A_370, %dma_wait3A_750] : memref<64x1000000xf32, #tpu.memory_space<hbm>> -> memref<1x1000000xf32, #tpu.memory_space<hbm>>
        %dma_wait3A_752 = tpu.memref_squeeze %dma_wait3A_751 : memref<1x1000000xf32, #tpu.memory_space<hbm>> -> memref<1000000xf32, #tpu.memory_space<hbm>>
        %dma_wait3A_753 = arith.constant 0 : i32
        %dma_wait3A_754 = tpu.memref_slice %dma_wait3A_752[%dma_wait3A_753] : memref<1000000xf32, #tpu.memory_space<hbm>> -> memref<1000000xf32, #tpu.memory_space<hbm>>
        tpu.wait_indirect_dma semaphore(%arg23 : memref<!tpu.dma_semaphore, #tpu.memory_space<semaphore_mem>>) src(%dma_wait3A_754 : memref<1000000xf32, #tpu.memory_space<hbm>>) dst(%dma_wait3A_746 : memref<128xf32, #tpu.memory_space<vmem>>)
        %dma_wait3A_755 = arith.constant 0 : i32
        %dma_wait3A_756 = tpu.memref_slice %arg18[%add3A_370, %dma_wait3A_755] : memref<64x128xf32, #tpu.memory_space<vmem>> -> memref<1x128xf32, #tpu.memory_space<vmem>>
        %dma_wait3A_757 = tpu.memref_squeeze %dma_wait3A_756 : memref<1x128xf32, #tpu.memory_space<vmem>> -> memref<128xf32, #tpu.memory_space<vmem>>
        %dma_wait3A_758 = arith.constant 0 : i32
        %dma_wait3A_759 = tpu.memref_slice %arg14[%scan3A_10, %dma_wait3A_758] : memref<4x128xi32, #tpu.memory_space<vmem>> -> memref<1x128xi32, #tpu.memory_space<vmem>>
        %dma_wait3A_760 = tpu.memref_squeeze %dma_wait3A_759 : memref<1x128xi32, #tpu.memory_space<vmem>> -> memref<128xi32, #tpu.memory_space<vmem>>
        %dma_wait3A_761 = arith.constant 0 : i32
        %dma_wait3A_762 = tpu.memref_slice %arg6[%add3A_370, %dma_wait3A_761] : memref<64x1000000xf32, #tpu.memory_space<hbm>> -> memref<1x1000000xf32, #tpu.memory_space<hbm>>
        %dma_wait3A_763 = tpu.memref_squeeze %dma_wait3A_762 : memref<1x1000000xf32, #tpu.memory_space<hbm>> -> memref<1000000xf32, #tpu.memory_space<hbm>>
        %dma_wait3A_764 = arith.constant 0 : i32
        %dma_wait3A_765 = tpu.memref_slice %dma_wait3A_763[%dma_wait3A_764] : memref<1000000xf32, #tpu.memory_space<hbm>> -> memref<1000000xf32, #tpu.memory_space<hbm>>
        tpu.wait_indirect_dma semaphore(%arg23 : memref<!tpu.dma_semaphore, #tpu.memory_space<semaphore_mem>>) src(%dma_wait3A_765 : memref<1000000xf32, #tpu.memory_space<hbm>>) dst(%dma_wait3A_757 : memref<128xf32, #tpu.memory_space<vmem>>)
      }
      %scan3A_20 = arith.constant 8 : i32
      %scan3A_21 = arith.constant 0 : i32
      %scan3A_22 = arith.constant 8 : i32
      %scan3A_23 = arith.addi %scan3A_21, %scan3A_22 : i32
      %scan3A_24 = arith.constant 1 : i32
      %scan3A_25 = scf.for %scan3A_31 = %scan3A_21 to %scan3A_23 step %scan3A_24 iter_args(%scan3A_32 = %scan3A_11) -> (vector<16xf32>)  : i32 {
        %mul3A_33 = arith.constant 16 : i32
        %mul3A_34 = arith.muli %scan3A_31, %mul3A_33 : i32
        %scan3A_35 = arith.constant 0 : i32
        %scan3A_36 = arith.constant 64 : i32
        %scan3A_37 = arith.addi %scan3A_35, %scan3A_36 : i32
        %scan3A_38 = arith.constant 1 : i32
        %scan3A_39:3 = scf.for %scan3A_328 = %scan3A_35 to %scan3A_37 step %scan3A_38 iter_args(%scan3A_329 = %broadcast_in_dim3A_3, %scan3A_330 = %broadcast_in_dim3A_3, %scan3A_331 = %broadcast_in_dim3A_3) -> (vector<16xf32>, vector<16xf32>, vector<16xf32>)  : i32 {
          %get3A = arith.index_cast %scan3A_328 : i32 to index
          %get3A_332 = arith.index_cast %mul3A_34 : i32 to index
          %get3A_333 = tpu.vector_load %arg15[%get3A, %get3A_332] {strides = array<i32>} : memref<64x128xf32, #tpu.memory_space<vmem>>, vector<16xf32>,
          %get3A_334 = arith.index_cast %scan3A_328 : i32 to index
          %get3A_335 = arith.index_cast %mul3A_34 : i32 to index
          %get3A_336 = tpu.vector_load %arg17[%get3A_334, %get3A_335] {strides = array<i32>} : memref<64x128xf32, #tpu.memory_space<vmem>>, vector<16xf32>,
          %get3A_337 = arith.index_cast %scan3A_328 : i32 to index
          %get3A_338 = arith.index_cast %mul3A_34 : i32 to index
          %get3A_339 = tpu.vector_load %arg18[%get3A_337, %get3A_338] {strides = array<i32>} : memref<64x128xf32, #tpu.memory_space<vmem>>, vector<16xf32>,
          %mul3A_340 = arith.mulf %get3A_333, %get3A_333 : vector<16xf32>
          %add3A_341 = arith.addf %scan3A_329, %mul3A_340 : vector<16xf32>
          %mul3A_342 = arith.mulf %get3A_336, %get3A_336 : vector<16xf32>
          %add3A_343 = arith.addf %scan3A_330, %mul3A_342 : vector<16xf32>
          %mul3A_344 = arith.mulf %get3A_339, %get3A_339 : vector<16xf32>
          %add3A_345 = arith.addf %scan3A_331, %mul3A_344 : vector<16xf32>
          scf.yield %add3A_341, %add3A_343, %add3A_345 : vector<16xf32>, vector<16xf32>, vector<16xf32>
        }
        %scan3A_40 = arith.constant 64 : i32
        %max3A = arith.constant 1.000000e-24 : f32
        %max3A_41 = vector.broadcast %max3A : f32 to vector<16xf32>
        %max3A_42 = arith.maximumf %scan3A_39#0, %max3A_41 : vector<16xf32>
        %bitcast3A = vector.bitcast %max3A_42 : vector<16xf32> to vector<16xi32>
        %shift_right_arithmetic3A = arith.constant 1 : i32
        %shift_right_arithmetic3A_43 = vector.broadcast %shift_right_arithmetic3A : i32 to vector<16xi32>
        %shift_right_arithmetic3A_44 = arith.shrsi %bitcast3A, %shift_right_arithmetic3A_43 : vector<16xi32>
        %sub3A = arith.constant 1597463007 : i32
        %sub3A_45 = vector.broadcast %sub3A : i32 to vector<16xi32>
        %sub3A_46 = arith.subi %sub3A_45, %shift_right_arithmetic3A_44 : vector<16xi32>
        %bitcast3A_47 = vector.bitcast %sub3A_46 : vector<16xi32> to vector<16xf32>
        %mul3A_48 = arith.constant 5.000000e-01 : f32
        %mul3A_49 = vector.broadcast %mul3A_48 : f32 to vector<16xf32>
        %mul3A_50 = arith.mulf %mul3A_49, %max3A_42 : vector<16xf32>
        %mul3A_51 = arith.mulf %mul3A_50, %bitcast3A_47 : vector<16xf32>
        %mul3A_52 = arith.mulf %mul3A_51, %bitcast3A_47 : vector<16xf32>
        %sub3A_53 = arith.constant 1.500000e+00 : f32
        %sub3A_54 = vector.broadcast %sub3A_53 : f32 to vector<16xf32>
        %sub3A_55 = arith.subf %sub3A_54, %mul3A_52 : vector<16xf32>
        %mul3A_56 = arith.mulf %bitcast3A_47, %sub3A_55 : vector<16xf32>
        %mul3A_57 = arith.constant 5.000000e-01 : f32
        %mul3A_58 = vector.broadcast %mul3A_57 : f32 to vector<16xf32>
        %mul3A_59 = arith.mulf %mul3A_58, %max3A_42 : vector<16xf32>
        %mul3A_60 = arith.mulf %mul3A_59, %mul3A_56 : vector<16xf32>
        %mul3A_61 = arith.mulf %mul3A_60, %mul3A_56 : vector<16xf32>
        %sub3A_62 = arith.constant 1.500000e+00 : f32
        %sub3A_63 = vector.broadcast %sub3A_62 : f32 to vector<16xf32>
        %sub3A_64 = arith.subf %sub3A_63, %mul3A_61 : vector<16xf32>
        %mul3A_65 = arith.mulf %mul3A_56, %sub3A_64 : vector<16xf32>
        %mul3A_66 = arith.constant 5.000000e-01 : f32
        %mul3A_67 = vector.broadcast %mul3A_66 : f32 to vector<16xf32>
        %mul3A_68 = arith.mulf %mul3A_67, %max3A_42 : vector<16xf32>
        %mul3A_69 = arith.mulf %mul3A_68, %mul3A_65 : vector<16xf32>
        %mul3A_70 = arith.mulf %mul3A_69, %mul3A_65 : vector<16xf32>
        %sub3A_71 = arith.constant 1.500000e+00 : f32
        %sub3A_72 = vector.broadcast %sub3A_71 : f32 to vector<16xf32>
        %sub3A_73 = arith.subf %sub3A_72, %mul3A_70 : vector<16xf32>
        %mul3A_74 = arith.mulf %mul3A_65, %sub3A_73 : vector<16xf32>
        %max3A_75 = arith.constant 1.000000e-24 : f32
        %max3A_76 = vector.broadcast %max3A_75 : f32 to vector<16xf32>
        %max3A_77 = arith.maximumf %scan3A_39#1, %max3A_76 : vector<16xf32>
        %bitcast3A_78 = vector.bitcast %max3A_77 : vector<16xf32> to vector<16xi32>
        %shift_right_arithmetic3A_79 = arith.constant 1 : i32
        %shift_right_arithmetic3A_80 = vector.broadcast %shift_right_arithmetic3A_79 : i32 to vector<16xi32>
        %shift_right_arithmetic3A_81 = arith.shrsi %bitcast3A_78, %shift_right_arithmetic3A_80 : vector<16xi32>
        %sub3A_82 = arith.constant 1597463007 : i32
        %sub3A_83 = vector.broadcast %sub3A_82 : i32 to vector<16xi32>
        %sub3A_84 = arith.subi %sub3A_83, %shift_right_arithmetic3A_81 : vector<16xi32>
        %bitcast3A_85 = vector.bitcast %sub3A_84 : vector<16xi32> to vector<16xf32>
        %mul3A_86 = arith.constant 5.000000e-01 : f32
        %mul3A_87 = vector.broadcast %mul3A_86 : f32 to vector<16xf32>
        %mul3A_88 = arith.mulf %mul3A_87, %max3A_77 : vector<16xf32>
        %mul3A_89 = arith.mulf %mul3A_88, %bitcast3A_85 : vector<16xf32>
        %mul3A_90 = arith.mulf %mul3A_89, %bitcast3A_85 : vector<16xf32>
        %sub3A_91 = arith.constant 1.500000e+00 : f32
        %sub3A_92 = vector.broadcast %sub3A_91 : f32 to vector<16xf32>
        %sub3A_93 = arith.subf %sub3A_92, %mul3A_90 : vector<16xf32>
        %mul3A_94 = arith.mulf %bitcast3A_85, %sub3A_93 : vector<16xf32>
        %mul3A_95 = arith.constant 5.000000e-01 : f32
        %mul3A_96 = vector.broadcast %mul3A_95 : f32 to vector<16xf32>
        %mul3A_97 = arith.mulf %mul3A_96, %max3A_77 : vector<16xf32>
        %mul3A_98 = arith.mulf %mul3A_97, %mul3A_94 : vector<16xf32>
        %mul3A_99 = arith.mulf %mul3A_98, %mul3A_94 : vector<16xf32>
        %sub3A_100 = arith.constant 1.500000e+00 : f32
        %sub3A_101 = vector.broadcast %sub3A_100 : f32 to vector<16xf32>
        %sub3A_102 = arith.subf %sub3A_101, %mul3A_99 : vector<16xf32>
        %mul3A_103 = arith.mulf %mul3A_94, %sub3A_102 : vector<16xf32>
        %mul3A_104 = arith.constant 5.000000e-01 : f32
        %mul3A_105 = vector.broadcast %mul3A_104 : f32 to vector<16xf32>
        %mul3A_106 = arith.mulf %mul3A_105, %max3A_77 : vector<16xf32>
        %mul3A_107 = arith.mulf %mul3A_106, %mul3A_103 : vector<16xf32>
        %mul3A_108 = arith.mulf %mul3A_107, %mul3A_103 : vector<16xf32>
        %sub3A_109 = arith.constant 1.500000e+00 : f32
        %sub3A_110 = vector.broadcast %sub3A_109 : f32 to vector<16xf32>
        %sub3A_111 = arith.subf %sub3A_110, %mul3A_108 : vector<16xf32>
        %mul3A_112 = arith.mulf %mul3A_103, %sub3A_111 : vector<16xf32>
        %max3A_113 = arith.constant 1.000000e-24 : f32
        %max3A_114 = vector.broadcast %max3A_113 : f32 to vector<16xf32>
        %max3A_115 = arith.maximumf %scan3A_39#2, %max3A_114 : vector<16xf32>
        %bitcast3A_116 = vector.bitcast %max3A_115 : vector<16xf32> to vector<16xi32>
        %shift_right_arithmetic3A_117 = arith.constant 1 : i32
        %shift_right_arithmetic3A_118 = vector.broadcast %shift_right_arithmetic3A_117 : i32 to vector<16xi32>
        %shift_right_arithmetic3A_119 = arith.shrsi %bitcast3A_116, %shift_right_arithmetic3A_118 : vector<16xi32>
        %sub3A_120 = arith.constant 1597463007 : i32
        %sub3A_121 = vector.broadcast %sub3A_120 : i32 to vector<16xi32>
        %sub3A_122 = arith.subi %sub3A_121, %shift_right_arithmetic3A_119 : vector<16xi32>
        %bitcast3A_123 = vector.bitcast %sub3A_122 : vector<16xi32> to vector<16xf32>
        %mul3A_124 = arith.constant 5.000000e-01 : f32
        %mul3A_125 = vector.broadcast %mul3A_124 : f32 to vector<16xf32>
        %mul3A_126 = arith.mulf %mul3A_125, %max3A_115 : vector<16xf32>
        %mul3A_127 = arith.mulf %mul3A_126, %bitcast3A_123 : vector<16xf32>
        %mul3A_128 = arith.mulf %mul3A_127, %bitcast3A_123 : vector<16xf32>
        %sub3A_129 = arith.constant 1.500000e+00 : f32
        %sub3A_130 = vector.broadcast %sub3A_129 : f32 to vector<16xf32>
        %sub3A_131 = arith.subf %sub3A_130, %mul3A_128 : vector<16xf32>
        %mul3A_132 = arith.mulf %bitcast3A_123, %sub3A_131 : vector<16xf32>
        %mul3A_133 = arith.constant 5.000000e-01 : f32
        %mul3A_134 = vector.broadcast %mul3A_133 : f32 to vector<16xf32>
        %mul3A_135 = arith.mulf %mul3A_134, %max3A_115 : vector<16xf32>
        %mul3A_136 = arith.mulf %mul3A_135, %mul3A_132 : vector<16xf32>
        %mul3A_137 = arith.mulf %mul3A_136, %mul3A_132 : vector<16xf32>
        %sub3A_138 = arith.constant 1.500000e+00 : f32
        %sub3A_139 = vector.broadcast %sub3A_138 : f32 to vector<16xf32>
        %sub3A_140 = arith.subf %sub3A_139, %mul3A_137 : vector<16xf32>
        %mul3A_141 = arith.mulf %mul3A_132, %sub3A_140 : vector<16xf32>
        %mul3A_142 = arith.constant 5.000000e-01 : f32
        %mul3A_143 = vector.broadcast %mul3A_142 : f32 to vector<16xf32>
        %mul3A_144 = arith.mulf %mul3A_143, %max3A_115 : vector<16xf32>
        %mul3A_145 = arith.mulf %mul3A_144, %mul3A_141 : vector<16xf32>
        %mul3A_146 = arith.mulf %mul3A_145, %mul3A_141 : vector<16xf32>
        %sub3A_147 = arith.constant 1.500000e+00 : f32
        %sub3A_148 = vector.broadcast %sub3A_147 : f32 to vector<16xf32>
        %sub3A_149 = arith.subf %sub3A_148, %mul3A_146 : vector<16xf32>
        %mul3A_150 = arith.mulf %mul3A_141, %sub3A_149 : vector<16xf32>
        %scan3A_151 = arith.constant 0 : i32
        %scan3A_152 = arith.constant 64 : i32
        %scan3A_153 = arith.addi %scan3A_151, %scan3A_152 : i32
        %scan3A_154 = arith.constant 1 : i32
        %scan3A_155:4 = scf.for %scan3A_328 = %scan3A_151 to %scan3A_153 step %scan3A_154 iter_args(%scan3A_329 = %broadcast_in_dim3A_3, %scan3A_330 = %broadcast_in_dim3A_3, %scan3A_331 = %broadcast_in_dim3A_3, %scan3A_332 = %broadcast_in_dim3A_3) -> (vector<16xf32>, vector<16xf32>, vector<16xf32>, vector<16xf32>)  : i32 {
          %get3A = arith.index_cast %scan3A_328 : i32 to index
          %get3A_333 = arith.index_cast %mul3A_34 : i32 to index
          %get3A_334 = tpu.vector_load %arg15[%get3A, %get3A_333] {strides = array<i32>} : memref<64x128xf32, #tpu.memory_space<vmem>>, vector<16xf32>,
          %get3A_335 = arith.index_cast %scan3A_328 : i32 to index
          %get3A_336 = arith.index_cast %mul3A_34 : i32 to index
          %get3A_337 = tpu.vector_load %arg16[%get3A_335, %get3A_336] {strides = array<i32>} : memref<64x128xf32, #tpu.memory_space<vmem>>, vector<16xf32>,
          %get3A_338 = arith.index_cast %scan3A_328 : i32 to index
          %get3A_339 = arith.index_cast %mul3A_34 : i32 to index
          %get3A_340 = tpu.vector_load %arg17[%get3A_338, %get3A_339] {strides = array<i32>} : memref<64x128xf32, #tpu.memory_space<vmem>>, vector<16xf32>,
          %get3A_341 = arith.index_cast %scan3A_328 : i32 to index
          %get3A_342 = arith.index_cast %mul3A_34 : i32 to index
          %get3A_343 = tpu.vector_load %arg18[%get3A_341, %get3A_342] {strides = array<i32>} : memref<64x128xf32, #tpu.memory_space<vmem>>, vector<16xf32>,
          %mul3A_344 = arith.mulf %get3A_334, %mul3A_74 : vector<16xf32>
          %mul3A_345 = arith.mulf %get3A_340, %mul3A_112 : vector<16xf32>
          %mul3A_346 = arith.mulf %get3A_343, %mul3A_150 : vector<16xf32>
          %add3A_347 = arith.addf %mul3A_344, %get3A_337 : vector<16xf32>
          %sub3A_348 = arith.subf %get3A_337, %mul3A_345 : vector<16xf32>
          %sub3A_349 = arith.subf %add3A_347, %mul3A_345 : vector<16xf32>
          %add3A_350 = arith.addf %sub3A_348, %mul3A_346 : vector<16xf32>
          %sub3A_351 = arith.subf %add3A_347, %mul3A_346 : vector<16xf32>
          %sub3A_352 = arith.subf %get3A_334, %get3A_340 : vector<16xf32>
          %mul3A_353 = arith.mulf %sub3A_349, %sub3A_349 : vector<16xf32>
          %add3A_354 = arith.addf %scan3A_329, %mul3A_353 : vector<16xf32>
          %mul3A_355 = arith.mulf %add3A_350, %add3A_350 : vector<16xf32>
          %add3A_356 = arith.addf %scan3A_330, %mul3A_355 : vector<16xf32>
          %mul3A_357 = arith.mulf %sub3A_351, %sub3A_351 : vector<16xf32>
          %add3A_358 = arith.addf %scan3A_331, %mul3A_357 : vector<16xf32>
          %mul3A_359 = arith.mulf %sub3A_352, %sub3A_352 : vector<16xf32>
          %add3A_360 = arith.addf %scan3A_332, %mul3A_359 : vector<16xf32>
          scf.yield %add3A_354, %add3A_356, %add3A_358, %add3A_360 : vector<16xf32>, vector<16xf32>, vector<16xf32>, vector<16xf32>
        }
        %scan3A_156 = arith.constant 64 : i32
        %max3A_157 = arith.constant 1.000000e-30 : f32
        %max3A_158 = vector.broadcast %max3A_157 : f32 to vector<16xf32>
        %max3A_159 = arith.maximumf %scan3A_155#0, %max3A_158 : vector<16xf32>
        %bitcast3A_160 = vector.bitcast %max3A_159 : vector<16xf32> to vector<16xi32>
        %shift_right_arithmetic3A_161 = arith.constant 1 : i32
        %shift_right_arithmetic3A_162 = vector.broadcast %shift_right_arithmetic3A_161 : i32 to vector<16xi32>
        %shift_right_arithmetic3A_163 = arith.shrsi %bitcast3A_160, %shift_right_arithmetic3A_162 : vector<16xi32>
        %sub3A_164 = arith.constant 1597463007 : i32
        %sub3A_165 = vector.broadcast %sub3A_164 : i32 to vector<16xi32>
        %sub3A_166 = arith.subi %sub3A_165, %shift_right_arithmetic3A_163 : vector<16xi32>
        %bitcast3A_167 = vector.bitcast %sub3A_166 : vector<16xi32> to vector<16xf32>
        %mul3A_168 = arith.constant 5.000000e-01 : f32
        %mul3A_169 = vector.broadcast %mul3A_168 : f32 to vector<16xf32>
        %mul3A_170 = arith.mulf %mul3A_169, %max3A_159 : vector<16xf32>
        %mul3A_171 = arith.mulf %mul3A_170, %bitcast3A_167 : vector<16xf32>
        %mul3A_172 = arith.mulf %mul3A_171, %bitcast3A_167 : vector<16xf32>
        %sub3A_173 = arith.constant 1.500000e+00 : f32
        %sub3A_174 = vector.broadcast %sub3A_173 : f32 to vector<16xf32>
        %sub3A_175 = arith.subf %sub3A_174, %mul3A_172 : vector<16xf32>
        %mul3A_176 = arith.mulf %bitcast3A_167, %sub3A_175 : vector<16xf32>
        %mul3A_177 = arith.constant 5.000000e-01 : f32
        %mul3A_178 = vector.broadcast %mul3A_177 : f32 to vector<16xf32>
        %mul3A_179 = arith.mulf %mul3A_178, %max3A_159 : vector<16xf32>
        %mul3A_180 = arith.mulf %mul3A_179, %mul3A_176 : vector<16xf32>
        %mul3A_181 = arith.mulf %mul3A_180, %mul3A_176 : vector<16xf32>
        %sub3A_182 = arith.constant 1.500000e+00 : f32
        %sub3A_183 = vector.broadcast %sub3A_182 : f32 to vector<16xf32>
        %sub3A_184 = arith.subf %sub3A_183, %mul3A_181 : vector<16xf32>
        %mul3A_185 = arith.mulf %mul3A_176, %sub3A_184 : vector<16xf32>
        %mul3A_186 = arith.constant 5.000000e-01 : f32
        %mul3A_187 = vector.broadcast %mul3A_186 : f32 to vector<16xf32>
        %mul3A_188 = arith.mulf %mul3A_187, %max3A_159 : vector<16xf32>
        %mul3A_189 = arith.mulf %mul3A_188, %mul3A_185 : vector<16xf32>
        %mul3A_190 = arith.mulf %mul3A_189, %mul3A_185 : vector<16xf32>
        %sub3A_191 = arith.constant 1.500000e+00 : f32
        %sub3A_192 = vector.broadcast %sub3A_191 : f32 to vector<16xf32>
        %sub3A_193 = arith.subf %sub3A_192, %mul3A_190 : vector<16xf32>
        %mul3A_194 = arith.mulf %mul3A_185, %sub3A_193 : vector<16xf32>
        %mul3A_195 = arith.mulf %scan3A_155#0, %mul3A_194 : vector<16xf32>
        %neg3A = arith.constant 0.000000e+00 : f32
        %neg3A_196 = vector.broadcast %neg3A : f32 to vector<16xf32>
        %neg3A_197 = arith.subf %neg3A_196, %mul3A_195 : vector<16xf32>
        %swap3A_198 = arith.index_cast %mul3A_34 : i32 to index
        %swap3A_199 = tpu.vector_load %arg19[%swap3A_198] {strides = array<i32>} : memref<128xf32, #tpu.memory_space<vmem>>, vector<16xf32>,
        tpu.vector_store %arg19[%swap3A_198], %neg3A_197 {strides = array<i32>} : memref<128xf32, #tpu.memory_space<vmem>>, vector<16xf32>,
        %max3A_200 = arith.constant 1.000000e-30 : f32
        %max3A_201 = vector.broadcast %max3A_200 : f32 to vector<16xf32>
        %max3A_202 = arith.maximumf %scan3A_155#1, %max3A_201 : vector<16xf32>
        %bitcast3A_203 = vector.bitcast %max3A_202 : vector<16xf32> to vector<16xi32>
        %shift_right_arithmetic3A_204 = arith.constant 1 : i32
        %shift_right_arithmetic3A_205 = vector.broadcast %shift_right_arithmetic3A_204 : i32 to vector<16xi32>
        %shift_right_arithmetic3A_206 = arith.shrsi %bitcast3A_203, %shift_right_arithmetic3A_205 : vector<16xi32>
        %sub3A_207 = arith.constant 1597463007 : i32
        %sub3A_208 = vector.broadcast %sub3A_207 : i32 to vector<16xi32>
        %sub3A_209 = arith.subi %sub3A_208, %shift_right_arithmetic3A_206 : vector<16xi32>
        %bitcast3A_210 = vector.bitcast %sub3A_209 : vector<16xi32> to vector<16xf32>
        %mul3A_211 = arith.constant 5.000000e-01 : f32
        %mul3A_212 = vector.broadcast %mul3A_211 : f32 to vector<16xf32>
        %mul3A_213 = arith.mulf %mul3A_212, %max3A_202 : vector<16xf32>
        %mul3A_214 = arith.mulf %mul3A_213, %bitcast3A_210 : vector<16xf32>
        %mul3A_215 = arith.mulf %mul3A_214, %bitcast3A_210 : vector<16xf32>
        %sub3A_216 = arith.constant 1.500000e+00 : f32
        %sub3A_217 = vector.broadcast %sub3A_216 : f32 to vector<16xf32>
        %sub3A_218 = arith.subf %sub3A_217, %mul3A_215 : vector<16xf32>
        %mul3A_219 = arith.mulf %bitcast3A_210, %sub3A_218 : vector<16xf32>
        %mul3A_220 = arith.constant 5.000000e-01 : f32
        %mul3A_221 = vector.broadcast %mul3A_220 : f32 to vector<16xf32>
        %mul3A_222 = arith.mulf %mul3A_221, %max3A_202 : vector<16xf32>
        %mul3A_223 = arith.mulf %mul3A_222, %mul3A_219 : vector<16xf32>
        %mul3A_224 = arith.mulf %mul3A_223, %mul3A_219 : vector<16xf32>
        %sub3A_225 = arith.constant 1.500000e+00 : f32
        %sub3A_226 = vector.broadcast %sub3A_225 : f32 to vector<16xf32>
        %sub3A_227 = arith.subf %sub3A_226, %mul3A_224 : vector<16xf32>
        %mul3A_228 = arith.mulf %mul3A_219, %sub3A_227 : vector<16xf32>
        %mul3A_229 = arith.constant 5.000000e-01 : f32
        %mul3A_230 = vector.broadcast %mul3A_229 : f32 to vector<16xf32>
        %mul3A_231 = arith.mulf %mul3A_230, %max3A_202 : vector<16xf32>
        %mul3A_232 = arith.mulf %mul3A_231, %mul3A_228 : vector<16xf32>
        %mul3A_233 = arith.mulf %mul3A_232, %mul3A_228 : vector<16xf32>
        %sub3A_234 = arith.constant 1.500000e+00 : f32
        %sub3A_235 = vector.broadcast %sub3A_234 : f32 to vector<16xf32>
        %sub3A_236 = arith.subf %sub3A_235, %mul3A_233 : vector<16xf32>
        %mul3A_237 = arith.mulf %mul3A_228, %sub3A_236 : vector<16xf32>
        %mul3A_238 = arith.mulf %scan3A_155#1, %mul3A_237 : vector<16xf32>
        %neg3A_239 = arith.constant 0.000000e+00 : f32
        %neg3A_240 = vector.broadcast %neg3A_239 : f32 to vector<16xf32>
        %neg3A_241 = arith.subf %neg3A_240, %mul3A_238 : vector<16xf32>
        %swap3A_242 = arith.index_cast %mul3A_34 : i32 to index
        %swap3A_243 = tpu.vector_load %arg20[%swap3A_242] {strides = array<i32>} : memref<128xf32, #tpu.memory_space<vmem>>, vector<16xf32>,
        tpu.vector_store %arg20[%swap3A_242], %neg3A_241 {strides = array<i32>} : memref<128xf32, #tpu.memory_space<vmem>>, vector<16xf32>,
        %max3A_244 = arith.constant 1.000000e-30 : f32
        %max3A_245 = vector.broadcast %max3A_244 : f32 to vector<16xf32>
        %max3A_246 = arith.maximumf %scan3A_155#2, %max3A_245 : vector<16xf32>
        %bitcast3A_247 = vector.bitcast %max3A_246 : vector<16xf32> to vector<16xi32>
        %shift_right_arithmetic3A_248 = arith.constant 1 : i32
        %shift_right_arithmetic3A_249 = vector.broadcast %shift_right_arithmetic3A_248 : i32 to vector<16xi32>
        %shift_right_arithmetic3A_250 = arith.shrsi %bitcast3A_247, %shift_right_arithmetic3A_249 : vector<16xi32>
        %sub3A_251 = arith.constant 1597463007 : i32
        %sub3A_252 = vector.broadcast %sub3A_251 : i32 to vector<16xi32>
        %sub3A_253 = arith.subi %sub3A_252, %shift_right_arithmetic3A_250 : vector<16xi32>
        %bitcast3A_254 = vector.bitcast %sub3A_253 : vector<16xi32> to vector<16xf32>
        %mul3A_255 = arith.constant 5.000000e-01 : f32
        %mul3A_256 = vector.broadcast %mul3A_255 : f32 to vector<16xf32>
        %mul3A_257 = arith.mulf %mul3A_256, %max3A_246 : vector<16xf32>
        %mul3A_258 = arith.mulf %mul3A_257, %bitcast3A_254 : vector<16xf32>
        %mul3A_259 = arith.mulf %mul3A_258, %bitcast3A_254 : vector<16xf32>
        %sub3A_260 = arith.constant 1.500000e+00 : f32
        %sub3A_261 = vector.broadcast %sub3A_260 : f32 to vector<16xf32>
        %sub3A_262 = arith.subf %sub3A_261, %mul3A_259 : vector<16xf32>
        %mul3A_263 = arith.mulf %bitcast3A_254, %sub3A_262 : vector<16xf32>
        %mul3A_264 = arith.constant 5.000000e-01 : f32
        %mul3A_265 = vector.broadcast %mul3A_264 : f32 to vector<16xf32>
        %mul3A_266 = arith.mulf %mul3A_265, %max3A_246 : vector<16xf32>
        %mul3A_267 = arith.mulf %mul3A_266, %mul3A_263 : vector<16xf32>
        %mul3A_268 = arith.mulf %mul3A_267, %mul3A_263 : vector<16xf32>
        %sub3A_269 = arith.constant 1.500000e+00 : f32
        %sub3A_270 = vector.broadcast %sub3A_269 : f32 to vector<16xf32>
        %sub3A_271 = arith.subf %sub3A_270, %mul3A_268 : vector<16xf32>
        %mul3A_272 = arith.mulf %mul3A_263, %sub3A_271 : vector<16xf32>
        %mul3A_273 = arith.constant 5.000000e-01 : f32
        %mul3A_274 = vector.broadcast %mul3A_273 : f32 to vector<16xf32>
        %mul3A_275 = arith.mulf %mul3A_274, %max3A_246 : vector<16xf32>
        %mul3A_276 = arith.mulf %mul3A_275, %mul3A_272 : vector<16xf32>
        %mul3A_277 = arith.mulf %mul3A_276, %mul3A_272 : vector<16xf32>
        %sub3A_278 = arith.constant 1.500000e+00 : f32
        %sub3A_279 = vector.broadcast %sub3A_278 : f32 to vector<16xf32>
        %sub3A_280 = arith.subf %sub3A_279, %mul3A_277 : vector<16xf32>
        %mul3A_281 = arith.mulf %mul3A_272, %sub3A_280 : vector<16xf32>
        %mul3A_282 = arith.mulf %scan3A_155#2, %mul3A_281 : vector<16xf32>
        %neg3A_283 = arith.constant 0.000000e+00 : f32
        %neg3A_284 = vector.broadcast %neg3A_283 : f32 to vector<16xf32>
        %neg3A_285 = arith.subf %neg3A_284, %mul3A_282 : vector<16xf32>
        %swap3A_286 = arith.index_cast %mul3A_34 : i32 to index
        %swap3A_287 = tpu.vector_load %arg21[%swap3A_286] {strides = array<i32>} : memref<128xf32, #tpu.memory_space<vmem>>, vector<16xf32>,
        tpu.vector_store %arg21[%swap3A_286], %neg3A_285 {strides = array<i32>} : memref<128xf32, #tpu.memory_space<vmem>>, vector<16xf32>,
        %max3A_288 = arith.constant 1.000000e-30 : f32
        %max3A_289 = vector.broadcast %max3A_288 : f32 to vector<16xf32>
        %max3A_290 = arith.maximumf %scan3A_155#3, %max3A_289 : vector<16xf32>
        %bitcast3A_291 = vector.bitcast %max3A_290 : vector<16xf32> to vector<16xi32>
        %shift_right_arithmetic3A_292 = arith.constant 1 : i32
        %shift_right_arithmetic3A_293 = vector.broadcast %shift_right_arithmetic3A_292 : i32 to vector<16xi32>
        %shift_right_arithmetic3A_294 = arith.shrsi %bitcast3A_291, %shift_right_arithmetic3A_293 : vector<16xi32>
        %sub3A_295 = arith.constant 1597463007 : i32
        %sub3A_296 = vector.broadcast %sub3A_295 : i32 to vector<16xi32>
        %sub3A_297 = arith.subi %sub3A_296, %shift_right_arithmetic3A_294 : vector<16xi32>
        %bitcast3A_298 = vector.bitcast %sub3A_297 : vector<16xi32> to vector<16xf32>
        %mul3A_299 = arith.constant 5.000000e-01 : f32
        %mul3A_300 = vector.broadcast %mul3A_299 : f32 to vector<16xf32>
        %mul3A_301 = arith.mulf %mul3A_300, %max3A_290 : vector<16xf32>
        %mul3A_302 = arith.mulf %mul3A_301, %bitcast3A_298 : vector<16xf32>
        %mul3A_303 = arith.mulf %mul3A_302, %bitcast3A_298 : vector<16xf32>
        %sub3A_304 = arith.constant 1.500000e+00 : f32
        %sub3A_305 = vector.broadcast %sub3A_304 : f32 to vector<16xf32>
        %sub3A_306 = arith.subf %sub3A_305, %mul3A_303 : vector<16xf32>
        %mul3A_307 = arith.mulf %bitcast3A_298, %sub3A_306 : vector<16xf32>
        %mul3A_308 = arith.constant 5.000000e-01 : f32
        %mul3A_309 = vector.broadcast %mul3A_308 : f32 to vector<16xf32>
        %mul3A_310 = arith.mulf %mul3A_309, %max3A_290 : vector<16xf32>
        %mul3A_311 = arith.mulf %mul3A_310, %mul3A_307 : vector<16xf32>
        %mul3A_312 = arith.mulf %mul3A_311, %mul3A_307 : vector<16xf32>
        %sub3A_313 = arith.constant 1.500000e+00 : f32
        %sub3A_314 = vector.broadcast %sub3A_313 : f32 to vector<16xf32>
        %sub3A_315 = arith.subf %sub3A_314, %mul3A_312 : vector<16xf32>
        %mul3A_316 = arith.mulf %mul3A_307, %sub3A_315 : vector<16xf32>
        %mul3A_317 = arith.constant 5.000000e-01 : f32
        %mul3A_318 = vector.broadcast %mul3A_317 : f32 to vector<16xf32>
        %mul3A_319 = arith.mulf %mul3A_318, %max3A_290 : vector<16xf32>
        %mul3A_320 = arith.mulf %mul3A_319, %mul3A_316 : vector<16xf32>
        %mul3A_321 = arith.mulf %mul3A_320, %mul3A_316 : vector<16xf32>
        %sub3A_322 = arith.constant 1.500000e+00 : f32
        %sub3A_323 = vector.broadcast %sub3A_322 : f32 to vector<16xf32>
        %sub3A_324 = arith.subf %sub3A_323, %mul3A_321 : vector<16xf32>
        %mul3A_325 = arith.mulf %mul3A_316, %sub3A_324 : vector<16xf32>
        %mul3A_326 = arith.mulf %scan3A_155#3, %mul3A_325 : vector<16xf32>
        %add3A_327 = arith.addf %scan3A_32, %mul3A_326 : vector<16xf32>
        scf.yield %add3A_327 : vector<16xf32>
      }
      %scan3A_26 = arith.constant 8 : i32
      "tpu.region"() ({
        %run_scoped3A = tpu.sem_alloc : memref<!tpu.dma_semaphore, #tpu.memory_space<semaphore_mem>>
        %dma_start3A = tpu.memref_slice %arg8[%add3A_14] : memref<32768xf32, #tpu.memory_space<hbm>> -> memref<128xf32, #tpu.memory_space<hbm>>
        %dma_start3A_31 = tpu.memref_slice %arg8[%add3A_14] : memref<32768xf32, #tpu.memory_space<hbm>> -> memref<128xf32, #tpu.memory_space<hbm>>
        tpu.enqueue_dma source(%arg19 : memref<128xf32, #tpu.memory_space<vmem>>) target(%dma_start3A_31 : memref<128xf32, #tpu.memory_space<hbm>>) target_semaphore(%run_scoped3A : memref<!tpu.dma_semaphore, #tpu.memory_space<semaphore_mem>>)
        %dma_wait3A = tpu.memref_slice %arg8[%add3A_14] : memref<32768xf32, #tpu.memory_space<hbm>> -> memref<128xf32, #tpu.memory_space<hbm>>
        %dma_wait3A_32 = tpu.memref_slice %arg8[%add3A_14] : memref<32768xf32, #tpu.memory_space<hbm>> -> memref<128xf32, #tpu.memory_space<hbm>>
        tpu.wait_dma2 semaphore(%run_scoped3A : memref<!tpu.dma_semaphore, #tpu.memory_space<semaphore_mem>>) src(%arg19 : memref<128xf32, #tpu.memory_space<vmem>>) dst(%dma_wait3A_32 : memref<128xf32, #tpu.memory_space<hbm>>)
        tpu.yield
      }) : () -> ()
      %add3A_27 = arith.constant 16384 : i32
      %add3A_28 = arith.addi %add3A_27, %add3A_14 : i32
      "tpu.region"() ({
        %run_scoped3A = tpu.sem_alloc : memref<!tpu.dma_semaphore, #tpu.memory_space<semaphore_mem>>
        %dma_start3A = tpu.memref_slice %arg8[%add3A_28] : memref<32768xf32, #tpu.memory_space<hbm>> -> memref<128xf32, #tpu.memory_space<hbm>>
        %dma_start3A_31 = tpu.memref_slice %arg8[%add3A_28] : memref<32768xf32, #tpu.memory_space<hbm>> -> memref<128xf32, #tpu.memory_space<hbm>>
        tpu.enqueue_dma source(%arg19 : memref<128xf32, #tpu.memory_space<vmem>>) target(%dma_start3A_31 : memref<128xf32, #tpu.memory_space<hbm>>) target_semaphore(%run_scoped3A : memref<!tpu.dma_semaphore, #tpu.memory_space<semaphore_mem>>)
        %dma_wait3A = tpu.memref_slice %arg8[%add3A_28] : memref<32768xf32, #tpu.memory_space<hbm>> -> memref<128xf32, #tpu.memory_space<hbm>>
        %dma_wait3A_32 = tpu.memref_slice %arg8[%add3A_28] : memref<32768xf32, #tpu.memory_space<hbm>> -> memref<128xf32, #tpu.memory_space<hbm>>
        tpu.wait_dma2 semaphore(%run_scoped3A : memref<!tpu.dma_semaphore, #tpu.memory_space<semaphore_mem>>) src(%arg19 : memref<128xf32, #tpu.memory_space<vmem>>) dst(%dma_wait3A_32 : memref<128xf32, #tpu.memory_space<hbm>>)
        tpu.yield
      }) : () -> ()
      "tpu.region"() ({
        %run_scoped3A = tpu.sem_alloc : memref<!tpu.dma_semaphore, #tpu.memory_space<semaphore_mem>>
        %dma_start3A = tpu.memref_slice %arg9[%add3A_14] : memref<32768xf32, #tpu.memory_space<hbm>> -> memref<128xf32, #tpu.memory_space<hbm>>
        %dma_start3A_31 = tpu.memref_slice %arg9[%add3A_14] : memref<32768xf32, #tpu.memory_space<hbm>> -> memref<128xf32, #tpu.memory_space<hbm>>
        tpu.enqueue_dma source(%arg20 : memref<128xf32, #tpu.memory_space<vmem>>) target(%dma_start3A_31 : memref<128xf32, #tpu.memory_space<hbm>>) target_semaphore(%run_scoped3A : memref<!tpu.dma_semaphore, #tpu.memory_space<semaphore_mem>>)
        %dma_wait3A = tpu.memref_slice %arg9[%add3A_14] : memref<32768xf32, #tpu.memory_space<hbm>> -> memref<128xf32, #tpu.memory_space<hbm>>
        %dma_wait3A_32 = tpu.memref_slice %arg9[%add3A_14] : memref<32768xf32, #tpu.memory_space<hbm>> -> memref<128xf32, #tpu.memory_space<hbm>>
        tpu.wait_dma2 semaphore(%run_scoped3A : memref<!tpu.dma_semaphore, #tpu.memory_space<semaphore_mem>>) src(%arg20 : memref<128xf32, #tpu.memory_space<vmem>>) dst(%dma_wait3A_32 : memref<128xf32, #tpu.memory_space<hbm>>)
        tpu.yield
      }) : () -> ()
      %add3A_29 = arith.constant 16384 : i32
      %add3A_30 = arith.addi %add3A_29, %add3A_14 : i32
      "tpu.region"() ({
        %run_scoped3A = tpu.sem_alloc : memref<!tpu.dma_semaphore, #tpu.memory_space<semaphore_mem>>
        %dma_start3A = tpu.memref_slice %arg9[%add3A_30] : memref<32768xf32, #tpu.memory_space<hbm>> -> memref<128xf32, #tpu.memory_space<hbm>>
        %dma_start3A_31 = tpu.memref_slice %arg9[%add3A_30] : memref<32768xf32, #tpu.memory_space<hbm>> -> memref<128xf32, #tpu.memory_space<hbm>>
        tpu.enqueue_dma source(%arg21 : memref<128xf32, #tpu.memory_space<vmem>>) target(%dma_start3A_31 : memref<128xf32, #tpu.memory_space<hbm>>) target_semaphore(%run_scoped3A : memref<!tpu.dma_semaphore, #tpu.memory_space<semaphore_mem>>)
        %dma_wait3A = tpu.memref_slice %arg9[%add3A_30] : memref<32768xf32, #tpu.memory_space<hbm>> -> memref<128xf32, #tpu.memory_space<hbm>>
        %dma_wait3A_32 = tpu.memref_slice %arg9[%add3A_30] : memref<32768xf32, #tpu.memory_space<hbm>> -> memref<128xf32, #tpu.memory_space<hbm>>
        tpu.wait_dma2 semaphore(%run_scoped3A : memref<!tpu.dma_semaphore, #tpu.memory_space<semaphore_mem>>) src(%arg21 : memref<128xf32, #tpu.memory_space<vmem>>) dst(%dma_wait3A_32 : memref<128xf32, #tpu.memory_space<hbm>>)
        tpu.yield
      }) : () -> ()
      scf.yield %scan3A_25 : vector<16xf32>
    }
    %scan3A_8 = arith.constant 4 : i32
    %swap3A = arith.constant 0 : index
    %swap3A_9 = tpu.vector_load %arg22[%swap3A] {strides = array<i32>} : memref<16xf32, #tpu.memory_space<vmem>>, vector<16xf32>,
    tpu.vector_store %arg22[%swap3A], %scan3A_7 {strides = array<i32>} : memref<16xf32, #tpu.memory_space<vmem>>, vector<16xf32>,
    "tpu.region"() ({
      %run_scoped3A = tpu.sem_alloc : memref<!tpu.dma_semaphore, #tpu.memory_space<semaphore_mem>>
      %dma_start3A = arith.constant 0 : i32
      %dma_start3A_10 = tpu.memref_slice %arg10[%add3A, %dma_start3A] : memref<32x16xf32, #tpu.memory_space<hbm>> -> memref<1x16xf32, #tpu.memory_space<hbm>>
      %dma_start3A_11 = tpu.memref_squeeze %dma_start3A_10 : memref<1x16xf32, #tpu.memory_space<hbm>> -> memref<16xf32, #tpu.memory_space<hbm>>
      %dma_start3A_12 = arith.constant 0 : i32
      %dma_start3A_13 = tpu.memref_slice %arg10[%add3A, %dma_start3A_12] : memref<32x16xf32, #tpu.memory_space<hbm>> -> memref<1x16xf32, #tpu.memory_space<hbm>>
      %dma_start3A_14 = tpu.memref_squeeze %dma_start3A_13 : memref<1x16xf32, #tpu.memory_space<hbm>> -> memref<16xf32, #tpu.memory_space<hbm>>
      tpu.enqueue_dma source(%arg22 : memref<16xf32, #tpu.memory_space<vmem>>) target(%dma_start3A_14 : memref<16xf32, #tpu.memory_space<hbm>>) target_semaphore(%run_scoped3A : memref<!tpu.dma_semaphore, #tpu.memory_space<semaphore_mem>>)
      %dma_wait3A = arith.constant 0 : i32
      %dma_wait3A_15 = tpu.memref_slice %arg10[%add3A, %dma_wait3A] : memref<32x16xf32, #tpu.memory_space<hbm>> -> memref<1x16xf32, #tpu.memory_space<hbm>>
      %dma_wait3A_16 = tpu.memref_squeeze %dma_wait3A_15 : memref<1x16xf32, #tpu.memory_space<hbm>> -> memref<16xf32, #tpu.memory_space<hbm>>
      %dma_wait3A_17 = arith.constant 0 : i32
      %dma_wait3A_18 = tpu.memref_slice %arg10[%add3A, %dma_wait3A_17] : memref<32x16xf32, #tpu.memory_space<hbm>> -> memref<1x16xf32, #tpu.memory_space<hbm>>
      %dma_wait3A_19 = tpu.memref_squeeze %dma_wait3A_18 : memref<1x16xf32, #tpu.memory_space<hbm>> -> memref<16xf32, #tpu.memory_space<hbm>>
      tpu.wait_dma2 semaphore(%run_scoped3A : memref<!tpu.dma_semaphore, #tpu.memory_space<semaphore_mem>>) src(%arg22 : memref<16xf32, #tpu.memory_space<vmem>>) dst(%dma_wait3A_19 : memref<16xf32, #tpu.memory_space<hbm>>)
      tpu.yield
    }) : () -> ()
    return
  }
}

</mosaic_0001>

<sc_bundles>
// kernel: _sc_call.3.cloned.1.call-start
scs
__scs_entry_jumppad:
0x0: {  	(pc) =	sbr.rel $0x88, $3  }
0x1: {  	(tag) =	ssettag $0x0;
	lr =	simm.s32 $0x1  }
0x2: {  	[smem:$0x3F9B] =	sst lr;
	_ =	strace $0xD0000000  }
0x3: {  	_ = 	snop  }
0x4: {  	_ = 	snop  }
0x5: {  	_ = 	snop  }
0x6: {  	_ = 	snop  }
0x7: {  	_ = 	snop  }
__scs_overlays_trampoline_lowered:
0x8: {  	[smem:$0x3FAA] =	sst s0  }
0x9: {  	[smem:$0x3FAB] =	sst s1  }
0xa: {  	[smem:$0x3FAC] =	sst s2  }
0xb: {  	[smem:$0x3FAD] =	sst s3  }
0xc: {  	[smem:$0x3FAE] =	sst s4  }
0xd: {  	[smem:$0x3FAF] =	sst s5  }
0xe: {  	[smem:$0x3FB0] =	sst s6  }
0xf: {  	[smem:$0x3FB1] =	sst s7  }
0x10: {  	[smem:$0x3FB2] =	sst s8  }
0x11: {  	[smem:$0x3FB3] =	sst s9;
	s0 =	simm.s32 @!p0 $0x0  }
0x12: {  	s1 =	sld [smem:$0x3F99];
	s0 =	simm.s32 @p0 $0x1  }
0x13: {  	[smem:$0x3FB4] =	sst s0;
	s0 =	simm.s32 @!p1 $0x0  }
0x14: {  	s2 =	sld [smem:$0x3F98];
	s0 =	simm.s32 @p1 $0x1  }
0x15: {  	[smem:$0x3FB5] =	sst s0;
	s0 =	simm.s32 @!p2 $0x0  }
0x16: {  	s3 =	sld [smem:$0x3FDB];
	s0 =	simm.s32 @p2 $0x1  }
0x17: {  	s4 =	simm.s32 $0x1BF5;
	[smem:$0x3FB7] =	sst s0  }
0x18: {  	s0 =	sld [smem:$0x3F9A];
	_ =	swait.ge [sflag:s4], $0x0  }
0x19: {  	s7 =	sld [smem:$0x3F9B]  }
0x1a: {  	s8 =	sadd.s32 $0xFFFFE003, lr  }
0x1b: {  	s9 =	sadd.s32 $0xFFFFFEF7, lr;
	s5 =	simm.s32 $0xFFFFFFFF;
	p2 =	slt.u32 s8, $0xFFFFF086  }
0x1c: {  	p1 =	slt.u32 s9, $0xF7A;
	s5 =	simm.s32 @!p2 $0x0  }
0x1d: {  	s5 =	simm.s32 @p1 $0x1;
	p0 =	seq.s32 s7, s2  }
0x1e: {  	s7 =	smul.u32 @!p0 $0xF7A, s2;
	p2 =	seq.s32 @!p0 s5, $0x0  }
0x1f: {  	s9 =	smul.u32 $0xF7A, s1;
	s8 =	simm.s32 @!p0 $0x1BF5;
	p2 =	por !p2, p0  }
0x20: {  	[sflag:s8] =	ssyncset.s32 @!p0 $0xFFFFF086;
	s6 =	sadd.s32 @!p0 s3, s7;
	s7 =	simm.s32 @!p0 $0x108  }
0x21: {  	s3 =	sadd.s32 s3, s9;
	s6 =	sadd.s32 @!p0 $0x88, s6;
	s7 =	simm.s32 @p2 $0x1082  }
0x22: {  	[simem:s7], [sflag:s8] =	dma.local @!p0 [hbm:s6], $0xF7A  }
0x23: {  	s9 =	sor.u32 $0xD0000000, s2;
	s6 =	simm.s32 $0x108;
	_ =	swait.ge @!p0 [sflag:s8], $0x0  }
0x24: {  	s3 =	sadd.s32 $0x88, s3;
	s6 =	simm.s32 @!p1 $0x1082;
	[sflag:s4] =	ssyncset.s32 $0xFFFFF086  }
0x25: {  	[simem:s6], [sflag:s4] =	dma.local [hbm:s3], $0xF7A  }
0x26: {  	[smem:$0x3F9B] =	sst s1;
	(tag) =	ssettag s2;
	_ =	strace s9  }
0x27: {  	s1 =	sld [smem:$0x3FAB]  }
0x28: {  	s2 =	sld [smem:$0x3FAC]  }
0x29: {  	s4 =	sld [smem:$0x3FAE]  }
0x2a: {  	p0 =	seq.s32 s5, $0x0;
	s5 =	sld [smem:$0x3FAF]  }
0x2b: {  	s6 =	sld [smem:$0x3FB0]  }
0x2c: {  	s7 =	sld [smem:$0x3FB1]  }
0x2d: {  	s3 =	simm.s32 $0x108;
	s8 =	sld [smem:$0x3FB2]  }
0x2e: {  	s3 =	simm.s32 @!p0 $0x1082;
	s9 =	sld [smem:$0x3FB3]  }
0x2f: {  	lr =	sadd.s32 s0, s3;
	s0 =	sld [smem:$0x3FAA]  }
0x30: {  	s3 =	sld [smem:$0x3FAD]  }
0x31: {  	[smem:$0x3FB6] =	sst s10  }
0x32: {  	s10 =	sld [smem:$0x3FB4];
	_ =	sdelay $0x3  }
0x33: {  	p0 =	seq.s32 s10, $0x1;
	s10 =	sld [smem:$0x3FB6];
	_ =	sdelay $0x3  }
0x34: {  	[smem:$0x3FB6] =	sst s10  }
0x35: {  	s10 =	sld [smem:$0x3FB5];
	_ =	sdelay $0x3  }
0x36: {  	p1 =	seq.s32 s10, $0x1;
	s10 =	sld [smem:$0x3FB6];
	_ =	sdelay $0x3  }
0x37: {  	[smem:$0x3FB6] =	sst s10  }
0x38: {  	s10 =	sld [smem:$0x3FB7]  }
0x39: {  	_ = 	snop;
	(pc) =	sbr.ind lr, $3  }
0x3a: {  	_ = 	snop  }
0x3b: {  	_ = 	snop  }
0x3c: {  	p2 =	seq.s32 s10, $0x1;
	s10 =	sld [smem:$0x3FB6]  }
0x3d: {  	_ =	shalt  }
0x3e: {  	_ =	shalt  }
0x3f: {  	_ =	shalt  }
0x40: {  	_ =	shalt  }
0x41: {  	_ =	shalt  }
0x42: {  	_ =	shalt  }
0x43: {  	_ =	shalt  }
0x44: {  	_ =	shalt  }
0x45: {  	_ =	shalt  }
0x46: {  	_ =	shalt  }
0x47: {  	_ =	shalt  }
0x48: {  	_ =	shalt  }
0x49: {  	_ =	shalt  }
0x4a: {  	_ =	shalt  }
0x4b: {  	_ =	shalt  }
0x4c: {  	_ =	shalt  }
0x4d: {  	_ =	shalt  }
0x4e: {  	_ =	shalt  }
0x4f: {  	_ =	shalt  }
0x50: {  	_ =	shalt  }
0x51: {  	_ =	shalt  }
0x52: {  	_ =	shalt  }
0x53: {  	_ =	shalt  }
0x54: {  	_ =	shalt  }
0x55: {  	_ =	shalt  }
0x56: {  	_ =	shalt  }
0x57: {  	_ =	shalt  }
0x58: {  	_ =	shalt  }
0x59: {  	_ =	shalt  }
0x5a: {  	_ =	shalt  }
0x5b: {  	_ =	shalt  }
0x5c: {  	_ =	shalt  }
0x5d: {  	_ =	shalt  }
0x5e: {  	_ =	shalt  }
0x5f: {  	_ =	shalt  }
0x60: {  	_ =	shalt  }
0x61: {  	_ =	shalt  }
0x62: {  	_ =	shalt  }
0x63: {  	_ =	shalt  }
0x64: {  	_ =	shalt  }
0x65: {  	_ =	shalt  }
0x66: {  	_ =	shalt  }
0x67: {  	_ =	shalt  }
0x68: {  	_ =	shalt  }
0x69: {  	_ =	shalt  }
0x6a: {  	_ =	shalt  }
0x6b: {  	_ =	shalt  }
0x6c: {  	_ =	shalt  }
0x6d: {  	_ =	shalt  }
0x6e: {  	_ =	shalt  }
0x6f: {  	_ =	shalt  }
0x70: {  	_ =	shalt  }
0x71: {  	_ =	shalt  }
0x72: {  	_ =	shalt  }
0x73: {  	_ =	shalt  }
0x74: {  	_ =	shalt  }
0x75: {  	_ =	shalt  }
0x76: {  	_ =	shalt  }
0x77: {  	_ =	shalt  }
0x78: {  	_ =	shalt  }
0x79: {  	_ =	shalt  }
0x7a: {  	_ =	shalt  }
0x7b: {  	_ =	shalt  }
0x7c: {  	_ =	shalt  }
0x7d: {  	_ =	shalt  }
0x7e: {  	_ =	shalt  }
0x7f: {  	_ =	shalt  }
0x80: {  	_ =	shalt  }
0x81: {  	_ =	shalt  }
0x82: {  	_ =	shalt  }
0x83: {  	_ =	shalt  }
0x84: {  	_ =	shalt  }
0x85: {  	_ =	shalt  }
0x86: {  	_ =	shalt  }
0x87: {  	_ =	shalt  }
.Lfunc_end0:
.L_simem_size_0:
called_computation_lowered:
.L_overlay_start_0:
0x88: {  	s2 =	sld [smem:$0x3FD9]  }
0x89: {  	s3 =	sld [smem:$0x3FFE];
	_ =	sdelay $0x1  }
0x8a: {  	s1 =	srdreg.scid  }
0x8b: {  	s0 =	sand.u32 $0x1, s1  }
0x8c: {  	s14 =	sshll.u32 s0, $0xA;
	s2 =	sadd.s32 s3, s2  }
0x8d: {  	s2 =	sadd.s32 s2, s14  }
0x8e: {  	[smem:$0x3FC2] =	sst s2  }
0x8f: {  	_ = 	snop  }
0x90: {  	s2 =	sld [smem:$0x3FC9]  }
0x91: {  	s15 =	sld [smem:$0x3FD0]  }
0x92: {  	s4 =	sld [smem:$0x3FC8]  }
0x93: {  	s5 =	sld [smem:$0x3FC7]  }
0x94: {  	s7 =	simm.s32 $0xA;
	s8 =	simm.s32 $0x10;
	s6 =	sld [smem:$0x3FC6]  }
0x95: {  	[smem:s8], [sflag:s7] =	dma.local [hbm:s15], $0x1  }
0x96: {  	_ =	swait.eq [sflag:s7], $0x1  }
0x97: {  	s16 =	sld [smem:$0x10];
	[sflag:s7] =	ssyncset.done $0x0  }
0x98: {  	s17 =	sld [smem:$0x11];
	[sflag:s7] =	ssyncadd.s32 $0xFFFFFFFF  }
0x99: {  	s18 =	sld [smem:$0x12];
	(tm) =	ssettm $0x1  }
0x9a: {  	s9 =	sld [smem:$0x3FFB];
	_ =	sdelay $0x3  }
0x9b: {  	_ =	strace s9  }
0x9c: {  	s9 =	sld [smem:$0x3FFC];
	_ =	sdelay $0x3  }
0x9d: {  	_ =	strace s9  }
0x9e: {  	s9 =	sld [smem:$0x3FFD];
	_ =	sdelay $0x3  }
0x9f: {  	_ =	strace s9  }
0xa0: {  	_ =	strace $0x8FFFFFFF  }
0xa1: {  	s19 =	sld [smem:$0x3FDB];
	_ =	sdelay $0x1  }
0xa2: {  	s10 =	simm.s32 $_scs_section_size  }
0xa3: {  	s11 =	simm.s32 $_size__tile_overlayer_lowered;
	s12 =	simm.s32 $_tile_overlayer_lowered  }
0xa4: {  	s22 =	simm.s32 $0x1BFF;
	s21 =	sshll.u32 s12, $0x1;
	s9 =	sadd.s32 s10, s19  }
0xa5: {  	s13 =	simm.s32 $0x0;
	s20 =	sshll.u32 s11, $0x1;
	s11 =	sadd.s32 s21, s9  }
0xa6: {  	[timem:s13], [sflag:s22] =	dma.local [hbm:s11], s20  }
0xa7: {  	_ =	swait.ge [sflag:s22], s20  }
0xa8: {  	s10 =	ssub.s32 $0x0, s20;
	[sflag:s22] =	ssyncset.done $0x0  }
0xa9: {  	[sflag:s22] =	ssyncadd.s32 s10;
	_ =	sdelay $0x1  }
0xaa: {  	s23 =	simm.s32 $0x1B8B  }
0xab: {  	_ =	swait.ge [sflag:s23], $0x1  }
0xac: {  	[sflag:s23] =	ssyncset.done $0x0  }
0xad: {  	s25 =	simm.s32 $0x1B8E;
	s24 =	sld [smem:$0x3FFE];
	[sflag:s23] =	ssyncadd.s32 $0xFFFFFFFF  }
0xae: {  	s26 =	simm.s32 $execute0_lowered;
	[smem:$0x3FD2] =	sst s25  }
0xaf: {  	s11 =	sshll.u32 s26, $0x1;
	_ =	strace $0x80000046;
	[dreg:$0x1] =	wrdreg $0xFFFFFFFF  }
0xb0: {  	s28 =	simm.s32 $_size_execute0_lowered;
	s9 =	sadd.s32 s9, s11;
	[dreg:$0x0] =	wrdreg $0x0  }
0xb1: {  	s11 =	sshll.u32 s28, $0x1;
	[dreg:$0x2] =	wrdreg s9  }
0xb2: {  	[dreg:$0x3] =	wrdreg s11  }
0xb3: {  	[dreg:$0x4] =	wrdreg $0xC0  }
0xb4: {  	_ =	task [dreg:s13], $0x5FFFF  }
0xb5: {  	[dreg:$0x1] =	wrdreg $0xFFFFFFFF  }
0xb6: {  	[dreg:$0x0] =	wrdreg $0x60  }
0xb7: {  	[dreg:$0x2] =	wrdreg s2  }
0xb8: {  	[dreg:$0x3] =	wrdreg s4  }
0xb9: {  	[dreg:$0x4] =	wrdreg s5  }
0xba: {  	[dreg:$0x5] =	wrdreg s6  }
0xbb: {  	[dreg:$0x6] =	wrdreg s24  }
0xbc: {  	[dreg:$0x7] =	wrdreg s16  }
0xbd: {  	[dreg:$0x8] =	wrdreg s17  }
0xbe: {  	[dreg:$0x9] =	wrdreg s18  }
0xbf: {  	[dreg:$0xa] =	wrdreg $0x9  }
0xc0: {  	_ =	task.clear_ibuf [dreg:s13], $0xBFFFF;
	_ =	strace $0x90000046  }
0xc1: {  	s29 =	simm.s32 $0x9;
	_ =	strace $0x80000048  }
0xc2: {  	_ =	swait.ge [sflag:s29], $0x1  }
0xc3: {  	[sflag:s29] =	ssyncadd.s32 $0xFFFFFFFF  }
0xc4: {  	_ =	strace $0x90000048  }
0xc5: {  	_ =	sfence  }
0xc6: {  	s30 =	sld [smem:$0x0];
	_ =	sdelay $0x2  }
0xc7: {  	s31 =	sshll.u32 s1, $0xD;
	s1 =	sshrl.u32 s1, $0x2  }
0xc8: {  	s3 =	sand.u32 $0x4000, s31;
	s1 =	sadd.s32 s1, s30  }
0xc9: {  	s0 =	sor.u32 s3, s0;
	s1 =	sshll.u32 s1, $0x11  }
0xca: {  	s0 =	sor.u32 s1, s0  }
0xcb: {  	s0 =	sadd.s32 $0x8F2B, s0  }
0xcc: {  	[sflag:s0] =	ssyncadd.remote.s32 $0x1  }
0xcd: {  	_ =	sfence.sel $0xFFFF  }
0xce: {  	[dreg:$0x0] =	wrdreg $0xFFFFFFFF;
	(pc) =	sbr.abs _section_cstart, $3  }
0xcf: {  	[dreg:$0x1] =	wrdreg $0xFFFFFFFF  }
0xd0: {  	_ =	task.clear_ibuf [dreg:s13], $0x2FFFF;
	_ =	strace $0x9FFFFFFF  }
0xd1: {  	(tm) =	ssettm $0x7FFFFFFF  }
tec
execute0_lowered:
.L_overlay_start_1:
0x0: {  	(tag) =	ssettag $0x1  }
0x1: {  	s4 =	rddreg [dreg:$0x3]  }
0x2: {  	s2 =	rddreg [dreg:$0x4]  }
0x3: {  	s5 =	rddreg [dreg:$0x5]  }
0x4: {  	s6 =	rddreg [dreg:$0x6]  }
0x5: {  	s7 =	rddreg [dreg:$0x7];
	s9 =	srdreg.scid;
	s8 =	simm.s32 $0x0  }
0x6: {  	s0 =	stileid.u32;
	s14 =	simm.s32 $0x2;
	s15 =	simm.s32 $0x80  }
0x7: {  	s16 =	simm.s32 $0x1;
	s17 =	simm.s32 $0x8800;
	s18 =	simm.s32 $0x8880  }
0x8: {  	s19 =	simm.s32 $0x8900;
	s9 =	sand.u32 $0x1, s9;
	s11 =	sshll.u32 s0, $0x1  }
0x9: {  	s1 =	simm.s32 $0x0;
	s10 =	ssub.s32 $0x2, s9;
	s11 =	sor.u32 s9, s11  }
0xa: {  	s12 =	sshrl.u32 s10, $0x1;
	s9 =	sshll.u32 s11, $0x9;
	s11 =	sshll.u32 s11, $0x1  }
0xb: {  	[smem:$0x7FF] =	sst s8;
	s10 =	ssub.s32 s10, s12;
	s30 =	sadd.s32 s7, s11  }
0xc: {  	_ =	strace $0x80000047;
	[dreg:$0x9] =	wrdreg s30;
	s31 =	smax.u32 s10, $0x1  }
0xd: {  	s13 =	sadd.s32 $0xD5FF8, s2;
	s12 =	sadd.s32 $0x7A1B6B, s2;
	[dreg:$0xa] =	wrdreg s31  }
.LBB2_1:
0xe: {  	[dreg:$0xb] =	wrdreg s1;
	v0 =	vimm.f32 $0.0e+00;
	s22 =	simm.s32 $0x0  }
.LBB2_2:
0xf: {  	s25 =	sshll.u32 s22, $0x7  }
0x10: {  	s2 =	sadd.s32 s9, s25  }
0x11: {  	s0 =	rddreg [dreg:$0x0];
	s23 =	sshrl.u32 s2, $0x3  }
0x12: {  	s24 =	simm.s32 $0x0;
	s2 =	sadd.s32 s0, s23  }
0x13: {  	[tilespmem:s25], [sflag:$0x2] =	stream.linear.gather [hbm4b:s2+s24], $0x80, $0x38;
	[tilespmem:$0x8990] =	vst v63  }
0x14: {  	_ =	swait.ge [sflag:s14], $0x80  }
0x15: {  	[sflag:s14] =	ssyncset.done $0x0  }
0x16: {  	[sflag:s14] =	ssyncadd.s32 $0xFFFFFF80  }
0x17: {  	s10 =	rddreg [dreg:$0x1]  }
0x18: {  	s26 =	sadd.s32 $0x200, s25;
	s11 =	sadd.s32 s10, s23  }
0x19: {  	[tilespmem:s26], [sflag:$0x2] =	stream.linear.gather [hbm4b:s11+s24], $0x80, $0x38;
	[tilespmem:$0x8990] =	vst v63  }
0x1a: {  	_ =	swait.ge [sflag:s14], $0x80  }
0x1b: {  	[sflag:s14] =	ssyncset.done $0x0  }
0x1c: {  	[sflag:s14] =	ssyncadd.s32 $0xFFFFFF80  }
0x1d: {  	s20 =	rddreg [dreg:$0x2]  }
0x1e: {  	s28 =	sadd.s32 $0x400, s25;
	s21 =	sadd.s32 s20, s23  }
0x1f: {  	[tilespmem:s28], [sflag:$0x2] =	stream.linear.gather [hbm4b:s21+s24], $0x80, $0x38;
	[tilespmem:$0x8990] =	vst v63  }
0x20: {  	_ =	swait.ge [sflag:s14], $0x80  }
0x21: {  	[sflag:s14] =	ssyncset.done $0x0  }
0x22: {  	s29 =	sadd.s32 $0x600, s25;
	s0 =	sadd.s32 s4, s23;
	[sflag:s14] =	ssyncadd.s32 $0xFFFFFF80  }
0x23: {  	[tilespmem:s29], [sflag:$0x2] =	stream.linear.gather [hbm4b:s0+s24], $0x80, $0x38;
	[tilespmem:$0x8990] =	vst v63  }
0x24: {  	_ =	swait.ge [sflag:s14], $0x80  }
0x25: {  	[sflag:s14] =	ssyncset.done $0x0  }
0x26: {  	s1 =	sadd.s32 $0xFFF2A608, s13;
	s7 =	simm.s32 $0x800;
	[sflag:s14] =	ssyncadd.s32 $0xFFFFFF80  }
0x27: {  	[tilespmem:s7], [sflag:$0x1] =	stream.indirect.gather [hbm4b:s1+s15], $0x1, s25, s15, $0xb8;
	[tilespmem:$0x8990] =	vst v63  }
0x28: {  	s3 =	simm.s32 $0x2800;
	s10 =	sadd.s32 $0xFFFFFC95, s12  }
0x29: {  	[tilespmem:s3], [sflag:$0x1] =	stream.indirect.gather [hbm4b:s10+s15], $0x1, s26, s15, $0xb8;
	[tilespmem:$0x8990] =	vst v63  }
0x2a: {  	s11 =	simm.s32 $0x4800  }
0x2b: {  	[tilespmem:s11], [sflag:$0x1] =	stream.indirect.gather [hbm4b:s1+s15], $0x1, s28, s15, $0xb8;
	[tilespmem:$0x8990] =	vst v63  }
0x2c: {  	s20 =	simm.s32 $0x6800  }
0x2d: {  	[tilespmem:s20], [sflag:$0x1] =	stream.indirect.gather [hbm4b:s1+s15], $0x1, s29, s15, $0xb8;
	[tilespmem:$0x8990] =	vst v63  }
0x2e: {  	s21 =	simm.s32 $0x880;
	s0 =	sadd.s32 $0xFFF48E50, s13  }
0x2f: {  	[tilespmem:s21], [sflag:$0x1] =	stream.indirect.gather [hbm4b:s0+s15], $0x1, s25, s15, $0xb8;
	[tilespmem:$0x8990] =	vst v63  }
0x30: {  	s3 =	sadd.s32 $0xFFFFFD12, s12;
	s1 =	simm.s32 $0x2880  }
0x31: {  	[tilespmem:s1], [sflag:$0x1] =	stream.indirect.gather [hbm4b:s3+s15], $0x1, s26, s15, $0xb8;
	[tilespmem:$0x8990] =	vst v63  }
0x32: {  	s11 =	simm.s32 $0x4880  }
0x33: {  	[tilespmem:s11], [sflag:$0x1] =	stream.indirect.gather [hbm4b:s0+s15], $0x1, s28, s15, $0xb8;
	[tilespmem:$0x8990] =	vst v63  }
0x34: {  	s20 =	simm.s32 $0x6880  }
0x35: {  	[tilespmem:s20], [sflag:$0x1] =	stream.indirect.gather [hbm4b:s0+s15], $0x1, s29, s15, $0xb8;
	[tilespmem:$0x8990] =	vst v63  }
0x36: {  	s21 =	simm.s32 $0x900;
	s0 =	sadd.s32 $0xFFF67698, s13  }
0x37: {  	[tilespmem:s21], [sflag:$0x1] =	stream.indirect.gather [hbm4b:s0+s15], $0x1, s25, s15, $0xb8;
	[tilespmem:$0x8990] =	vst v63  }
0x38: {  	s1 =	simm.s32 $0x2900;
	s3 =	sadd.s32 $0xFFFFFD8F, s12  }
0x39: {  	[tilespmem:s1], [sflag:$0x1] =	stream.indirect.gather [hbm4b:s3+s15], $0x1, s26, s15, $0xb8;
	[tilespmem:$0x8990] =	vst v63  }
0x3a: {  	s11 =	simm.s32 $0x4900  }
0x3b: {  	[tilespmem:s11], [sflag:$0x1] =	stream.indirect.gather [hbm4b:s0+s15], $0x1, s28, s15, $0xb8;
	[tilespmem:$0x8990] =	vst v63  }
0x3c: {  	s20 =	simm.s32 $0x6900  }
0x3d: {  	[tilespmem:s20], [sflag:$0x1] =	stream.indirect.gather [hbm4b:s0+s15], $0x1, s29, s15, $0xb8;
	[tilespmem:$0x8990] =	vst v63  }
0x3e: {  	s21 =	simm.s32 $0x980;
	s0 =	sadd.s32 $0xFFF85EE0, s13  }
0x3f: {  	[tilespmem:s21], [sflag:$0x1] =	stream.indirect.gather [hbm4b:s0+s15], $0x1, s25, s15, $0xb8;
	[tilespmem:$0x8990] =	vst v63  }
0x40: {  	s1 =	simm.s32 $0x2980;
	s3 =	sadd.s32 $0xFFFFFE0C, s12  }
0x41: {  	[tilespmem:s1], [sflag:$0x1] =	stream.indirect.gather [hbm4b:s3+s15], $0x1, s26, s15, $0xb8;
	[tilespmem:$0x8990] =	vst v63  }
0x42: {  	s11 =	simm.s32 $0x4980  }
0x43: {  	[tilespmem:s11], [sflag:$0x1] =	stream.indirect.gather [hbm4b:s0+s15], $0x1, s28, s15, $0xb8;
	[tilespmem:$0x8990] =	vst v63  }
0x44: {  	s20 =	simm.s32 $0x6980  }
0x45: {  	[tilespmem:s20], [sflag:$0x1] =	stream.indirect.gather [hbm4b:s0+s15], $0x1, s29, s15, $0xb8;
	[tilespmem:$0x8990] =	vst v63  }
0x46: {  	s21 =	simm.s32 $0xA00;
	s0 =	sadd.s32 $0xFFFA4728, s13  }
0x47: {  	[tilespmem:s21], [sflag:$0x1] =	stream.indirect.gather [hbm4b:s0+s15], $0x1, s25, s15, $0xb8;
	[tilespmem:$0x8990] =	vst v63  }
0x48: {  	s1 =	simm.s32 $0x2A00;
	s3 =	sadd.s32 $0xFFFFFE89, s12  }
0x49: {  	[tilespmem:s1], [sflag:$0x1] =	stream.indirect.gather [hbm4b:s3+s15], $0x1, s26, s15, $0xb8;
	[tilespmem:$0x8990] =	vst v63  }
0x4a: {  	s10 =	simm.s32 $0x4A00  }
0x4b: {  	[tilespmem:s10], [sflag:$0x1] =	stream.indirect.gather [hbm4b:s0+s15], $0x1, s28, s15, $0xb8;
	[tilespmem:$0x8990] =	vst v63  }
0x4c: {  	s11 =	simm.s32 $0x6A00  }
0x4d: {  	[tilespmem:s11], [sflag:$0x1] =	stream.indirect.gather [hbm4b:s0+s15], $0x1, s29, s15, $0xb8;
	[tilespmem:$0x8990] =	vst v63  }
0x4e: {  	s20 =	simm.s32 $0xA80;
	s21 =	sadd.s32 $0xFFFC2F70, s13  }
0x4f: {  	[tilespmem:s20], [sflag:$0x1] =	stream.indirect.gather [hbm4b:s21+s15], $0x1, s25, s15, $0xb8;
	[tilespmem:$0x8990] =	vst v63  }
0x50: {  	s1 =	sadd.s32 $0xFFFFFF06, s12;
	s0 =	simm.s32 $0x2A80  }
0x51: {  	[tilespmem:s0], [sflag:$0x1] =	stream.indirect.gather [hbm4b:s1+s15], $0x1, s26, s15, $0xb8;
	[tilespmem:$0x8990] =	vst v63  }
0x52: {  	s3 =	simm.s32 $0x4A80  }
0x53: {  	[tilespmem:s3], [sflag:$0x1] =	stream.indirect.gather [hbm4b:s21+s15], $0x1, s28, s15, $0xb8;
	[tilespmem:$0x8990] =	vst v63  }
0x54: {  	s10 =	simm.s32 $0x6A80  }
0x55: {  	[tilespmem:s10], [sflag:$0x1] =	stream.indirect.gather [hbm4b:s21+s15], $0x1, s29, s15, $0xb8;
	[tilespmem:$0x8990] =	vst v63  }
0x56: {  	s11 =	simm.s32 $0xB00;
	s20 =	sadd.s32 $0xFFFE17B8, s13  }
0x57: {  	[tilespmem:s11], [sflag:$0x1] =	stream.indirect.gather [hbm4b:s20+s15], $0x1, s25, s15, $0xb8;
	[tilespmem:$0x8990] =	vst v63  }
0x58: {  	s0 =	sadd.s32 $0xFFFFFF83, s12;
	s21 =	simm.s32 $0x2B00  }
0x59: {  	[tilespmem:s21], [sflag:$0x1] =	stream.indirect.gather [hbm4b:s0+s15], $0x1, s26, s15, $0xb8;
	[tilespmem:$0x8990] =	vst v63  }
0x5a: {  	s1 =	simm.s32 $0x4B00  }
0x5b: {  	[tilespmem:s1], [sflag:$0x1] =	stream.indirect.gather [hbm4b:s20+s15], $0x1, s28, s15, $0xb8;
	[tilespmem:$0x8990] =	vst v63  }
0x5c: {  	s3 =	simm.s32 $0x6B00  }
0x5d: {  	[tilespmem:s3], [sflag:$0x1] =	stream.indirect.gather [hbm4b:s20+s15], $0x1, s29, s15, $0xb8;
	[tilespmem:$0x8990] =	vst v63  }
0x5e: {  	s10 =	simm.s32 $0xB80  }
0x5f: {  	[tilespmem:s10], [sflag:$0x1] =	stream.indirect.gather [hbm4b:s13+s15], $0x1, s25, s15, $0xb8;
	[tilespmem:$0x8990] =	vst v63  }
0x60: {  	s11 =	simm.s32 $0x2B80  }
0x61: {  	[tilespmem:s11], [sflag:$0x1] =	stream.indirect.gather [hbm4b:s12+s15], $0x1, s26, s15, $0xb8;
	[tilespmem:$0x8990] =	vst v63  }
0x62: {  	s20 =	simm.s32 $0x4B80  }
0x63: {  	[tilespmem:s20], [sflag:$0x1] =	stream.indirect.gather [hbm4b:s13+s15], $0x1, s28, s15, $0xb8;
	[tilespmem:$0x8990] =	vst v63  }
0x64: {  	s21 =	simm.s32 $0x6B80  }
0x65: {  	[tilespmem:s21], [sflag:$0x1] =	stream.indirect.gather [hbm4b:s13+s15], $0x1, s29, s15, $0xb8;
	[tilespmem:$0x8990] =	vst v63  }
0x66: {  	_ =	swait.ge [sflag:s16], $0x80  }
0x67: {  	[sflag:s16] =	ssyncset.done $0x0  }
0x68: {  	[sflag:s16] =	ssyncadd.s32 $0xFFFFFF80  }
0x69: {  	_ =	swait.ge [sflag:s16], $0x80  }
0x6a: {  	[sflag:s16] =	ssyncset.done $0x0  }
0x6b: {  	[sflag:s16] =	ssyncadd.s32 $0xFFFFFF80  }
0x6c: {  	_ =	swait.ge [sflag:s16], $0x80  }
0x6d: {  	[sflag:s16] =	ssyncset.done $0x0  }
0x6e: {  	[sflag:s16] =	ssyncadd.s32 $0xFFFFFF80  }
0x6f: {  	_ =	swait.ge [sflag:s16], $0x80  }
0x70: {  	[sflag:s16] =	ssyncset.done $0x0  }
0x71: {  	[sflag:s16] =	ssyncadd.s32 $0xFFFFFF80  }
0x72: {  	_ =	swait.ge [sflag:s16], $0x80  }
0x73: {  	[sflag:s16] =	ssyncset.done $0x0  }
0x74: {  	[sflag:s16] =	ssyncadd.s32 $0xFFFFFF80  }
0x75: {  	_ =	swait.ge [sflag:s16], $0x80  }
0x76: {  	[sflag:s16] =	ssyncset.done $0x0  }
0x77: {  	[sflag:s16] =	ssyncadd.s32 $0xFFFFFF80  }
0x78: {  	_ =	swait.ge [sflag:s16], $0x80  }
0x79: {  	[sflag:s16] =	ssyncset.done $0x0  }
0x7a: {  	[sflag:s16] =	ssyncadd.s32 $0xFFFFFF80  }
0x7b: {  	_ =	swait.ge [sflag:s16], $0x80  }
0x7c: {  	[sflag:s16] =	ssyncset.done $0x0  }
0x7d: {  	[sflag:s16] =	ssyncadd.s32 $0xFFFFFF80  }
0x7e: {  	_ =	swait.ge [sflag:s16], $0x80  }
0x7f: {  	[sflag:s16] =	ssyncset.done $0x0  }
0x80: {  	[sflag:s16] =	ssyncadd.s32 $0xFFFFFF80  }
0x81: {  	_ =	swait.ge [sflag:s16], $0x80  }
0x82: {  	[sflag:s16] =	ssyncset.done $0x0  }
0x83: {  	[sflag:s16] =	ssyncadd.s32 $0xFFFFFF80  }
0x84: {  	_ =	swait.ge [sflag:s16], $0x80  }
0x85: {  	[sflag:s16] =	ssyncset.done $0x0  }
0x86: {  	[sflag:s16] =	ssyncadd.s32 $0xFFFFFF80  }
0x87: {  	_ =	swait.ge [sflag:s16], $0x80  }
0x88: {  	[sflag:s16] =	ssyncset.done $0x0  }
0x89: {  	[sflag:s16] =	ssyncadd.s32 $0xFFFFFF80  }
0x8a: {  	_ =	swait.ge [sflag:s16], $0x80  }
0x8b: {  	[sflag:s16] =	ssyncset.done $0x0  }
0x8c: {  	[sflag:s16] =	ssyncadd.s32 $0xFFFFFF80  }
0x8d: {  	_ =	swait.ge [sflag:s16], $0x80  }
0x8e: {  	[sflag:s16] =	ssyncset.done $0x0  }
0x8f: {  	[sflag:s16] =	ssyncadd.s32 $0xFFFFFF80  }
0x90: {  	_ =	swait.ge [sflag:s16], $0x80  }
0x91: {  	[sflag:s16] =	ssyncset.done $0x0  }
0x92: {  	[sflag:s16] =	ssyncadd.s32 $0xFFFFFF80  }
0x93: {  	_ =	swait.ge [sflag:s16], $0x80  }
0x94: {  	[sflag:s16] =	ssyncset.done $0x0  }
0x95: {  	[sflag:s16] =	ssyncadd.s32 $0xFFFFFF80  }
0x96: {  	_ =	swait.ge [sflag:s16], $0x80  }
0x97: {  	[sflag:s16] =	ssyncset.done $0x0  }
0x98: {  	[sflag:s16] =	ssyncadd.s32 $0xFFFFFF80  }
0x99: {  	_ =	swait.ge [sflag:s16], $0x80  }
0x9a: {  	[sflag:s16] =	ssyncset.done $0x0  }
0x9b: {  	[sflag:s16] =	ssyncadd.s32 $0xFFFFFF80  }
0x9c: {  	_ =	swait.ge [sflag:s16], $0x80  }
0x9d: {  	[sflag:s16] =	ssyncset.done $0x0  }
0x9e: {  	[sflag:s16] =	ssyncadd.s32 $0xFFFFFF80  }
0x9f: {  	_ =	swait.ge [sflag:s16], $0x80  }
0xa0: {  	[sflag:s16] =	ssyncset.done $0x0  }
0xa1: {  	[sflag:s16] =	ssyncadd.s32 $0xFFFFFF80  }
0xa2: {  	_ =	swait.ge [sflag:s16], $0x80  }
0xa3: {  	[sflag:s16] =	ssyncset.done $0x0  }
0xa4: {  	[sflag:s16] =	ssyncadd.s32 $0xFFFFFF80  }
0xa5: {  	_ =	swait.ge [sflag:s16], $0x80  }
0xa6: {  	[sflag:s16] =	ssyncset.done $0x0  }
0xa7: {  	[sflag:s16] =	ssyncadd.s32 $0xFFFFFF80  }
0xa8: {  	_ =	swait.ge [sflag:s16], $0x80  }
0xa9: {  	[sflag:s16] =	ssyncset.done $0x0  }
0xaa: {  	[sflag:s16] =	ssyncadd.s32 $0xFFFFFF80  }
0xab: {  	_ =	swait.ge [sflag:s16], $0x80  }
0xac: {  	[sflag:s16] =	ssyncset.done $0x0  }
0xad: {  	[sflag:s16] =	ssyncadd.s32 $0xFFFFFF80  }
0xae: {  	_ =	swait.ge [sflag:s16], $0x80  }
0xaf: {  	[sflag:s16] =	ssyncset.done $0x0  }
0xb0: {  	[sflag:s16] =	ssyncadd.s32 $0xFFFFFF80  }
0xb1: {  	_ =	swait.ge [sflag:s16], $0x80  }
0xb2: {  	[sflag:s16] =	ssyncset.done $0x0  }
0xb3: {  	[sflag:s16] =	ssyncadd.s32 $0xFFFFFF80  }
0xb4: {  	_ =	swait.ge [sflag:s16], $0x80  }
0xb5: {  	[sflag:s16] =	ssyncset.done $0x0  }
0xb6: {  	[sflag:s16] =	ssyncadd.s32 $0xFFFFFF80  }
0xb7: {  	_ =	swait.ge [sflag:s16], $0x80  }
0xb8: {  	[sflag:s16] =	ssyncset.done $0x0  }
0xb9: {  	[sflag:s16] =	ssyncadd.s32 $0xFFFFFF80  }
0xba: {  	_ =	swait.ge [sflag:s16], $0x80  }
0xbb: {  	[sflag:s16] =	ssyncset.done $0x0  }
0xbc: {  	[sflag:s16] =	ssyncadd.s32 $0xFFFFFF80  }
0xbd: {  	_ =	swait.ge [sflag:s16], $0x80  }
0xbe: {  	[sflag:s16] =	ssyncset.done $0x0  }
0xbf: {  	[sflag:s16] =	ssyncadd.s32 $0xFFFFFF80  }
0xc0: {  	_ =	swait.ge [sflag:s16], $0x80  }
0xc1: {  	[sflag:s16] =	ssyncset.done $0x0  }
0xc2: {  	s30 =	sadd.s32 $0xF4240, s13;
	s31 =	sadd.s32 $0x3E8, s12;
	[sflag:s16] =	ssyncadd.s32 $0xFFFFFF80  }
0xc3: {  	s2 =	sadd.s32 $0xFFF2A608, s30;
	s7 =	sadd.s32 $0xF4240, s30;
	_ =	swait.ge [sflag:s16], $0x80  }
0xc4: {  	s10 =	simm.s32 $0x2000;
	s11 =	simm.s32 $0x400;
	[sflag:s16] =	ssyncset.done $0x0  }
.LBB2_3:
0xc5: {  	s0 =	sadd.s32 $0xFFF2A608, s7  }
0xc6: {  	s21 =	sadd.s32 $0x800, s11;
	[sflag:s16] =	ssyncadd.s32 $0xFFFFFF80;
	s20 =	smov.u32 s10  }
0xc7: {  	[tilespmem:s21], [sflag:$0x1] =	stream.indirect.gather [hbm4b:s2+s15], $0x1, s25, s15, $0xb8;
	[tilespmem:$0x8990] =	vst v63  }
0xc8: {  	s1 =	sadd.s32 $0x2800, s11;
	s3 =	sadd.s32 $0xFFFFFC95, s31;
	s21 =	sadd.s32 $0x1000, s10  }
0xc9: {  	[tilespmem:s1], [sflag:$0x1] =	stream.indirect.gather [hbm4b:s3+s15], $0x1, s26, s15, $0xb8;
	[tilespmem:$0x8990] =	vst v63  }
0xca: {  	p0 =	sne.s32 s10, $0x7000;
	s1 =	sadd.s32 $0x4800, s11  }
0xcb: {  	[tilespmem:s1], [sflag:$0x1] =	stream.indirect.gather [hbm4b:s2+s15], $0x1, s28, s15, $0xb8;
	[tilespmem:$0x8990] =	vst v63  }
0xcc: {  	s1 =	sadd.s32 $0x6800, s11  }
0xcd: {  	[tilespmem:s1], [sflag:$0x1] =	stream.indirect.gather [hbm4b:s2+s15], $0x1, s29, s15, $0xb8;
	[tilespmem:$0x8990] =	vst v63  }
0xce: {  	s3 =	sadd.s32 $0xFFF48E50, s30;
	s1 =	sadd.s32 $0x880, s11;
	s2 =	smov.u32 s0  }
0xcf: {  	[tilespmem:s1], [sflag:$0x1] =	stream.indirect.gather [hbm4b:s3+s15], $0x1, s25, s15, $0xb8;
	[tilespmem:$0x8990] =	vst v63  }
0xd0: {  	s0 =	sadd.s32 $0x2880, s11;
	s1 =	sadd.s32 $0xFFFFFD12, s31  }
0xd1: {  	[tilespmem:s0], [sflag:$0x1] =	stream.indirect.gather [hbm4b:s1+s15], $0x1, s26, s15, $0xb8;
	[tilespmem:$0x8990] =	vst v63  }
0xd2: {  	s0 =	sadd.s32 $0x4880, s11  }
0xd3: {  	[tilespmem:s0], [sflag:$0x1] =	stream.indirect.gather [hbm4b:s3+s15], $0x1, s28, s15, $0xb8;
	[tilespmem:$0x8990] =	vst v63  }
0xd4: {  	s0 =	sadd.s32 $0x6880, s11  }
0xd5: {  	[tilespmem:s0], [sflag:$0x1] =	stream.indirect.gather [hbm4b:s3+s15], $0x1, s29, s15, $0xb8;
	[tilespmem:$0x8990] =	vst v63  }
0xd6: {  	s1 =	sadd.s32 $0xFFF67698, s30;
	s0 =	sadd.s32 $0x900, s11  }
0xd7: {  	[tilespmem:s0], [sflag:$0x1] =	stream.indirect.gather [hbm4b:s1+s15], $0x1, s25, s15, $0xb8;
	[tilespmem:$0x8990] =	vst v63  }
0xd8: {  	s3 =	sadd.s32 $0xFFFFFD8F, s31;
	s0 =	sadd.s32 $0x2900, s11  }
0xd9: {  	[tilespmem:s0], [sflag:$0x1] =	stream.indirect.gather [hbm4b:s3+s15], $0x1, s26, s15, $0xb8;
	[tilespmem:$0x8990] =	vst v63  }
0xda: {  	s0 =	sadd.s32 $0x4900, s11  }
0xdb: {  	[tilespmem:s0], [sflag:$0x1] =	stream.indirect.gather [hbm4b:s1+s15], $0x1, s28, s15, $0xb8;
	[tilespmem:$0x8990] =	vst v63  }
0xdc: {  	s0 =	sadd.s32 $0x6900, s11  }
0xdd: {  	[tilespmem:s0], [sflag:$0x1] =	stream.indirect.gather [hbm4b:s1+s15], $0x1, s29, s15, $0xb8;
	[tilespmem:$0x8990] =	vst v63  }
0xde: {  	s0 =	sadd.s32 $0x980, s11;
	s1 =	sadd.s32 $0xFFF85EE0, s30  }
0xdf: {  	[tilespmem:s0], [sflag:$0x1] =	stream.indirect.gather [hbm4b:s1+s15], $0x1, s25, s15, $0xb8;
	[tilespmem:$0x8990] =	vst v63  }
0xe0: {  	s3 =	sadd.s32 $0xFFFFFE0C, s31;
	s0 =	sadd.s32 $0x2980, s11  }
0xe1: {  	[tilespmem:s0], [sflag:$0x1] =	stream.indirect.gather [hbm4b:s3+s15], $0x1, s26, s15, $0xb8;
	[tilespmem:$0x8990] =	vst v63  }
0xe2: {  	s0 =	sadd.s32 $0x4980, s11  }
0xe3: {  	[tilespmem:s0], [sflag:$0x1] =	stream.indirect.gather [hbm4b:s1+s15], $0x1, s28, s15, $0xb8;
	[tilespmem:$0x8990] =	vst v63  }
0xe4: {  	s0 =	sadd.s32 $0x6980, s11  }
0xe5: {  	[tilespmem:s0], [sflag:$0x1] =	stream.indirect.gather [hbm4b:s1+s15], $0x1, s29, s15, $0xb8;
	[tilespmem:$0x8990] =	vst v63  }
0xe6: {  	s0 =	sadd.s32 $0xA00, s11;
	s1 =	sadd.s32 $0xFFFA4728, s30  }
0xe7: {  	[tilespmem:s0], [sflag:$0x1] =	stream.indirect.gather [hbm4b:s1+s15], $0x1, s25, s15, $0xb8;
	[tilespmem:$0x8990] =	vst v63  }
0xe8: {  	s3 =	sadd.s32 $0xFFFFFE89, s31;
	s0 =	sadd.s32 $0x2A00, s11  }
0xe9: {  	[tilespmem:s0], [sflag:$0x1] =	stream.indirect.gather [hbm4b:s3+s15], $0x1, s26, s15, $0xb8;
	[tilespmem:$0x8990] =	vst v63  }
0xea: {  	s0 =	sadd.s32 $0x4A00, s11  }
0xeb: {  	[tilespmem:s0], [sflag:$0x1] =	stream.indirect.gather [hbm4b:s1+s15], $0x1, s28, s15, $0xb8;
	[tilespmem:$0x8990] =	vst v63  }
0xec: {  	s0 =	sadd.s32 $0x6A00, s11  }
0xed: {  	[tilespmem:s0], [sflag:$0x1] =	stream.indirect.gather [hbm4b:s1+s15], $0x1, s29, s15, $0xb8;
	[tilespmem:$0x8990] =	vst v63  }
0xee: {  	s0 =	sadd.s32 $0xA80, s11;
	s1 =	sadd.s32 $0xFFFC2F70, s30  }
0xef: {  	[tilespmem:s0], [sflag:$0x1] =	stream.indirect.gather [hbm4b:s1+s15], $0x1, s25, s15, $0xb8;
	[tilespmem:$0x8990] =	vst v63  }
0xf0: {  	s3 =	sadd.s32 $0xFFFFFF06, s31;
	s0 =	sadd.s32 $0x2A80, s11  }
0xf1: {  	[tilespmem:s0], [sflag:$0x1] =	stream.indirect.gather [hbm4b:s3+s15], $0x1, s26, s15, $0xb8;
	[tilespmem:$0x8990] =	vst v63  }
0xf2: {  	s0 =	sadd.s32 $0x4A80, s11  }
0xf3: {  	[tilespmem:s0], [sflag:$0x1] =	stream.indirect.gather [hbm4b:s1+s15], $0x1, s28, s15, $0xb8;
	[tilespmem:$0x8990] =	vst v63  }
0xf4: {  	s0 =	sadd.s32 $0x6A80, s11  }
0xf5: {  	[tilespmem:s0], [sflag:$0x1] =	stream.indirect.gather [hbm4b:s1+s15], $0x1, s29, s15, $0xb8;
	[tilespmem:$0x8990] =	vst v63  }
0xf6: {  	s0 =	sadd.s32 $0xB00, s11;
	s1 =	sadd.s32 $0xFFFE17B8, s30  }
0xf7: {  	[tilespmem:s0], [sflag:$0x1] =	stream.indirect.gather [hbm4b:s1+s15], $0x1, s25, s15, $0xb8;
	[tilespmem:$0x8990] =	vst v63  }
0xf8: {  	s3 =	sadd.s32 $0xFFFFFF83, s31;
	s0 =	sadd.s32 $0x2B00, s11  }
0xf9: {  	[tilespmem:s0], [sflag:$0x1] =	stream.indirect.gather [hbm4b:s3+s15], $0x1, s26, s15, $0xb8;
	[tilespmem:$0x8990] =	vst v63  }
0xfa: {  	s0 =	sadd.s32 $0x4B00, s11  }
0xfb: {  	[tilespmem:s0], [sflag:$0x1] =	stream.indirect.gather [hbm4b:s1+s15], $0x1, s28, s15, $0xb8;
	[tilespmem:$0x8990] =	vst v63  }
0xfc: {  	s0 =	sadd.s32 $0x6B00, s11  }
0xfd: {  	[tilespmem:s0], [sflag:$0x1] =	stream.indirect.gather [hbm4b:s1+s15], $0x1, s29, s15, $0xb8;
	[tilespmem:$0x8990] =	vst v63  }
0xfe: {  	s0 =	sadd.s32 $0xB80, s11  }
0xff: {  	[tilespmem:s0], [sflag:$0x1] =	stream.indirect.gather [hbm4b:s30+s15], $0x1, s25, s15, $0xb8;
	[tilespmem:$0x8990] =	vst v63  }
0x100: {  	s0 =	sadd.s32 $0x2B80, s11  }
0x101: {  	[tilespmem:s0], [sflag:$0x1] =	stream.indirect.gather [hbm4b:s31+s15], $0x1, s26, s15, $0xb8;
	[tilespmem:$0x8990] =	vst v63  }
0x102: {  	s0 =	sadd.s32 $0x4B80, s11  }
0x103: {  	[tilespmem:s0], [sflag:$0x1] =	stream.indirect.gather [hbm4b:s30+s15], $0x1, s28, s15, $0xb8;
	[tilespmem:$0x8990] =	vst v63  }
0x104: {  	s0 =	sadd.s32 $0x6B80, s11  }
0x105: {  	[tilespmem:s0], [sflag:$0x1] =	stream.indirect.gather [hbm4b:s30+s15], $0x1, s29, s15, $0xb8;
	[tilespmem:$0x8990] =	vst v63  }
0x106: {  	s30 =	smov.u32 s7;
	_ =	swait.ge [sflag:s16], $0x80  }
0x107: {  	[sflag:s16] =	ssyncset.done $0x0  }
0x108: {  	[sflag:s16] =	ssyncadd.s32 $0xFFFFFF80  }
0x109: {  	_ =	swait.ge [sflag:s16], $0x80  }
0x10a: {  	[sflag:s16] =	ssyncset.done $0x0  }
0x10b: {  	[sflag:s16] =	ssyncadd.s32 $0xFFFFFF80  }
0x10c: {  	_ =	swait.ge [sflag:s16], $0x80  }
0x10d: {  	[sflag:s16] =	ssyncset.done $0x0  }
0x10e: {  	[sflag:s16] =	ssyncadd.s32 $0xFFFFFF80  }
0x10f: {  	_ =	swait.ge [sflag:s16], $0x80  }
0x110: {  	[sflag:s16] =	ssyncset.done $0x0  }
0x111: {  	[sflag:s16] =	ssyncadd.s32 $0xFFFFFF80  }
0x112: {  	_ =	swait.ge [sflag:s16], $0x80  }
0x113: {  	[sflag:s16] =	ssyncset.done $0x0  }
0x114: {  	[sflag:s16] =	ssyncadd.s32 $0xFFFFFF80  }
0x115: {  	_ =	swait.ge [sflag:s16], $0x80  }
0x116: {  	[sflag:s16] =	ssyncset.done $0x0  }
0x117: {  	[sflag:s16] =	ssyncadd.s32 $0xFFFFFF80  }
0x118: {  	_ =	swait.ge [sflag:s16], $0x80  }
0x119: {  	[sflag:s16] =	ssyncset.done $0x0  }
0x11a: {  	[sflag:s16] =	ssyncadd.s32 $0xFFFFFF80  }
0x11b: {  	_ =	swait.ge [sflag:s16], $0x80  }
0x11c: {  	[sflag:s16] =	ssyncset.done $0x0  }
0x11d: {  	[sflag:s16] =	ssyncadd.s32 $0xFFFFFF80  }
0x11e: {  	_ =	swait.ge [sflag:s16], $0x80  }
0x11f: {  	[sflag:s16] =	ssyncset.done $0x0  }
0x120: {  	[sflag:s16] =	ssyncadd.s32 $0xFFFFFF80  }
0x121: {  	_ =	swait.ge [sflag:s16], $0x80  }
0x122: {  	[sflag:s16] =	ssyncset.done $0x0  }
0x123: {  	[sflag:s16] =	ssyncadd.s32 $0xFFFFFF80  }
0x124: {  	_ =	swait.ge [sflag:s16], $0x80  }
0x125: {  	[sflag:s16] =	ssyncset.done $0x0  }
0x126: {  	[sflag:s16] =	ssyncadd.s32 $0xFFFFFF80  }
0x127: {  	_ =	swait.ge [sflag:s16], $0x80  }
0x128: {  	[sflag:s16] =	ssyncset.done $0x0  }
0x129: {  	[sflag:s16] =	ssyncadd.s32 $0xFFFFFF80  }
0x12a: {  	_ =	swait.ge [sflag:s16], $0x80  }
0x12b: {  	[sflag:s16] =	ssyncset.done $0x0  }
0x12c: {  	[sflag:s16] =	ssyncadd.s32 $0xFFFFFF80  }
0x12d: {  	_ =	swait.ge [sflag:s16], $0x80  }
0x12e: {  	[sflag:s16] =	ssyncset.done $0x0  }
0x12f: {  	[sflag:s16] =	ssyncadd.s32 $0xFFFFFF80  }
0x130: {  	_ =	swait.ge [sflag:s16], $0x80  }
0x131: {  	[sflag:s16] =	ssyncset.done $0x0  }
0x132: {  	[sflag:s16] =	ssyncadd.s32 $0xFFFFFF80  }
0x133: {  	_ =	swait.ge [sflag:s16], $0x80  }
0x134: {  	[sflag:s16] =	ssyncset.done $0x0  }
0x135: {  	[sflag:s16] =	ssyncadd.s32 $0xFFFFFF80  }
0x136: {  	_ =	swait.ge [sflag:s16], $0x80  }
0x137: {  	[sflag:s16] =	ssyncset.done $0x0  }
0x138: {  	[sflag:s16] =	ssyncadd.s32 $0xFFFFFF80  }
0x139: {  	_ =	swait.ge [sflag:s16], $0x80  }
0x13a: {  	[sflag:s16] =	ssyncset.done $0x0  }
0x13b: {  	[sflag:s16] =	ssyncadd.s32 $0xFFFFFF80  }
0x13c: {  	_ =	swait.ge [sflag:s16], $0x80  }
0x13d: {  	[sflag:s16] =	ssyncset.done $0x0  }
0x13e: {  	[sflag:s16] =	ssyncadd.s32 $0xFFFFFF80  }
0x13f: {  	_ =	swait.ge [sflag:s16], $0x80  }
0x140: {  	[sflag:s16] =	ssyncset.done $0x0  }
0x141: {  	[sflag:s16] =	ssyncadd.s32 $0xFFFFFF80  }
0x142: {  	_ =	swait.ge [sflag:s16], $0x80  }
0x143: {  	[sflag:s16] =	ssyncset.done $0x0  }
0x144: {  	[sflag:s16] =	ssyncadd.s32 $0xFFFFFF80  }
0x145: {  	_ =	swait.ge [sflag:s16], $0x80  }
0x146: {  	[sflag:s16] =	ssyncset.done $0x0  }
0x147: {  	[sflag:s16] =	ssyncadd.s32 $0xFFFFFF80  }
0x148: {  	_ =	swait.ge [sflag:s16], $0x80  }
0x149: {  	[sflag:s16] =	ssyncset.done $0x0  }
0x14a: {  	[sflag:s16] =	ssyncadd.s32 $0xFFFFFF80  }
0x14b: {  	_ =	swait.ge [sflag:s16], $0x80  }
0x14c: {  	[sflag:s16] =	ssyncset.done $0x0  }
0x14d: {  	[sflag:s16] =	ssyncadd.s32 $0xFFFFFF80  }
0x14e: {  	_ =	swait.ge [sflag:s16], $0x80  }
0x14f: {  	[sflag:s16] =	ssyncset.done $0x0  }
0x150: {  	[sflag:s16] =	ssyncadd.s32 $0xFFFFFF80  }
0x151: {  	_ =	swait.ge [sflag:s16], $0x80  }
0x152: {  	[sflag:s16] =	ssyncset.done $0x0  }
0x153: {  	[sflag:s16] =	ssyncadd.s32 $0xFFFFFF80  }
0x154: {  	_ =	swait.ge [sflag:s16], $0x80  }
0x155: {  	[sflag:s16] =	ssyncset.done $0x0  }
0x156: {  	[sflag:s16] =	ssyncadd.s32 $0xFFFFFF80  }
0x157: {  	_ =	swait.ge [sflag:s16], $0x80  }
0x158: {  	[sflag:s16] =	ssyncset.done $0x0  }
0x159: {  	[sflag:s16] =	ssyncadd.s32 $0xFFFFFF80  }
0x15a: {  	_ =	swait.ge [sflag:s16], $0x80  }
0x15b: {  	[sflag:s16] =	ssyncset.done $0x0  }
0x15c: {  	[sflag:s16] =	ssyncadd.s32 $0xFFFFFF80  }
0x15d: {  	_ =	swait.ge [sflag:s16], $0x80  }
0x15e: {  	[sflag:s16] =	ssyncset.done $0x0  }
0x15f: {  	[sflag:s16] =	ssyncadd.s32 $0xFFFFFF80  }
.Ltmp0:
0x160: {  	_ =	swait.ge [sflag:s16], $0x80;
	(pc) =	sbr.rel @p0 .LBB2_3-.Ltmp0, $4  }
0x161: {  	[sflag:s16] =	ssyncset.done $0x0  }
0x162: {  	[sflag:s16] =	ssyncadd.s32 $0xFFFFFF80  }
0x163: {  	s10 =	smov.u32 s21;
	s31 =	sadd.s32 $0x3E8, s31;
	_ =	swait.ge [sflag:s16], $0x80  }
0x164: {  	s11 =	sshra.s32 s20, $0x2;
	s7 =	sadd.s32 $0xF4240, s7;
	[sflag:s16] =	ssyncset.done $0x0  }
0x165: {  	s0 =	sadd.s32 $0x800, s11;
	[sflag:s16] =	ssyncadd.s32 $0xFFFFFF80  }
0x166: {  	[tilespmem:s0], [sflag:$0x1] =	stream.indirect.gather [hbm4b:s2+s15], $0x1, s25, s15, $0xb8;
	[tilespmem:$0x8990] =	vst v63  }
0x167: {  	s3 =	sadd.s32 $0x2800, s11;
	s1 =	sadd.s32 $0xFFFFFC95, s31  }
0x168: {  	[tilespmem:s3], [sflag:$0x1] =	stream.indirect.gather [hbm4b:s1+s15], $0x1, s26, s15, $0xb8;
	[tilespmem:$0x8990] =	vst v63  }
0x169: {  	s7 =	sadd.s32 $0x4800, s11  }
0x16a: {  	[tilespmem:s7], [sflag:$0x1] =	stream.indirect.gather [hbm4b:s2+s15], $0x1, s28, s15, $0xb8;
	[tilespmem:$0x8990] =	vst v63  }
0x16b: {  	s10 =	sadd.s32 $0x6800, s11  }
0x16c: {  	[tilespmem:s10], [sflag:$0x1] =	stream.indirect.gather [hbm4b:s2+s15], $0x1, s29, s15, $0xb8;
	[tilespmem:$0x8990] =	vst v63  }
0x16d: {  	s20 =	sadd.s32 $0x880, s11;
	s21 =	sadd.s32 $0xFFF48E50, s30  }
0x16e: {  	[tilespmem:s20], [sflag:$0x1] =	stream.indirect.gather [hbm4b:s21+s15], $0x1, s25, s15, $0xb8;
	[tilespmem:$0x8990] =	vst v63  }
0x16f: {  	s3 =	sadd.s32 $0xFFFFFD12, s31;
	s2 =	sadd.s32 $0x2880, s11  }
0x170: {  	[tilespmem:s2], [sflag:$0x1] =	stream.indirect.gather [hbm4b:s3+s15], $0x1, s26, s15, $0xb8;
	[tilespmem:$0x8990] =	vst v63  }
0x171: {  	s7 =	sadd.s32 $0x4880, s11  }
0x172: {  	[tilespmem:s7], [sflag:$0x1] =	stream.indirect.gather [hbm4b:s21+s15], $0x1, s28, s15, $0xb8;
	[tilespmem:$0x8990] =	vst v63  }
0x173: {  	s10 =	sadd.s32 $0x6880, s11  }
0x174: {  	[tilespmem:s10], [sflag:$0x1] =	stream.indirect.gather [hbm4b:s21+s15], $0x1, s29, s15, $0xb8;
	[tilespmem:$0x8990] =	vst v63  }
0x175: {  	s20 =	sadd.s32 $0x900, s11;
	s21 =	sadd.s32 $0xFFF67698, s30  }
0x176: {  	[tilespmem:s20], [sflag:$0x1] =	stream.indirect.gather [hbm4b:s21+s15], $0x1, s25, s15, $0xb8;
	[tilespmem:$0x8990] =	vst v63  }
0x177: {  	s2 =	sadd.s32 $0x2900, s11;
	s3 =	sadd.s32 $0xFFFFFD8F, s31  }
0x178: {  	[tilespmem:s2], [sflag:$0x1] =	stream.indirect.gather [hbm4b:s3+s15], $0x1, s26, s15, $0xb8;
	[tilespmem:$0x8990] =	vst v63  }
0x179: {  	s7 =	sadd.s32 $0x4900, s11  }
0x17a: {  	[tilespmem:s7], [sflag:$0x1] =	stream.indirect.gather [hbm4b:s21+s15], $0x1, s28, s15, $0xb8;
	[tilespmem:$0x8990] =	vst v63  }
0x17b: {  	s10 =	sadd.s32 $0x6900, s11  }
0x17c: {  	[tilespmem:s10], [sflag:$0x1] =	stream.indirect.gather [hbm4b:s21+s15], $0x1, s29, s15, $0xb8;
	[tilespmem:$0x8990] =	vst v63  }
0x17d: {  	s20 =	sadd.s32 $0x980, s11;
	s21 =	sadd.s32 $0xFFF85EE0, s30  }
0x17e: {  	[tilespmem:s20], [sflag:$0x1] =	stream.indirect.gather [hbm4b:s21+s15], $0x1, s25, s15, $0xb8;
	[tilespmem:$0x8990] =	vst v63  }
0x17f: {  	s2 =	sadd.s32 $0x2980, s11;
	s3 =	sadd.s32 $0xFFFFFE0C, s31  }
0x180: {  	[tilespmem:s2], [sflag:$0x1] =	stream.indirect.gather [hbm4b:s3+s15], $0x1, s26, s15, $0xb8;
	[tilespmem:$0x8990] =	vst v63  }
0x181: {  	s7 =	sadd.s32 $0x4980, s11  }
0x182: {  	[tilespmem:s7], [sflag:$0x1] =	stream.indirect.gather [hbm4b:s21+s15], $0x1, s28, s15, $0xb8;
	[tilespmem:$0x8990] =	vst v63  }
0x183: {  	s10 =	sadd.s32 $0x6980, s11  }
0x184: {  	[tilespmem:s10], [sflag:$0x1] =	stream.indirect.gather [hbm4b:s21+s15], $0x1, s29, s15, $0xb8;
	[tilespmem:$0x8990] =	vst v63  }
0x185: {  	s20 =	sadd.s32 $0xA00, s11;
	s21 =	sadd.s32 $0xFFFA4728, s30  }
0x186: {  	[tilespmem:s20], [sflag:$0x1] =	stream.indirect.gather [hbm4b:s21+s15], $0x1, s25, s15, $0xb8;
	[tilespmem:$0x8990] =	vst v63  }
0x187: {  	s2 =	sadd.s32 $0x2A00, s11;
	s3 =	sadd.s32 $0xFFFFFE89, s31  }
0x188: {  	[tilespmem:s2], [sflag:$0x1] =	stream.indirect.gather [hbm4b:s3+s15], $0x1, s26, s15, $0xb8;
	[tilespmem:$0x8990] =	vst v63  }
0x189: {  	s7 =	sadd.s32 $0x4A00, s11  }
0x18a: {  	[tilespmem:s7], [sflag:$0x1] =	stream.indirect.gather [hbm4b:s21+s15], $0x1, s28, s15, $0xb8;
	[tilespmem:$0x8990] =	vst v63  }
0x18b: {  	s10 =	sadd.s32 $0x6A00, s11  }
0x18c: {  	[tilespmem:s10], [sflag:$0x1] =	stream.indirect.gather [hbm4b:s21+s15], $0x1, s29, s15, $0xb8;
	[tilespmem:$0x8990] =	vst v63  }
0x18d: {  	s20 =	sadd.s32 $0xA80, s11;
	s21 =	sadd.s32 $0xFFFC2F70, s30  }
0x18e: {  	[tilespmem:s20], [sflag:$0x1] =	stream.indirect.gather [hbm4b:s21+s15], $0x1, s25, s15, $0xb8;
	[tilespmem:$0x8990] =	vst v63  }
0x18f: {  	s2 =	sadd.s32 $0x2A80, s11;
	s3 =	sadd.s32 $0xFFFFFF06, s31  }
0x190: {  	[tilespmem:s2], [sflag:$0x1] =	stream.indirect.gather [hbm4b:s3+s15], $0x1, s26, s15, $0xb8;
	[tilespmem:$0x8990] =	vst v63  }
0x191: {  	s7 =	sadd.s32 $0x4A80, s11  }
0x192: {  	[tilespmem:s7], [sflag:$0x1] =	stream.indirect.gather [hbm4b:s21+s15], $0x1, s28, s15, $0xb8;
	[tilespmem:$0x8990] =	vst v63  }
0x193: {  	s10 =	sadd.s32 $0x6A80, s11  }
0x194: {  	[tilespmem:s10], [sflag:$0x1] =	stream.indirect.gather [hbm4b:s21+s15], $0x1, s29, s15, $0xb8;
	[tilespmem:$0x8990] =	vst v63  }
0x195: {  	s20 =	sadd.s32 $0xB00, s11;
	s21 =	sadd.s32 $0xFFFE17B8, s30  }
0x196: {  	[tilespmem:s20], [sflag:$0x1] =	stream.indirect.gather [hbm4b:s21+s15], $0x1, s25, s15, $0xb8;
	[tilespmem:$0x8990] =	vst v63  }
0x197: {  	s3 =	sadd.s32 $0x2B00, s11;
	s7 =	sadd.s32 $0xFFFFFF83, s31  }
0x198: {  	[tilespmem:s3], [sflag:$0x1] =	stream.indirect.gather [hbm4b:s7+s15], $0x1, s26, s15, $0xb8;
	[tilespmem:$0x8990] =	vst v63  }
0x199: {  	s10 =	sadd.s32 $0x4B00, s11  }
0x19a: {  	[tilespmem:s10], [sflag:$0x1] =	stream.indirect.gather [hbm4b:s21+s15], $0x1, s28, s15, $0xb8;
	[tilespmem:$0x8990] =	vst v63  }
0x19b: {  	s20 =	sadd.s32 $0x6B00, s11  }
0x19c: {  	[tilespmem:s20], [sflag:$0x1] =	stream.indirect.gather [hbm4b:s21+s15], $0x1, s29, s15, $0xb8;
	[tilespmem:$0x8990] =	vst v63  }
0x19d: {  	s21 =	sadd.s32 $0xB80, s11  }
0x19e: {  	[tilespmem:s21], [sflag:$0x1] =	stream.indirect.gather [hbm4b:s30+s15], $0x1, s25, s15, $0xb8;
	[tilespmem:$0x8990] =	vst v63  }
0x19f: {  	s25 =	sadd.s32 $0x2B80, s11  }
0x1a0: {  	[tilespmem:s25], [sflag:$0x1] =	stream.indirect.gather [hbm4b:s31+s15], $0x1, s26, s15, $0xb8;
	[tilespmem:$0x8990] =	vst v63  }
0x1a1: {  	s26 =	sadd.s32 $0x4B80, s11  }
0x1a2: {  	[tilespmem:s26], [sflag:$0x1] =	stream.indirect.gather [hbm4b:s30+s15], $0x1, s28, s15, $0xb8;
	[tilespmem:$0x8990] =	vst v63  }
0x1a3: {  	s31 =	sadd.s32 $0x6B80, s11  }
0x1a4: {  	[tilespmem:s31], [sflag:$0x1] =	stream.indirect.gather [hbm4b:s30+s15], $0x1, s29, s15, $0xb8;
	[tilespmem:$0x8990] =	vst v63  }
0x1a5: {  	_ =	swait.ge [sflag:s16], $0x80  }
0x1a6: {  	[sflag:s16] =	ssyncset.done $0x0  }
0x1a7: {  	[sflag:s16] =	ssyncadd.s32 $0xFFFFFF80  }
0x1a8: {  	_ =	swait.ge [sflag:s16], $0x80  }
0x1a9: {  	[sflag:s16] =	ssyncset.done $0x0  }
0x1aa: {  	[sflag:s16] =	ssyncadd.s32 $0xFFFFFF80  }
0x1ab: {  	_ =	swait.ge [sflag:s16], $0x80  }
0x1ac: {  	[sflag:s16] =	ssyncset.done $0x0  }
0x1ad: {  	[sflag:s16] =	ssyncadd.s32 $0xFFFFFF80  }
0x1ae: {  	_ =	swait.ge [sflag:s16], $0x80  }
0x1af: {  	[sflag:s16] =	ssyncset.done $0x0  }
0x1b0: {  	[sflag:s16] =	ssyncadd.s32 $0xFFFFFF80  }
0x1b1: {  	_ =	swait.ge [sflag:s16], $0x80  }
0x1b2: {  	[sflag:s16] =	ssyncset.done $0x0  }
0x1b3: {  	[sflag:s16] =	ssyncadd.s32 $0xFFFFFF80  }
0x1b4: {  	_ =	swait.ge [sflag:s16], $0x80  }
0x1b5: {  	[sflag:s16] =	ssyncset.done $0x0  }
0x1b6: {  	[sflag:s16] =	ssyncadd.s32 $0xFFFFFF80  }
0x1b7: {  	_ =	swait.ge [sflag:s16], $0x80  }
0x1b8: {  	[sflag:s16] =	ssyncset.done $0x0  }
0x1b9: {  	[sflag:s16] =	ssyncadd.s32 $0xFFFFFF80  }
0x1ba: {  	_ =	swait.ge [sflag:s16], $0x80  }
0x1bb: {  	[sflag:s16] =	ssyncset.done $0x0  }
0x1bc: {  	[sflag:s16] =	ssyncadd.s32 $0xFFFFFF80  }
0x1bd: {  	_ =	swait.ge [sflag:s16], $0x80  }
0x1be: {  	[sflag:s16] =	ssyncset.done $0x0  }
0x1bf: {  	[sflag:s16] =	ssyncadd.s32 $0xFFFFFF80  }
0x1c0: {  	_ =	swait.ge [sflag:s16], $0x80  }
0x1c1: {  	[sflag:s16] =	ssyncset.done $0x0  }
0x1c2: {  	[sflag:s16] =	ssyncadd.s32 $0xFFFFFF80  }
0x1c3: {  	_ =	swait.ge [sflag:s16], $0x80  }
0x1c4: {  	[sflag:s16] =	ssyncset.done $0x0  }
0x1c5: {  	[sflag:s16] =	ssyncadd.s32 $0xFFFFFF80  }
0x1c6: {  	_ =	swait.ge [sflag:s16], $0x80  }
0x1c7: {  	[sflag:s16] =	ssyncset.done $0x0  }
0x1c8: {  	[sflag:s16] =	ssyncadd.s32 $0xFFFFFF80  }
0x1c9: {  	_ =	swait.ge [sflag:s16], $0x80  }
0x1ca: {  	[sflag:s16] =	ssyncset.done $0x0  }
0x1cb: {  	[sflag:s16] =	ssyncadd.s32 $0xFFFFFF80  }
0x1cc: {  	_ =	swait.ge [sflag:s16], $0x80  }
0x1cd: {  	[sflag:s16] =	ssyncset.done $0x0  }
0x1ce: {  	[sflag:s16] =	ssyncadd.s32 $0xFFFFFF80  }
0x1cf: {  	_ =	swait.ge [sflag:s16], $0x80  }
0x1d0: {  	[sflag:s16] =	ssyncset.done $0x0  }
0x1d1: {  	[sflag:s16] =	ssyncadd.s32 $0xFFFFFF80  }
0x1d2: {  	_ =	swait.ge [sflag:s16], $0x80  }
0x1d3: {  	[sflag:s16] =	ssyncset.done $0x0  }
0x1d4: {  	[sflag:s16] =	ssyncadd.s32 $0xFFFFFF80  }
0x1d5: {  	_ =	swait.ge [sflag:s16], $0x80  }
0x1d6: {  	[sflag:s16] =	ssyncset.done $0x0  }
0x1d7: {  	[sflag:s16] =	ssyncadd.s32 $0xFFFFFF80  }
0x1d8: {  	_ =	swait.ge [sflag:s16], $0x80  }
0x1d9: {  	[sflag:s16] =	ssyncset.done $0x0  }
0x1da: {  	[sflag:s16] =	ssyncadd.s32 $0xFFFFFF80  }
0x1db: {  	_ =	swait.ge [sflag:s16], $0x80  }
0x1dc: {  	[sflag:s16] =	ssyncset.done $0x0  }
0x1dd: {  	[sflag:s16] =	ssyncadd.s32 $0xFFFFFF80  }
0x1de: {  	_ =	swait.ge [sflag:s16], $0x80  }
0x1df: {  	[sflag:s16] =	ssyncset.done $0x0  }
0x1e0: {  	[sflag:s16] =	ssyncadd.s32 $0xFFFFFF80  }
0x1e1: {  	_ =	swait.ge [sflag:s16], $0x80  }
0x1e2: {  	[sflag:s16] =	ssyncset.done $0x0  }
0x1e3: {  	[sflag:s16] =	ssyncadd.s32 $0xFFFFFF80  }
0x1e4: {  	_ =	swait.ge [sflag:s16], $0x80  }
0x1e5: {  	[sflag:s16] =	ssyncset.done $0x0  }
0x1e6: {  	[sflag:s16] =	ssyncadd.s32 $0xFFFFFF80  }
0x1e7: {  	_ =	swait.ge [sflag:s16], $0x80  }
0x1e8: {  	[sflag:s16] =	ssyncset.done $0x0  }
0x1e9: {  	[sflag:s16] =	ssyncadd.s32 $0xFFFFFF80  }
0x1ea: {  	_ =	swait.ge [sflag:s16], $0x80  }
0x1eb: {  	[sflag:s16] =	ssyncset.done $0x0  }
0x1ec: {  	[sflag:s16] =	ssyncadd.s32 $0xFFFFFF80  }
0x1ed: {  	_ =	swait.ge [sflag:s16], $0x80  }
0x1ee: {  	[sflag:s16] =	ssyncset.done $0x0  }
0x1ef: {  	[sflag:s16] =	ssyncadd.s32 $0xFFFFFF80  }
0x1f0: {  	_ =	swait.ge [sflag:s16], $0x80  }
0x1f1: {  	[sflag:s16] =	ssyncset.done $0x0  }
0x1f2: {  	[sflag:s16] =	ssyncadd.s32 $0xFFFFFF80  }
0x1f3: {  	_ =	swait.ge [sflag:s16], $0x80  }
0x1f4: {  	[sflag:s16] =	ssyncset.done $0x0  }
0x1f5: {  	[sflag:s16] =	ssyncadd.s32 $0xFFFFFF80  }
0x1f6: {  	_ =	swait.ge [sflag:s16], $0x80  }
0x1f7: {  	[sflag:s16] =	ssyncset.done $0x0  }
0x1f8: {  	[sflag:s16] =	ssyncadd.s32 $0xFFFFFF80  }
0x1f9: {  	_ =	swait.ge [sflag:s16], $0x80  }
0x1fa: {  	[sflag:s16] =	ssyncset.done $0x0  }
0x1fb: {  	[sflag:s16] =	ssyncadd.s32 $0xFFFFFF80  }
0x1fc: {  	_ =	swait.ge [sflag:s16], $0x80  }
0x1fd: {  	[sflag:s16] =	ssyncset.done $0x0  }
0x1fe: {  	[sflag:s16] =	ssyncadd.s32 $0xFFFFFF80  }
0x1ff: {  	_ =	swait.ge [sflag:s16], $0x80  }
0x200: {  	[sflag:s16] =	ssyncset.done $0x0  }
0x201: {  	[sflag:s16] =	ssyncadd.s32 $0xFFFFFF80  }
0x202: {  	_ =	swait.ge [sflag:s16], $0x80  }
0x203: {  	s2 =	simm.s32 $0x800;
	s7 =	simm.s32 $0x4800;
	[sflag:s16] =	ssyncset.done $0x0  }
0x204: {  	s10 =	simm.s32 $0x6800;
	s20 =	simm.s32 $0x2800;
	[sflag:s16] =	ssyncadd.s32 $0xFFFFFF80  }
.LBB2_5:
0x205: {  	v1 =	vmov s10  }
0x206: {  	v3 =	vmov s2  }
0x207: {  	v2 =	vmov s7;
	_ =	sdelay $0x1  }
0x208: {  	s0 =	simm.s32 $0x0  }
0x209: {  	v5 =	vld.idx.msk [tilespmem:v1+s0+$0x0 ss:$0x1], $0xffff  }
0x20a: {  	v7 =	vld.idx.msk [tilespmem:v3+s0+$0x0 ss:$0x1], $0xffff  }
0x20b: {  	v8 =	vld.idx.msk [tilespmem:v2+s0+$0x0 ss:$0x1], $0xffff  }
0x20c: {  	s25 =	sshll.u32 s24, $0x4;
	v4 =	vimm.f32 $0.0e+00;
	s11 =	simm.s32 $0x200;
	v9 =	vimm.f32 $0.0e+00;
	v6 =	vimm.f32 $0.0e+00  }
.LBB2_6:
0x20d: {  	s0 =	sshra.s32 s11, $0x2;
	p0 =	sne.s32 s11, $0x7E00;
	s11 =	sadd.s32 $0x200, s11  }
.Ltmp1:
0x20e: {  	v10 =	vmul.f32 v5, v5;
	v5 =	vld.idx.msk [tilespmem:v1+s0+$0x0 ss:$0x1], $0xffff;
	(pc) =	sbr.rel @p0 .LBB2_6-.Ltmp1, $4  }
0x20f: {  	v11 =	vmul.f32 v7, v7;
	v7 =	vld.idx.msk [tilespmem:v3+s0+$0x0 ss:$0x1], $0xffff  }
0x210: {  	v12 =	vmul.f32 v8, v8;
	v4 =	vadd.f32 v10, v4;
	v8 =	vld.idx.msk [tilespmem:v2+s0+$0x0 ss:$0x1], $0xffff  }
0x211: {  	v9 =	vadd.f32 v11, v9  }
0x212: {  	v6 =	vadd.f32 v12, v6  }
0x213: {  	_ = 	snop  }
0x214: {  	v7 =	vmul.f32 v7, v7  }
0x215: {  	v5 =	vmul.f32 v5, v5  }
0x216: {  	v8 =	vmul.f32 v8, v8;
	v7 =	vadd.f32 v7, v9  }
0x217: {  	v4 =	vadd.f32 v5, v4  }
0x218: {  	v6 =	vadd.f32 v8, v6;
	v7 =	vmax.f32 v7, $1.000000020e-24  }
0x219: {  	v4 =	vmax.f32 v4, $1.000000020e-24;
	v5 =	vshra.s32 v7, $0x1;
	v7 =	vmul.f32 $5.000000000e-01, v7  }
0x21a: {  	v9 =	vshra.s32 v4, $0x1;
	v5 =	vsub.s32 $0x5F3759DF, v5  }
0x21b: {  	v4 =	vmul.f32 $5.000000000e-01, v4;
	v6 =	vmax.f32 v6, $1.000000020e-24;
	v8 =	vmul.f32 v5, v7  }
0x21c: {  	v9 =	vsub.s32 $0x5F3759DF, v9;
	v10 =	vshra.s32 v6, $0x1;
	v6 =	vmul.f32 $5.000000000e-01, v6  }
0x21d: {  	v11 =	vmul.f32 v9, v4;
	v10 =	vsub.s32 $0x5F3759DF, v10;
	v8 =	vmul.f32 v5, v8  }
0x21e: {  	v12 =	vmul.f32 v10, v6  }
0x21f: {  	v11 =	vmul.f32 v9, v11;
	v8 =	vsub.f32 $1.500000000e+00, v8  }
0x220: {  	v12 =	vmul.f32 v10, v12  }
0x221: {  	v5 =	vmul.f32 v5, v8;
	v8 =	vsub.f32 $1.500000000e+00, v11  }
0x222: {  	v11 =	vsub.f32 $1.500000000e+00, v12  }
0x223: {  	v12 =	vmul.f32 v5, v7;
	v8 =	vmul.f32 v9, v8  }
0x224: {  	v9 =	vmul.f32 v10, v11  }
0x225: {  	v10 =	vmul.f32 v12, v5;
	v11 =	vmul.f32 v8, v4  }
0x226: {  	v12 =	vmul.f32 v9, v6  }
0x227: {  	v10 =	vsub.f32 $1.500000000e+00, v10;
	v11 =	vmul.f32 v11, v8  }
0x228: {  	v12 =	vmul.f32 v12, v9  }
0x229: {  	v10 =	vmul.f32 v10, v5;
	v11 =	vsub.f32 $1.500000000e+00, v11  }
0x22a: {  	v12 =	vsub.f32 $1.500000000e+00, v12  }
0x22b: {  	v5 =	vmov s20;
	v7 =	vmul.f32 v10, v7;
	v8 =	vmul.f32 v11, v8  }
0x22c: {  	v9 =	vmul.f32 v12, v9  }
0x22d: {  	s0 =	simm.s32 $0x0;
	v7 =	vmul.f32 v7, v10;
	v4 =	vmul.f32 v8, v4  }
0x22e: {  	v11 =	vld.idx.msk [tilespmem:v3+s0+$0x0 ss:$0x1], $0xffff;
	v6 =	vmul.f32 v9, v6  }
0x22f: {  	v13 =	vld.idx.msk [tilespmem:v1+s0+$0x0 ss:$0x1], $0xffff;
	v7 =	vsub.f32 $1.500000000e+00, v7;
	v4 =	vmul.f32 v4, v8  }
0x230: {  	v12 =	vld.idx.msk [tilespmem:v5+s0+$0x0 ss:$0x1], $0xffff;
	v6 =	vmul.f32 v6, v9  }
0x231: {  	v14 =	vld.idx.msk [tilespmem:v2+s0+$0x0 ss:$0x1], $0xffff;
	v7 =	vmul.f32 v7, v10;
	v4 =	vsub.f32 $1.500000000e+00, v4  }
0x232: {  	v6 =	vsub.f32 $1.500000000e+00, v6  }
0x233: {  	v4 =	vmul.f32 v4, v8;
	v8 =	vmul.f32 v11, v7  }
0x234: {  	s31 =	simm.s32 $0x80;
	v6 =	vmul.f32 v6, v9  }
0x235: {  	v10 =	vld.idx.msk [tilespmem:v3+s31+$0x0 ss:$0x1], $0xffff;
	v9 =	vmul.f32 v13, v4;
	v8 =	vadd.f32 v12, v8  }
0x236: {  	v13 =	vmul.f32 v14, v6  }
0x237: {  	v11 =	vsub.f32 v11, v14;
	v14 =	vsub.f32 v8, v9  }
0x238: {  	v15 =	vsub.f32 v12, v13;
	v13 =	vsub.f32 v8, v13;
	v8 =	vld.idx.msk [tilespmem:v5+s31+$0x0 ss:$0x1], $0xffff  }
0x239: {  	v19 =	vmul.f32 v14, v14;
	v14 =	vld.idx.msk [tilespmem:v1+s31+$0x0 ss:$0x1], $0xffff  }
0x23a: {  	v18 =	vmul.f32 v11, v11;
	v11 =	vld.idx.msk [tilespmem:v2+s31+$0x0 ss:$0x1], $0xffff;
	v20 =	vmul.f32 v10, v7  }
0x23b: {  	v12 =	vimm.f32 $0.0e+00;
	v16 =	vadd.f32 v9, v15;
	v17 =	vmul.f32 v13, v13  }
0x23c: {  	s11 =	simm.s32 $0x100;
	s26 =	simm.s32 $0x600;
	v15 =	vimm.f32 $0.0e+00;
	v13 =	vimm.f32 $0.0e+00;
	v9 =	vimm.f32 $0.0e+00  }
.LBB2_8:
0x23d: {  	p0 =	sne.s32 s26, $0x7E00;
	v21 =	vld.idx.msk [tilespmem:v3+s11+$0x0 ss:$0x1], $0xffff;
	v12 =	vadd.f32 v19, v12;
	v15 =	vadd.f32 v18, v15;
	v18 =	vmov v8  }
0x23e: {  	v22 =	vmul.f32 v14, v4;
	v8 =	vld.idx.msk [tilespmem:v5+s11+$0x0 ss:$0x1], $0xffff;
	v19 =	vadd.f32 v18, v20;
	v16 =	vmul.f32 v16, v16  }
.Ltmp2:
0x23f: {  	v20 =	vmul.f32 v11, v6;
	v10 =	vsub.f32 v10, v11;
	v13 =	vadd.f32 v17, v13;
	v14 =	vld.idx.msk [tilespmem:v1+s11+$0x0 ss:$0x1], $0xffff;
	(pc) =	sbr.rel @p0 .LBB2_8-.Ltmp2, $4  }
0x240: {  	v11 =	vld.idx.msk [tilespmem:v2+s11+$0x0 ss:$0x1], $0xffff;
	v17 =	vsub.f32 v19, v22;
	v9 =	vadd.f32 v16, v9  }
0x241: {  	v16 =	vsub.f32 v18, v20;
	v23 =	vsub.f32 v19, v20;
	v18 =	vmul.f32 v10, v10  }
0x242: {  	v19 =	vmul.f32 v17, v17  }
0x243: {  	s11 =	sshra.s32 s26, $0x2;
	s26 =	sadd.s32 $0x200, s26;
	v20 =	vmul.f32 v21, v7;
	v16 =	vadd.f32 v22, v16;
	v17 =	vmul.f32 v23, v23;
	v10 =	vmovc v21  }
0x244: {  	_ =	sdelay $0x3  }
0x245: {  	v3 =	vld.idx.msk [tilespmem:v3+s11+$0x0 ss:$0x1], $0xffff  }
0x246: {  	v2 =	vld.idx.msk [tilespmem:v2+s11+$0x0 ss:$0x1], $0xffff;
	v12 =	vadd.f32 v19, v12;
	v20 =	vadd.f32 v8, v20;
	v21 =	vmul.f32 v11, v6  }
0x247: {  	v5 =	vld.idx.msk [tilespmem:v5+s11+$0x0 ss:$0x1], $0xffff;
	v15 =	vadd.f32 v18, v15;
	v14 =	vmul.f32 v14, v4;
	v13 =	vadd.f32 v17, v13  }
0x248: {  	v1 =	vld.idx.msk [tilespmem:v1+s11+$0x0 ss:$0x1], $0xffff;
	v16 =	vmul.f32 v16, v16;
	v10 =	vsub.f32 v10, v11;
	v62 =	vsub.f32 v20, v21  }
0x249: {  	v22 =	vsub.f32 v20, v14;
	v23 =	vsub.f32 v8, v21  }
0x24a: {  	v9 =	vadd.f32 v16, v9;
	v10 =	vmul.f32 v10, v10;
	v7 =	vmul.f32 v3, v7  }
0x24b: {  	v63 =	vmul.f32 v2, v6;
	v18 =	vmul.f32 v62, v62;
	v8 =	vadd.f32 v14, v23  }
0x24c: {  	v25 =	vmul.f32 v22, v22;
	v2 =	vsub.f32 v3, v2;
	v7 =	vadd.f32 v5, v7  }
0x24d: {  	v1 =	vmul.f32 v1, v4;
	v34 =	vadd.f32 v10, v15;
	v27 =	vsub.f32 v5, v63  }
0x24e: {  	v13 =	vadd.f32 v18, v13;
	v29 =	vmul.f32 v8, v8;
	v24 =	vsub.f32 v7, v63  }
0x24f: {  	v2 =	vmul.f32 v2, v2;
	v3 =	vadd.f32 v1, v27;
	v1 =	vsub.f32 v7, v1  }
0x250: {  	v28 =	vadd.f32 v25, v12;
	v31 =	vadd.f32 v29, v9;
	v26 =	vmul.f32 v24, v24  }
0x251: {  	v2 =	vadd.f32 v2, v34;
	v3 =	vmul.f32 v3, v3;
	v1 =	vmul.f32 v1, v1  }
0x252: {  	v30 =	vadd.f32 v26, v13  }
0x253: {  	v41 =	vmax.f32 v2, $1.000000000e-30;
	v3 =	vadd.f32 v3, v31;
	v1 =	vadd.f32 v1, v28  }
0x254: {  	v43 =	vshra.s32 v41, $0x1  }
0x255: {  	v32 =	vmax.f32 v30, $1.000000000e-30;
	v36 =	vmax.f32 v3, $1.000000000e-30;
	v38 =	vmax.f32 v1, $1.000000000e-30  }
0x256: {  	v33 =	vshra.s32 v32, $0x1;
	v6 =	vmul.f32 $5.000000000e-01, v32;
	v37 =	vshra.s32 v36, $0x1  }
0x257: {  	v5 =	vmul.f32 $5.000000000e-01, v36;
	v39 =	vshra.s32 v38, $0x1;
	v7 =	vsub.s32 $0x5F3759DF, v33  }
0x258: {  	v10 =	vmul.f32 $5.000000000e-01, v38;
	v9 =	vsub.s32 $0x5F3759DF, v37;
	v35 =	vmul.f32 v7, v6  }
0x259: {  	v13 =	vmul.f32 $5.000000000e-01, v41;
	v11 =	vsub.s32 $0x5F3759DF, v39;
	v40 =	vmul.f32 v9, v5  }
0x25a: {  	v15 =	vsub.s32 $0x5F3759DF, v43;
	v42 =	vmul.f32 v11, v10;
	v4 =	vmul.f32 v7, v35  }
0x25b: {  	v44 =	vmul.f32 v15, v13;
	v12 =	vmul.f32 v9, v40  }
0x25c: {  	v14 =	vmul.f32 v11, v42;
	v4 =	vsub.f32 $1.500000000e+00, v4  }
0x25d: {  	v47 =	vmul.f32 v15, v44;
	v45 =	vsub.f32 $1.500000000e+00, v12  }
0x25e: {  	v46 =	vsub.f32 $1.500000000e+00, v14;
	v4 =	vmul.f32 v7, v4  }
0x25f: {  	v50 =	vsub.f32 $1.500000000e+00, v47;
	v7 =	vmul.f32 v9, v45  }
0x260: {  	v49 =	vmul.f32 v11, v46;
	v48 =	vmul.f32 v4, v6  }
0x261: {  	v11 =	vmul.f32 v15, v50;
	v52 =	vmul.f32 v7, v5  }
0x262: {  	v53 =	vmul.f32 v49, v10;
	v51 =	vmul.f32 v48, v4  }
0x263: {  	v55 =	vmul.f32 v11, v13;
	v14 =	vmul.f32 v52, v7  }
0x264: {  	v54 =	vmul.f32 v53, v49;
	v12 =	vsub.f32 $1.500000000e+00, v51  }
0x265: {  	v58 =	vmul.f32 v55, v11;
	v56 =	vsub.f32 $1.500000000e+00, v14  }
0x266: {  	v57 =	vsub.f32 $1.500000000e+00, v54;
	v4 =	vmul.f32 v12, v4  }
0x267: {  	v59 =	vsub.f32 $1.500000000e+00, v58;
	v7 =	vmul.f32 v56, v7  }
0x268: {  	v9 =	vmul.f32 v57, v49;
	v6 =	vmul.f32 v4, v6  }
0x269: {  	v11 =	vmul.f32 v59, v11;
	v5 =	vmul.f32 v7, v5  }
0x26a: {  	v10 =	vmul.f32 v9, v10;
	v6 =	vmul.f32 v6, v4  }
0x26b: {  	v5 =	vmul.f32 v5, v7  }
0x26c: {  	v12 =	vmul.f32 v11, v13;
	v10 =	vmul.f32 v10, v9;
	v6 =	vsub.f32 $1.500000000e+00, v6  }
0x26d: {  	v5 =	vsub.f32 $1.500000000e+00, v5  }
0x26e: {  	v61 =	vmul.f32 v12, v11;
	v60 =	vsub.f32 $1.500000000e+00, v10;
	v4 =	vmul.f32 v6, v4  }
0x26f: {  	v5 =	vmul.f32 v5, v7  }
0x270: {  	s24 =	sadd.s32 $0x1, s24;
	v62 =	vsub.f32 $1.500000000e+00, v61;
	v6 =	vmul.f32 v60, v9;
	v4 =	vmul.f32 v4, v30  }
0x271: {  	p0 =	sne.s32 s24, $0x8;
	v3 =	vmul.f32 v5, v3  }
.Ltmp3:
0x272: {  	v63 =	vmul.f32 v62, v11;
	v1 =	vmul.f32 v6, v1;
	v4 =	vsub.f32 $0.0e+00, v4;
	(pc) =	sbr.rel @p0 .LBB2_5-.Ltmp3, $4  }
0x273: {  	v3 =	vsub.f32 $0.0e+00, v3  }
0x274: {  	v2 =	vmul.f32 v63, v2;
	v1 =	vsub.f32 $0.0e+00, v1;
	[tilespmem:s25+$0x8800] =	vst v4  }
0x275: {  	s2 =	sadd.s32 $0x10, s2;
	[tilespmem:s25+$0x8880] =	vst v3  }
0x276: {  	s7 =	sadd.s32 $0x10, s7;
	s10 =	sadd.s32 $0x10, s10;
	s20 =	sadd.s32 $0x10, s20;
	v0 =	vadd.f32 v2, v0;
	[tilespmem:s25+$0x8900] =	vst v1  }
0x277: {  	s0 =	sadd.s32 s5, s23  }
0x278: {  	[hbm4b:s0+s8] =	stream.linear.scatter [tilespmem:s17], [sflag:$0x2], $0x80, $0x38;
	[tilespmem:$0x8990] =	vst v63  }
0x279: {  	_ =	swait.ge [sflag:s14], $0x80  }
0x27a: {  	s30 =	sor.u32 $0x800, s23;
	[sflag:s14] =	ssyncset.done $0x0  }
0x27b: {  	s1 =	sadd.s32 s5, s30;
	[sflag:s14] =	ssyncadd.s32 $0xFFFFFF80  }
0x27c: {  	[hbm4b:s1+s8] =	stream.linear.scatter [tilespmem:s17], [sflag:$0x2], $0x80, $0x38;
	[tilespmem:$0x8990] =	vst v63  }
0x27d: {  	_ =	swait.ge [sflag:s14], $0x80  }
0x27e: {  	[sflag:s14] =	ssyncset.done $0x0  }
0x27f: {  	s31 =	sadd.s32 s6, s23;
	[sflag:s14] =	ssyncadd.s32 $0xFFFFFF80  }
0x280: {  	[hbm4b:s31+s8] =	stream.linear.scatter [tilespmem:s18], [sflag:$0x2], $0x80, $0x38;
	[tilespmem:$0x8990] =	vst v63  }
0x281: {  	s22 =	sadd.s32 $0x1, s22;
	_ =	swait.ge [sflag:s14], $0x80  }
0x282: {  	p0 =	sne.s32 s22, $0x4;
	[sflag:s14] =	ssyncset.done $0x0  }
.Ltmp4:
0x283: {  	s0 =	sadd.s32 s6, s30;
	[sflag:s14] =	ssyncadd.s32 $0xFFFFFF80;
	(pc) =	sbr.rel @p0 .LBB2_2-.Ltmp4, $4  }
0x284: {  	[hbm4b:s0+s8] =	stream.linear.scatter [tilespmem:s19], [sflag:$0x2], $0x80, $0x38;
	[tilespmem:$0x8990] =	vst v63  }
0x285: {  	_ =	swait.ge [sflag:s14], $0x80  }
0x286: {  	[sflag:s14] =	ssyncset.done $0x0  }
0x287: {  	[sflag:s14] =	ssyncadd.s32 $0xFFFFFF80  }
0x288: {  	[tilespmem:$0x8980] =	vst v0;
	s0 =	rddreg [dreg:$0x9];
	s1 =	simm.s32 $0x8980  }
0x289: {  	[hbm4b:s0+s8] =	stream.linear.scatter [tilespmem:s1], [sflag:$0x2], $0x10, $0x38;
	[tilespmem:$0x8990] =	vst v63  }
0x28a: {  	_ =	swait.ge [sflag:s14], $0x10  }
0x28b: {  	s30 =	rddreg [dreg:$0xb]  }
0x28c: {  	s31 =	rddreg [dreg:$0xa];
	s1 =	sadd.s32 $0x1, s30  }
0x28d: {  	p0 =	sne.s32 s1, s31  }
.Ltmp5:
0x28e: {  	_ = 	snop;
	(pc) =	sbr.rel @p0 .LBB2_1-.Ltmp5, $3  }
0x28f: {  	_ =	sdelay $0x1  }
0x290: {  	[sflag:s14] =	ssyncset.done $0x0  }
0x291: {  	[sflag:s14] =	ssyncadd.s32 $0xFFFFFFF0  }
0x292: {  	_ =	sfence.sel $0x180000  }
0x293: {  	[bflag:$0x0] =	sbarrier.arrive $0xFFFF  }
0x294: {  	_ =	strace $0x90000047  }
0x295: {  	s0 =	stileid.u32;
	[bflag:$0x2] =	sbarrier.arrive $0xFFFF  }
0x296: {  	p0 =	sne.s32 s0, $0x0;
	s0 =	rddreg [dreg:$0x8]  }
0x297: {  	s0 =	sadd.s32 @!p0 $0x100000, s0  }
0x298: {  	[sflag:s0] =	ssyncadd.tile.s32 @!p0 $0x1;
	_ =	shalt  }
.Lfunc_end2:
_tile_overlayer_lowered:
.L_overlay_start_2:
0x299: {  	(tag) =	ssettag $0x2  }
0x29a: {  	s0 =	rddreg [dreg:$0x0];
	s2 =	stileid.u32  }
0x29b: {  	s1 =	rddreg [dreg:$0x1];
	p0 =	sne.s32 s2, $0x0  }
0x29c: {  	s3 =	rddreg [dreg:$0x2];
	[bflag:$0x3] =	sbarrier.arrive $0xFFFF;
	s2 =	simm.s32 @!p0 $0x1C02  }
0x29d: {  	[timem:s3], [sflag:s2] =	dma.local @!p0 [hbm:s0], s1  }
0x29e: {  	s0 =	simm.s32 @!p0 $0x2  }
0x29f: {  	_ =	swait.ge @!p0 [sflag:s0], s1  }
0x2a0: {  	s1 =	ssub.s32 @!p0 $0x0, s1;
	[sflag:s0] =	ssyncset.done @!p0 $0x0  }
0x2a1: {  	[sflag:s0] =	ssyncadd.s32 @!p0 s1  }
0x2a2: {  	[bflag:$0x3] =	sbarrier.arrive $0xFFFF  }
0x2a3: {  	_ =	shalt  }

</sc_bundles>
